<compile_context>
chip_gen: v7x
topology: tpu7x:2x2x1
jax: 0.10.2.dev20260603
libtpu: 0.0.44.dev20260713+nightly
codegen_flags: <defaults>
</compile_context>

<pallas_src>
import functools
import jax
import jax.numpy as jnp
from jax import lax
from jax.experimental import pallas as pl
from jax.experimental.pallas import tpu as pltpu
from jax.experimental.pallas import tpu_sc as plsc

_A = 6.26
_KP = 64
_KN = 64
_N = 128 * 32768
_NW = 32
_SHARD = _N // _NW
_CHUNK = 16384
_NB = 2048
_BSHIFT = 19
_BOFF = 1008
_CCAP = 128
_MCAP = 96

_mesh = plsc.VectorSubcoreMesh(core_axis_name="c", subcore_axis_name="s")


def _wid():
    return lax.axis_index("s") * 2 + lax.axis_index("c")


def _bucket(key):
    b = lax.shift_right_logical(key, _BSHIFT) - _BOFF
    return jnp.clip(b, 0, _NB - 1)


@functools.partial(
    pl.kernel,
    mesh=_mesh,
    compiler_params=pltpu.CompilerParams(needs_layout_passes=False),
    out_type=(
        jax.ShapeDtypeStruct((_NW, _NB), jnp.int32),
        jax.ShapeDtypeStruct((_NW, _NB), jnp.int32),
        jax.ShapeDtypeStruct((_NW, 32), jnp.int32),
    ),
    scratch_types=[
        pltpu.VMEM((_CHUNK,), jnp.float32),
        pltpu.VMEM((_NB * 16,), jnp.int32),
        pltpu.VMEM((_NB * 16,), jnp.int32),
        pltpu.VMEM((_NB,), jnp.int32),
        pltpu.VMEM((_NB,), jnp.int32),
        pltpu.VMEM((32,), jnp.int32),
    ],
)
def _k1(x_hbm, hp_hbm, hn_hbm, cnt_hbm, chunk, hp, hn, rowp, rown, crow):
    w = _wid()
    base = w * _SHARD
    zero16 = jnp.zeros((16,), jnp.int32)
    ones = jnp.ones((16,), jnp.int32)
    lane = lax.iota(jnp.int32, 16)

    def zrow(i, _):
        hp[pl.ds(i * 16, 16)] = zero16
        hn[pl.ds(i * 16, 16)] = zero16
        return 0

    lax.fori_loop(0, _NB, zrow, 0)

    def chunk_body(c, carry):
        cp, cn = carry
        pltpu.sync_copy(x_hbm.at[pl.ds(base + c * _CHUNK, _CHUNK)], chunk)

        def vec_body(i, carry2):
            cp2, cn2 = carry2
            v = chunk[pl.ds(i * 16, 16)]
            bits = plsc.bitcast(v, jnp.int32)
            pos = v > 0.0
            neg = v < 0.0
            bp = _bucket(bits) * 16 + lane
            bn = _bucket(bits & jnp.int32(0x7FFFFFFF)) * 16 + lane
            plsc.addupdate_scatter(hp, [bp], ones, mask=pos)
            plsc.addupdate_scatter(hn, [bn], ones, mask=neg)
            cp2 = cp2 + jnp.where(pos, 1, 0).astype(jnp.int32)
            cn2 = cn2 + jnp.where(neg, 1, 0).astype(jnp.int32)
            return cp2, cn2

        return lax.fori_loop(0, _CHUNK // 16, vec_body, (cp, cn), unroll=4)

    cp, cn = lax.fori_loop(0, _SHARD // _CHUNK, chunk_body, (zero16, zero16))
    crow[pl.ds(0, 16)] = cp
    crow[pl.ds(16, 16)] = cn

    def fold(i, _):
        rows = i * 256 + lane * 16
        ap = jnp.zeros((16,), jnp.int32)
        an = jnp.zeros((16,), jnp.int32)
        for l in range(16):
            ap = ap + plsc.load_gather(hp, [rows + l])
            an = an + plsc.load_gather(hn, [rows + l])
        rowp[pl.ds(i * 16, 16)] = ap
        rown[pl.ds(i * 16, 16)] = an
        return 0

    lax.fori_loop(0, _NB // 16, fold, 0)
    pltpu.sync_copy(rowp, hp_hbm.at[w])
    pltpu.sync_copy(rown, hn_hbm.at[w])
    pltpu.sync_copy(crow, cnt_hbm.at[w])


@functools.partial(
    pl.kernel,
    mesh=_mesh,
    compiler_params=pltpu.CompilerParams(needs_layout_passes=False),
    out_type=(
        jax.ShapeDtypeStruct((_NW, _CCAP), jnp.int32),
        jax.ShapeDtypeStruct((_NW, _CCAP), jnp.int32),
        jax.ShapeDtypeStruct((_NW, _CCAP), jnp.int32),
        jax.ShapeDtypeStruct((_NW, _CCAP), jnp.int32),
    ),
    scratch_types=[
        pltpu.VMEM((_CHUNK,), jnp.float32),
        pltpu.VMEM((32,), jnp.int32),
        pltpu.VMEM((_CCAP,), jnp.int32),
        pltpu.VMEM((_CCAP,), jnp.int32),
        pltpu.VMEM((_CCAP,), jnp.int32),
        pltpu.VMEM((_CCAP,), jnp.int32),
    ],
)
def _k3(x_hbm, prm_hbm, kp_hbm, ip_hbm, kn_hbm, in_hbm,
        chunk, prm, kpv, ipv, knv, inv):
    w = _wid()
    base = w * _SHARD
    zero16 = jnp.zeros((16,), jnp.int32)
    lane = lax.iota(jnp.int32, 16)
    for b in range(_CCAP // 16):
        kpv[pl.ds(b * 16, 16)] = zero16
        ipv[pl.ds(b * 16, 16)] = zero16
        knv[pl.ds(b * 16, 16)] = zero16
        inv[pl.ds(b * 16, 16)] = zero16
    pltpu.sync_copy(prm_hbm, prm)
    bcut_p = prm[pl.ds(0, 16)]
    bcut_n = prm[pl.ds(16, 16)]

    def chunk_body(c, carry):
        pltpu.sync_copy(x_hbm.at[pl.ds(base + c * _CHUNK, _CHUNK)], chunk)

        def vec_body(i, carry2):
            wpp2, wpn2 = carry2
            v = chunk[pl.ds(i * 16, 16)]
            bits = plsc.bitcast(v, jnp.int32)
            pos = v > 0.0
            neg = v < 0.0
            key_n = bits & jnp.int32(0x7FFFFFFF)
            gi = base + c * _CHUNK + i * 16 + lane
            mp = pos & (_bucket(bits) >= bcut_p)
            mn = neg & (_bucket(key_n) >= bcut_n)
            op = jnp.minimum(wpp2, _CCAP - 16)
            on = jnp.minimum(wpn2, _CCAP - 16)
            plsc.store_compressed(kpv.at[pl.ds(op, 16)], bits, mask=mp)
            plsc.store_compressed(ipv.at[pl.ds(op, 16)], gi, mask=mp)
            plsc.store_compressed(knv.at[pl.ds(on, 16)], key_n, mask=mn)
            plsc.store_compressed(inv.at[pl.ds(on, 16)], gi, mask=mn)
            wpp2 = jnp.minimum(
                wpp2 + jnp.max(plsc.all_reduce_population_count(mp)),
                _CCAP - 16)
            wpn2 = jnp.minimum(
                wpn2 + jnp.max(plsc.all_reduce_population_count(mn)),
                _CCAP - 16)
            return wpp2, wpn2

        return lax.fori_loop(0, _CHUNK // 16, vec_body, carry, unroll=4)

    lax.fori_loop(0, _SHARD // _CHUNK, chunk_body,
                  (jnp.int32(0), jnp.int32(0)))
    pltpu.sync_copy(kpv, kp_hbm.at[w])
    pltpu.sync_copy(ipv, ip_hbm.at[w])
    pltpu.sync_copy(knv, kn_hbm.at[w])
    pltpu.sync_copy(inv, in_hbm.at[w])


@functools.partial(
    pl.kernel,
    mesh=_mesh,
    compiler_params=pltpu.CompilerParams(needs_layout_passes=False),
    out_type=(
        jax.ShapeDtypeStruct((_NW, _MCAP), jnp.int32),
        jax.ShapeDtypeStruct((_NW, _MCAP), jnp.int32),
        jax.ShapeDtypeStruct((_NW, 32), jnp.int32),
    ),
    scratch_types=[
        pltpu.VMEM((_CHUNK,), jnp.float32),
        pltpu.VMEM((64,), jnp.float32),
        pltpu.VMEM((_MCAP,), jnp.int32),
        pltpu.VMEM((_MCAP,), jnp.int32),
        pltpu.VMEM((32,), jnp.int32),
    ],
)
def _k5(x_hbm, prm_hbm, mp_hbm, mn_hbm, cnt_hbm, chunk, prm, mpv, mnv, crow):
    w = _wid()
    base = w * _SHARD
    zero16 = jnp.zeros((16,), jnp.int32)
    lane = lax.iota(jnp.int32, 16)
    for b in range(_MCAP // 16):
        mpv[pl.ds(b * 16, 16)] = zero16
        mnv[pl.ds(b * 16, 16)] = zero16
    pltpu.sync_copy(prm_hbm, prm)
    epos = prm[pl.ds(0, 16)]
    gcut = prm[pl.ds(16, 16)]
    eneg = prm[pl.ds(32, 16)]
    hcut = prm[pl.ds(48, 16)]

    def chunk_body(c, carry):
        pltpu.sync_copy(x_hbm.at[pl.ds(base + c * _CHUNK, _CHUNK)], chunk)

        def vec_body(i, carry2):
            wpp2, wpn2, cp2, cn2 = carry2
            v = chunk[pl.ds(i * 16, 16)]
            pos = v > 0.0
            neg = v < 0.0
            gi = base + c * _CHUNK + i * 16 + lane
            mp = pos & ((v + epos) == gcut)
            mn = neg & ((v + eneg) == hcut)
            op = jnp.minimum(wpp2, _MCAP - 16)
            on = jnp.minimum(wpn2, _MCAP - 16)
            plsc.store_compressed(mpv.at[pl.ds(op, 16)], gi, mask=mp)
            plsc.store_compressed(mnv.at[pl.ds(on, 16)], gi, mask=mn)
            cp2 = cp2 + jnp.where(mp, 1, 0).astype(jnp.int32)
            cn2 = cn2 + jnp.where(mn, 1, 0).astype(jnp.int32)
            wpp2 = jnp.minimum(
                wpp2 + jnp.max(plsc.all_reduce_population_count(mp)),
                _MCAP - 16)
            wpn2 = jnp.minimum(
                wpn2 + jnp.max(plsc.all_reduce_population_count(mn)),
                _MCAP - 16)
            return wpp2, wpn2, cp2, cn2

        return lax.fori_loop(0, _CHUNK // 16, vec_body, carry, unroll=4)

    _, _, cp, cn = lax.fori_loop(
        0, _SHARD // _CHUNK, chunk_body,
        (jnp.int32(0), jnp.int32(0), zero16, zero16))
    crow[pl.ds(0, 16)] = cp
    crow[pl.ds(16, 16)] = cn
    pltpu.sync_copy(mpv, mp_hbm.at[w])
    pltpu.sync_copy(mnv, mn_hbm.at[w])
    pltpu.sync_copy(crow, cnt_hbm.at[w])


def _k6_body(x_ref, pf_ref, pi_ref, o_ref):
    r = pl.program_id(0)
    x = x_ref[...]
    epos = pf_ref[0, 0]
    gcut = pf_ref[0, 1]
    eneg = pf_ref[0, 2]
    hcut = pf_ref[0, 3]
    condp = pf_ref[0, 4] > 0.0
    condn = pf_ref[0, 5] > 0.0
    idxcut = pi_ref[0, 0]
    kthn = pi_ref[0, 1]
    rows = x.shape[0]
    ridx = lax.broadcasted_iota(jnp.int32, x.shape, 0) + r * rows
    cidx = lax.broadcasted_iota(jnp.int32, x.shape, 1)
    gi = ridx * 1024 + cidx
    g = x + epos
    winp = (x > 0.0) & ((g > gcut) | ((g == gcut) & (gi <= idxcut)))
    outp = jnp.where(winp, g, 0.0)
    outn = jnp.where(gi == kthn, x + eneg, 0.0)
    out = jnp.where(x > 0.0, jnp.where(condp, outp, x),
                    jnp.where(x < 0.0, jnp.where(condn, outn, x), x))
    o_ref[...] = out


def _k6(x2d, pf, pi):
    rows = 256
    return pl.pallas_call(
        _k6_body,
        out_shape=jax.ShapeDtypeStruct(x2d.shape, jnp.float32),
        grid=(x2d.shape[0] // rows,),
        in_specs=[
            pl.BlockSpec((rows, 1024), lambda i: (i, 0)),
            pl.BlockSpec((8, 128), lambda i: (0, 0)),
            pl.BlockSpec((8, 128), lambda i: (0, 0)),
        ],
        out_specs=pl.BlockSpec((rows, 1024), lambda i: (i, 0)),
    )(x2d, pf, pi)


def _merge_top64(keys, idx, k):
    kf = keys.reshape(-1)
    jf = idx.reshape(-1)
    kv, p = lax.top_k(kf, k)
    return kv, jf[p]


def kernel(input):
    xf = jnp.ravel(input)
    histp, histn, counts = _k1(xf)
    num_pos = jnp.sum(counts[:, :16])
    num_neg = jnp.sum(counts[:, 16:])
    condp = num_pos > _KP
    condn = num_neg > _KN

    def cutoff(hist):
        h = jnp.sum(hist, axis=0)
        rev = jnp.cumsum(h[::-1])
        reach = rev >= _KP
        p = jnp.argmax(reach)
        return jnp.where(jnp.any(reach), _NB - 1 - p, 0).astype(jnp.int32)

    bp = cutoff(histp)
    bn = cutoff(histn)
    prm1 = jnp.concatenate([
        jnp.full((16,), bp, jnp.int32), jnp.full((16,), bn, jnp.int32)])
    ckp, cip, ckn, cin = _k3(xf, prm1)

    kp64, ip64 = _merge_top64(ckp, cip, _KP)
    kn64, in64 = _merge_top64(ckn, cin, _KN)
    v64 = lax.bitcast_convert_type(kp64[_KP - 1], jnp.float32)
    w64 = -lax.bitcast_convert_type(kn64[_KN - 1], jnp.float32)

    winm_p = jnp.zeros((_N,), bool).at[ip64].set(True)
    winm_n = jnp.zeros((_N,), bool).at[in64].set(True)
    S1 = jnp.sum(jnp.where((xf > 0) & (~winm_p), xf, 0.0))
    S2 = jnp.sum(jnp.where((xf < 0) & (~winm_n), -xf, 0.0))
    Epos = S1 * _A
    Eneg = S2 * _A * -1.0

    gcut = v64 + Epos
    hcut = w64 + Eneg
    vals64 = lax.bitcast_convert_type(kp64, jnp.float32)
    n_pos = _KP - jnp.sum((vals64 + Epos) > gcut)
    nvals64 = -lax.bitcast_convert_type(kn64, jnp.float32)
    n_neg = _KN - jnp.sum((nvals64 + Eneg) < hcut)

    prm2 = jnp.concatenate([
        jnp.full((16,), Epos, jnp.float32), jnp.full((16,), gcut, jnp.float32),
        jnp.full((16,), Eneg, jnp.float32), jnp.full((16,), hcut, jnp.float32)])
    midp, midn, mcnt = _k5(xf, prm2)

    def nth_index(members, cnts, n):
        c = jnp.cumsum(cnts)
        t = jnp.argmax(c >= n)
        prev = jnp.where(t > 0, c[jnp.maximum(t - 1, 0)], 0)
        r = jnp.clip(n - prev - 1, 0, _MCAP - 1)
        return members[t, r]

    cntp_t = jnp.sum(mcnt[:, :16], axis=1)
    cntn_t = jnp.sum(mcnt[:, 16:], axis=1)
    idxcut = nth_index(midp, cntp_t, n_pos)
    kthn = nth_index(midn, cntn_t, n_neg)

    pf = jnp.zeros((8, 128), jnp.float32).at[0, :6].set(
        jnp.stack([Epos, gcut, Eneg, hcut,
                   jnp.where(condp, 1.0, 0.0), jnp.where(condn, 1.0, 0.0)]))
    pi = jnp.zeros((8, 128), jnp.int32).at[0, :2].set(
        jnp.stack([jnp.where(condp, idxcut, -1),
                   jnp.where(condn, kthn, -1)]).astype(jnp.int32))
    out2d = _k6(xf.reshape(4096, 1024), pf, pi)
    return out2d.reshape(-1)

# --- scband reference (transcript-rebuilt; emitter-appended) ---
"""Pipeline reference for scband-kcompetitive-layer-60043642798719 (READ-ONLY COPY).

The authoritative reference and input builder live on the scoring server;
editing this copy changes nothing except your own understanding.
"""

import jax, jax.numpy as jnp
import numpy as np
import math

A = 6.26
K = 128


def setup_inputs(seed: int = 0) -> dict:
    key = jax.random.key(seed)
    inp = jax.random.normal(key, (128, 32768), dtype=jnp.float32)
    return {"input": inp}


def reference(input):
    x = jnp.ravel(input)
    n = x.shape[0]
    kp = math.ceil(K / 2)
    kn = math.floor(K / 2)
    # positive phase
    pos_mask = x > 0
    num_pos = jnp.sum(pos_mask)
    cond_pos = num_pos > kp
    # losers' energy: sum of positives excluding the kp largest positives
    pos_vals = jnp.where(pos_mask, x, -jnp.inf)
    _, top_pos_idx = jax.lax.top_k(pos_vals, kp)
    winner_mask = jnp.zeros(n, dtype=bool).at[top_pos_idx].set(True)
    m_epos = pos_mask & (~winner_mask)
    Epos = jnp.sum(jnp.where(m_epos, x, 0.0)) * A
    x_pos = jnp.where(pos_mask, x + Epos, x)
    # winners: top kp of the (modified) full input, as in torch.topk(input, kp)
    _, win_idx = jax.lax.top_k(x_pos, kp)
    pos_losers = jnp.ones(n, dtype=bool).at[win_idx].set(False)
    x_pos = jnp.where(pos_losers & pos_mask, 0.0, x_pos)
    x = jnp.where(cond_pos, x_pos, x)
    # negative phase
    neg_mask = x < 0
    num_neg = jnp.sum(neg_mask)
    if kn > 0:
        cond_neg = num_neg > kn
        # losers' energy: sum of |neg| excluding the kn largest magnitudes
        neg_mag = jnp.where(neg_mask, -x, -jnp.inf)
        _, top_neg_idx = jax.lax.top_k(neg_mag, kn)
        big_mask = jnp.zeros(n, dtype=bool).at[top_neg_idx].set(True)
        m_eneg = neg_mask & (~big_mask)
        Eneg = jnp.sum(jnp.where(m_eneg, -x, 0.0)) * A * -1.0
        x_neg = jnp.where(neg_mask, x + Eneg, x)
        # faithful to torch.kthvalue(input, kn)[1]: a SINGLE index (kn-th smallest, 1-indexed)
        kth_idx = jnp.argsort(x_neg)[kn - 1]
        neg_losers = jnp.ones(n, dtype=bool).at[kth_idx].set(False)
        x_neg = jnp.where(neg_losers & neg_mask, 0.0, x_neg)
        x = jnp.where(cond_neg, x_neg, x)
    return x

if __name__ == "__main__":
    import jax
    _d = setup_inputs()
    print(jax.jit(kernel)(*tuple(_d.values())))

</pallas_src>

<mosaic_0001>
#map = affine_map<(d0, d1) -> (0)>
#map1 = affine_map<(d0, d1) -> (0, 0)>
module attributes {stable_mosaic.version = 14 : i64} {
  func.func @_k1(%arg0: i32, %arg1: i32, %arg2: memref<4194304xf32, #tpu.memory_space<hbm>>, %arg3: memref<32x2048xi32, #tpu.memory_space<hbm>>, %arg4: memref<32x2048xi32, #tpu.memory_space<hbm>>, %arg5: memref<32x32xi32, #tpu.memory_space<hbm>>, %arg6: memref<16384xf32, #tpu.memory_space<vmem>>, %arg7: memref<32768xi32, #tpu.memory_space<vmem>>, %arg8: memref<32768xi32, #tpu.memory_space<vmem>>, %arg9: memref<2048xi32, #tpu.memory_space<vmem>>, %arg10: memref<2048xi32, #tpu.memory_space<vmem>>, %arg11: memref<32xi32, #tpu.memory_space<vmem>>) attributes {dimension_semantics = [#tpu.dimension_semantics<core_parallel>, #tpu.dimension_semantics<subcore_parallel>], iteration_bounds = array<i64: 2, 16>, scalar_prefetch = 0 : i64, scratch_operands = 6 : i64, tpu.core_type = #tpu.core_type<sc_vector_subcore>, window_params = [{transform_indices = #map}, {transform_indices = #map1}, {transform_indices = #map1}, {transform_indices = #map1}]} {
    %mul3A = arith.constant 2 : i32
    %mul3A_0 = arith.muli %arg1, %mul3A : i32
    %add3A = arith.addi %mul3A_0, %arg0 : i32
    %mul3A_1 = arith.constant 131072 : i32
    %mul3A_2 = arith.muli %add3A, %mul3A_1 : i32
    %broadcast_in_dim3A = arith.constant 0 : i32
    %broadcast_in_dim3A_3 = vector.broadcast %broadcast_in_dim3A : i32 to vector<16xi32>
    %broadcast_in_dim3A_4 = arith.constant 1 : i32
    %broadcast_in_dim3A_5 = vector.broadcast %broadcast_in_dim3A_4 : i32 to vector<16xi32>
    %iota3A = tpu.iota {dimensions = array<i32: 0>} : vector<16xi32>
    %scan3A = arith.constant 0 : i32
    %scan3A_6 = arith.constant 0 : i32
    %scan3A_7 = arith.constant 2048 : i32
    %scan3A_8 = arith.addi %scan3A_6, %scan3A_7 : i32
    %scan3A_9 = arith.constant 1 : i32
    %scan3A_10 = scf.for %scan3A_28 = %scan3A_6 to %scan3A_8 step %scan3A_9 iter_args(%scan3A_29 = %scan3A) -> (i32)  : i32 {
      %mul3A_30 = arith.constant 16 : i32
      %mul3A_31 = arith.muli %scan3A_28, %mul3A_30 : i32
      %swap3A_32 = arith.index_cast %mul3A_31 : i32 to index
      %swap3A_33 = tpu.vector_load %arg7[%swap3A_32] {strides = array<i32>} : memref<32768xi32, #tpu.memory_space<vmem>>, vector<16xi32>,
      tpu.vector_store %arg7[%swap3A_32], %broadcast_in_dim3A_3 {strides = array<i32>} : memref<32768xi32, #tpu.memory_space<vmem>>, vector<16xi32>,
      %mul3A_34 = arith.constant 16 : i32
      %mul3A_35 = arith.muli %scan3A_28, %mul3A_34 : i32
      %swap3A_36 = arith.index_cast %mul3A_35 : i32 to index
      %swap3A_37 = tpu.vector_load %arg8[%swap3A_36] {strides = array<i32>} : memref<32768xi32, #tpu.memory_space<vmem>>, vector<16xi32>,
      tpu.vector_store %arg8[%swap3A_36], %broadcast_in_dim3A_3 {strides = array<i32>} : memref<32768xi32, #tpu.memory_space<vmem>>, vector<16xi32>,
      %scan3A_38 = arith.constant 0 : i32
      scf.yield %scan3A_38 : i32
    }
    %scan3A_11 = arith.constant 2048 : i32
    %scan3A_12 = arith.constant 0 : i32
    %scan3A_13 = arith.constant 8 : i32
    %scan3A_14 = arith.addi %scan3A_12, %scan3A_13 : i32
    %scan3A_15 = arith.constant 1 : i32
    %scan3A_16:2 = scf.for %scan3A_28 = %scan3A_12 to %scan3A_14 step %scan3A_15 iter_args(%scan3A_29 = %broadcast_in_dim3A_3, %scan3A_30 = %broadcast_in_dim3A_3) -> (vector<16xi32>, vector<16xi32>)  : i32 {
      %mul3A_31 = arith.constant 16384 : i32
      %mul3A_32 = arith.muli %scan3A_28, %mul3A_31 : i32
      %add3A_33 = arith.addi %mul3A_2, %mul3A_32 : i32
      "tpu.region"() ({
        %run_scoped3A = tpu.sem_alloc : memref<!tpu.dma_semaphore, #tpu.memory_space<semaphore_mem>>
        %dma_start3A = tpu.memref_slice %arg2[%add3A_33] : memref<4194304xf32, #tpu.memory_space<hbm>> -> memref<16384xf32, #tpu.memory_space<hbm>>
        %dma_start3A_40 = tpu.memref_slice %arg2[%add3A_33] : memref<4194304xf32, #tpu.memory_space<hbm>> -> memref<16384xf32, #tpu.memory_space<hbm>>
        tpu.enqueue_dma source(%dma_start3A_40 : memref<16384xf32, #tpu.memory_space<hbm>>) target(%arg6 : memref<16384xf32, #tpu.memory_space<vmem>>) target_semaphore(%run_scoped3A : memref<!tpu.dma_semaphore, #tpu.memory_space<semaphore_mem>>)
        %dma_wait3A = tpu.memref_slice %arg2[%add3A_33] : memref<4194304xf32, #tpu.memory_space<hbm>> -> memref<16384xf32, #tpu.memory_space<hbm>>
        %dma_wait3A_41 = tpu.memref_slice %arg2[%add3A_33] : memref<4194304xf32, #tpu.memory_space<hbm>> -> memref<16384xf32, #tpu.memory_space<hbm>>
        tpu.wait_dma2 semaphore(%run_scoped3A : memref<!tpu.dma_semaphore, #tpu.memory_space<semaphore_mem>>) src(%dma_wait3A_41 : memref<16384xf32, #tpu.memory_space<hbm>>) dst(%arg6 : memref<16384xf32, #tpu.memory_space<vmem>>)
        tpu.yield
      }) : () -> ()
      %scan3A_34 = arith.constant 0 : i32
      %scan3A_35 = arith.constant 1024 : i32
      %scan3A_36 = arith.addi %scan3A_34, %scan3A_35 : i32
      %scan3A_37 = arith.constant 4 : i32
      %scan3A_38:2 = scf.for %scan3A_40 = %scan3A_34 to %scan3A_36 step %scan3A_37 iter_args(%scan3A_41 = %scan3A_29, %scan3A_42 = %scan3A_30) -> (vector<16xi32>, vector<16xi32>)  : i32 {
        %mul3A_43 = arith.constant 16 : i32
        %mul3A_44 = arith.muli %scan3A_40, %mul3A_43 : i32
        %get3A = arith.index_cast %mul3A_44 : i32 to index
        %get3A_45 = tpu.vector_load %arg6[%get3A] {strides = array<i32>} : memref<16384xf32, #tpu.memory_space<vmem>>, vector<16xf32>,
        %bitcast3A = vector.bitcast %get3A_45 : vector<16xf32> to vector<16xi32>
        %gt3A = arith.constant 0.000000e+00 : f32
        %gt3A_46 = vector.broadcast %gt3A : f32 to vector<16xf32>
        %gt3A_47 = arith.cmpf ogt, %get3A_45, %gt3A_46 : vector<16xf32>
        %lt3A = arith.constant 0.000000e+00 : f32
        %lt3A_48 = vector.broadcast %lt3A : f32 to vector<16xf32>
        %lt3A_49 = arith.cmpf olt, %get3A_45, %lt3A_48 : vector<16xf32>
        %shift_right_logical3A = arith.constant 19 : i32
        %shift_right_logical3A_50 = vector.broadcast %shift_right_logical3A : i32 to vector<16xi32>
        %shift_right_logical3A_51 = arith.shrui %bitcast3A, %shift_right_logical3A_50 : vector<16xi32>
        %sub3A = arith.constant 1008 : i32
        %sub3A_52 = vector.broadcast %sub3A : i32 to vector<16xi32>
        %sub3A_53 = arith.subi %shift_right_logical3A_51, %sub3A_52 : vector<16xi32>
        %jit3A = arith.constant 0 : i32
        %jit3A_54 = arith.constant 2047 : i32
        %max3A = vector.broadcast %jit3A : i32 to vector<16xi32>
        %max3A_55 = arith.maxsi %max3A, %sub3A_53 : vector<16xi32>
        %min3A = vector.broadcast %jit3A_54 : i32 to vector<16xi32>
        %min3A_56 = arith.minsi %min3A, %max3A_55 : vector<16xi32>
        %mul3A_57 = arith.constant 16 : i32
        %mul3A_58 = vector.broadcast %mul3A_57 : i32 to vector<16xi32>
        %mul3A_59 = arith.muli %min3A_56, %mul3A_58 : vector<16xi32>
        %add3A_60 = arith.addi %mul3A_59, %iota3A : vector<16xi32>
        %and3A = arith.constant 2147483647 : i32
        %and3A_61 = vector.broadcast %and3A : i32 to vector<16xi32>
        %and3A_62 = arith.andi %bitcast3A, %and3A_61 : vector<16xi32>
        %shift_right_logical3A_63 = arith.constant 19 : i32
        %shift_right_logical3A_64 = vector.broadcast %shift_right_logical3A_63 : i32 to vector<16xi32>
        %shift_right_logical3A_65 = arith.shrui %and3A_62, %shift_right_logical3A_64 : vector<16xi32>
        %sub3A_66 = arith.constant 1008 : i32
        %sub3A_67 = vector.broadcast %sub3A_66 : i32 to vector<16xi32>
        %sub3A_68 = arith.subi %shift_right_logical3A_65, %sub3A_67 : vector<16xi32>
        %jit3A_69 = arith.constant 0 : i32
        %jit3A_70 = arith.constant 2047 : i32
        %max3A_71 = vector.broadcast %jit3A_69 : i32 to vector<16xi32>
        %max3A_72 = arith.maxsi %max3A_71, %sub3A_68 : vector<16xi32>
        %min3A_73 = vector.broadcast %jit3A_70 : i32 to vector<16xi32>
        %min3A_74 = arith.minsi %min3A_73, %max3A_72 : vector<16xi32>
        %mul3A_75 = arith.constant 16 : i32
        %mul3A_76 = vector.broadcast %mul3A_75 : i32 to vector<16xi32>
        %mul3A_77 = arith.muli %min3A_74, %mul3A_76 : vector<16xi32>
        %add3A_78 = arith.addi %mul3A_77, %iota3A : vector<16xi32>
        tpu.vector_store_idx %arg7[%add3A_60], %broadcast_in_dim3A_5 masked %gt3A_47 {add = true} : memref<32768xi32, #tpu.memory_space<vmem>>[vector<16xi32>], vector<16xi32>, vector<16xi1>
        tpu.vector_store_idx %arg8[%add3A_78], %broadcast_in_dim3A_5 masked %lt3A_49 {add = true} : memref<32768xi32, #tpu.memory_space<vmem>>[vector<16xi32>], vector<16xi32>, vector<16xi1>
        %jit3A_79 = arith.constant 1 : i32
        %jit3A_80 = arith.constant 0 : i32
        %broadcast_in_dim3A_81 = vector.broadcast %jit3A_79 : i32 to vector<16xi32>
        %broadcast_in_dim3A_82 = vector.broadcast %jit3A_80 : i32 to vector<16xi32>
        %select_n3A = arith.select %gt3A_47, %broadcast_in_dim3A_81, %broadcast_in_dim3A_82 : vector<16xi1>, vector<16xi32>
        %add3A_83 = arith.addi %scan3A_41, %select_n3A : vector<16xi32>
        %jit3A_84 = arith.constant 1 : i32
        %jit3A_85 = arith.constant 0 : i32
        %broadcast_in_dim3A_86 = vector.broadcast %jit3A_84 : i32 to vector<16xi32>
        %broadcast_in_dim3A_87 = vector.broadcast %jit3A_85 : i32 to vector<16xi32>
        %select_n3A_88 = arith.select %lt3A_49, %broadcast_in_dim3A_86, %broadcast_in_dim3A_87 : vector<16xi1>, vector<16xi32>
        %add3A_89 = arith.addi %scan3A_42, %select_n3A_88 : vector<16xi32>
        %scan3A_90 = arith.constant 1 : i32
        %scan3A_91 = arith.addi %scan3A_40, %scan3A_90 : i32
        %mul3A_92 = arith.constant 16 : i32
        %mul3A_93 = arith.muli %scan3A_91, %mul3A_92 : i32
        %get3A_94 = arith.index_cast %mul3A_93 : i32 to index
        %get3A_95 = tpu.vector_load %arg6[%get3A_94] {strides = array<i32>} : memref<16384xf32, #tpu.memory_space<vmem>>, vector<16xf32>,
        %bitcast3A_96 = vector.bitcast %get3A_95 : vector<16xf32> to vector<16xi32>
        %gt3A_97 = arith.constant 0.000000e+00 : f32
        %gt3A_98 = vector.broadcast %gt3A_97 : f32 to vector<16xf32>
        %gt3A_99 = arith.cmpf ogt, %get3A_95, %gt3A_98 : vector<16xf32>
        %lt3A_100 = arith.constant 0.000000e+00 : f32
        %lt3A_101 = vector.broadcast %lt3A_100 : f32 to vector<16xf32>
        %lt3A_102 = arith.cmpf olt, %get3A_95, %lt3A_101 : vector<16xf32>
        %shift_right_logical3A_103 = arith.constant 19 : i32
        %shift_right_logical3A_104 = vector.broadcast %shift_right_logical3A_103 : i32 to vector<16xi32>
        %shift_right_logical3A_105 = arith.shrui %bitcast3A_96, %shift_right_logical3A_104 : vector<16xi32>
        %sub3A_106 = arith.constant 1008 : i32
        %sub3A_107 = vector.broadcast %sub3A_106 : i32 to vector<16xi32>
        %sub3A_108 = arith.subi %shift_right_logical3A_105, %sub3A_107 : vector<16xi32>
        %jit3A_109 = arith.constant 0 : i32
        %jit3A_110 = arith.constant 2047 : i32
        %max3A_111 = vector.broadcast %jit3A_109 : i32 to vector<16xi32>
        %max3A_112 = arith.maxsi %max3A_111, %sub3A_108 : vector<16xi32>
        %min3A_113 = vector.broadcast %jit3A_110 : i32 to vector<16xi32>
        %min3A_114 = arith.minsi %min3A_113, %max3A_112 : vector<16xi32>
        %mul3A_115 = arith.constant 16 : i32
        %mul3A_116 = vector.broadcast %mul3A_115 : i32 to vector<16xi32>
        %mul3A_117 = arith.muli %min3A_114, %mul3A_116 : vector<16xi32>
        %add3A_118 = arith.addi %mul3A_117, %iota3A : vector<16xi32>
        %and3A_119 = arith.constant 2147483647 : i32
        %and3A_120 = vector.broadcast %and3A_119 : i32 to vector<16xi32>
        %and3A_121 = arith.andi %bitcast3A_96, %and3A_120 : vector<16xi32>
        %shift_right_logical3A_122 = arith.constant 19 : i32
        %shift_right_logical3A_123 = vector.broadcast %shift_right_logical3A_122 : i32 to vector<16xi32>
        %shift_right_logical3A_124 = arith.shrui %and3A_121, %shift_right_logical3A_123 : vector<16xi32>
        %sub3A_125 = arith.constant 1008 : i32
        %sub3A_126 = vector.broadcast %sub3A_125 : i32 to vector<16xi32>
        %sub3A_127 = arith.subi %shift_right_logical3A_124, %sub3A_126 : vector<16xi32>
        %jit3A_128 = arith.constant 0 : i32
        %jit3A_129 = arith.constant 2047 : i32
        %max3A_130 = vector.broadcast %jit3A_128 : i32 to vector<16xi32>
        %max3A_131 = arith.maxsi %max3A_130, %sub3A_127 : vector<16xi32>
        %min3A_132 = vector.broadcast %jit3A_129 : i32 to vector<16xi32>
        %min3A_133 = arith.minsi %min3A_132, %max3A_131 : vector<16xi32>
        %mul3A_134 = arith.constant 16 : i32
        %mul3A_135 = vector.broadcast %mul3A_134 : i32 to vector<16xi32>
        %mul3A_136 = arith.muli %min3A_133, %mul3A_135 : vector<16xi32>
        %add3A_137 = arith.addi %mul3A_136, %iota3A : vector<16xi32>
        tpu.vector_store_idx %arg7[%add3A_118], %broadcast_in_dim3A_5 masked %gt3A_99 {add = true} : memref<32768xi32, #tpu.memory_space<vmem>>[vector<16xi32>], vector<16xi32>, vector<16xi1>
        tpu.vector_store_idx %arg8[%add3A_137], %broadcast_in_dim3A_5 masked %lt3A_102 {add = true} : memref<32768xi32, #tpu.memory_space<vmem>>[vector<16xi32>], vector<16xi32>, vector<16xi1>
        %jit3A_138 = arith.constant 1 : i32
        %jit3A_139 = arith.constant 0 : i32
        %broadcast_in_dim3A_140 = vector.broadcast %jit3A_138 : i32 to vector<16xi32>
        %broadcast_in_dim3A_141 = vector.broadcast %jit3A_139 : i32 to vector<16xi32>
        %select_n3A_142 = arith.select %gt3A_99, %broadcast_in_dim3A_140, %broadcast_in_dim3A_141 : vector<16xi1>, vector<16xi32>
        %add3A_143 = arith.addi %add3A_83, %select_n3A_142 : vector<16xi32>
        %jit3A_144 = arith.constant 1 : i32
        %jit3A_145 = arith.constant 0 : i32
        %broadcast_in_dim3A_146 = vector.broadcast %jit3A_144 : i32 to vector<16xi32>
        %broadcast_in_dim3A_147 = vector.broadcast %jit3A_145 : i32 to vector<16xi32>
        %select_n3A_148 = arith.select %lt3A_102, %broadcast_in_dim3A_146, %broadcast_in_dim3A_147 : vector<16xi1>, vector<16xi32>
        %add3A_149 = arith.addi %add3A_89, %select_n3A_148 : vector<16xi32>
        %scan3A_150 = arith.constant 2 : i32
        %scan3A_151 = arith.addi %scan3A_40, %scan3A_150 : i32
        %mul3A_152 = arith.constant 16 : i32
        %mul3A_153 = arith.muli %scan3A_151, %mul3A_152 : i32
        %get3A_154 = arith.index_cast %mul3A_153 : i32 to index
        %get3A_155 = tpu.vector_load %arg6[%get3A_154] {strides = array<i32>} : memref<16384xf32, #tpu.memory_space<vmem>>, vector<16xf32>,
        %bitcast3A_156 = vector.bitcast %get3A_155 : vector<16xf32> to vector<16xi32>
        %gt3A_157 = arith.constant 0.000000e+00 : f32
        %gt3A_158 = vector.broadcast %gt3A_157 : f32 to vector<16xf32>
        %gt3A_159 = arith.cmpf ogt, %get3A_155, %gt3A_158 : vector<16xf32>
        %lt3A_160 = arith.constant 0.000000e+00 : f32
        %lt3A_161 = vector.broadcast %lt3A_160 : f32 to vector<16xf32>
        %lt3A_162 = arith.cmpf olt, %get3A_155, %lt3A_161 : vector<16xf32>
        %shift_right_logical3A_163 = arith.constant 19 : i32
        %shift_right_logical3A_164 = vector.broadcast %shift_right_logical3A_163 : i32 to vector<16xi32>
        %shift_right_logical3A_165 = arith.shrui %bitcast3A_156, %shift_right_logical3A_164 : vector<16xi32>
        %sub3A_166 = arith.constant 1008 : i32
        %sub3A_167 = vector.broadcast %sub3A_166 : i32 to vector<16xi32>
        %sub3A_168 = arith.subi %shift_right_logical3A_165, %sub3A_167 : vector<16xi32>
        %jit3A_169 = arith.constant 0 : i32
        %jit3A_170 = arith.constant 2047 : i32
        %max3A_171 = vector.broadcast %jit3A_169 : i32 to vector<16xi32>
        %max3A_172 = arith.maxsi %max3A_171, %sub3A_168 : vector<16xi32>
        %min3A_173 = vector.broadcast %jit3A_170 : i32 to vector<16xi32>
        %min3A_174 = arith.minsi %min3A_173, %max3A_172 : vector<16xi32>
        %mul3A_175 = arith.constant 16 : i32
        %mul3A_176 = vector.broadcast %mul3A_175 : i32 to vector<16xi32>
        %mul3A_177 = arith.muli %min3A_174, %mul3A_176 : vector<16xi32>
        %add3A_178 = arith.addi %mul3A_177, %iota3A : vector<16xi32>
        %and3A_179 = arith.constant 2147483647 : i32
        %and3A_180 = vector.broadcast %and3A_179 : i32 to vector<16xi32>
        %and3A_181 = arith.andi %bitcast3A_156, %and3A_180 : vector<16xi32>
        %shift_right_logical3A_182 = arith.constant 19 : i32
        %shift_right_logical3A_183 = vector.broadcast %shift_right_logical3A_182 : i32 to vector<16xi32>
        %shift_right_logical3A_184 = arith.shrui %and3A_181, %shift_right_logical3A_183 : vector<16xi32>
        %sub3A_185 = arith.constant 1008 : i32
        %sub3A_186 = vector.broadcast %sub3A_185 : i32 to vector<16xi32>
        %sub3A_187 = arith.subi %shift_right_logical3A_184, %sub3A_186 : vector<16xi32>
        %jit3A_188 = arith.constant 0 : i32
        %jit3A_189 = arith.constant 2047 : i32
        %max3A_190 = vector.broadcast %jit3A_188 : i32 to vector<16xi32>
        %max3A_191 = arith.maxsi %max3A_190, %sub3A_187 : vector<16xi32>
        %min3A_192 = vector.broadcast %jit3A_189 : i32 to vector<16xi32>
        %min3A_193 = arith.minsi %min3A_192, %max3A_191 : vector<16xi32>
        %mul3A_194 = arith.constant 16 : i32
        %mul3A_195 = vector.broadcast %mul3A_194 : i32 to vector<16xi32>
        %mul3A_196 = arith.muli %min3A_193, %mul3A_195 : vector<16xi32>
        %add3A_197 = arith.addi %mul3A_196, %iota3A : vector<16xi32>
        tpu.vector_store_idx %arg7[%add3A_178], %broadcast_in_dim3A_5 masked %gt3A_159 {add = true} : memref<32768xi32, #tpu.memory_space<vmem>>[vector<16xi32>], vector<16xi32>, vector<16xi1>
        tpu.vector_store_idx %arg8[%add3A_197], %broadcast_in_dim3A_5 masked %lt3A_162 {add = true} : memref<32768xi32, #tpu.memory_space<vmem>>[vector<16xi32>], vector<16xi32>, vector<16xi1>
        %jit3A_198 = arith.constant 1 : i32
        %jit3A_199 = arith.constant 0 : i32
        %broadcast_in_dim3A_200 = vector.broadcast %jit3A_198 : i32 to vector<16xi32>
        %broadcast_in_dim3A_201 = vector.broadcast %jit3A_199 : i32 to vector<16xi32>
        %select_n3A_202 = arith.select %gt3A_159, %broadcast_in_dim3A_200, %broadcast_in_dim3A_201 : vector<16xi1>, vector<16xi32>
        %add3A_203 = arith.addi %add3A_143, %select_n3A_202 : vector<16xi32>
        %jit3A_204 = arith.constant 1 : i32
        %jit3A_205 = arith.constant 0 : i32
        %broadcast_in_dim3A_206 = vector.broadcast %jit3A_204 : i32 to vector<16xi32>
        %broadcast_in_dim3A_207 = vector.broadcast %jit3A_205 : i32 to vector<16xi32>
        %select_n3A_208 = arith.select %lt3A_162, %broadcast_in_dim3A_206, %broadcast_in_dim3A_207 : vector<16xi1>, vector<16xi32>
        %add3A_209 = arith.addi %add3A_149, %select_n3A_208 : vector<16xi32>
        %scan3A_210 = arith.constant 3 : i32
        %scan3A_211 = arith.addi %scan3A_40, %scan3A_210 : i32
        %mul3A_212 = arith.constant 16 : i32
        %mul3A_213 = arith.muli %scan3A_211, %mul3A_212 : i32
        %get3A_214 = arith.index_cast %mul3A_213 : i32 to index
        %get3A_215 = tpu.vector_load %arg6[%get3A_214] {strides = array<i32>} : memref<16384xf32, #tpu.memory_space<vmem>>, vector<16xf32>,
        %bitcast3A_216 = vector.bitcast %get3A_215 : vector<16xf32> to vector<16xi32>
        %gt3A_217 = arith.constant 0.000000e+00 : f32
        %gt3A_218 = vector.broadcast %gt3A_217 : f32 to vector<16xf32>
        %gt3A_219 = arith.cmpf ogt, %get3A_215, %gt3A_218 : vector<16xf32>
        %lt3A_220 = arith.constant 0.000000e+00 : f32
        %lt3A_221 = vector.broadcast %lt3A_220 : f32 to vector<16xf32>
        %lt3A_222 = arith.cmpf olt, %get3A_215, %lt3A_221 : vector<16xf32>
        %shift_right_logical3A_223 = arith.constant 19 : i32
        %shift_right_logical3A_224 = vector.broadcast %shift_right_logical3A_223 : i32 to vector<16xi32>
        %shift_right_logical3A_225 = arith.shrui %bitcast3A_216, %shift_right_logical3A_224 : vector<16xi32>
        %sub3A_226 = arith.constant 1008 : i32
        %sub3A_227 = vector.broadcast %sub3A_226 : i32 to vector<16xi32>
        %sub3A_228 = arith.subi %shift_right_logical3A_225, %sub3A_227 : vector<16xi32>
        %jit3A_229 = arith.constant 0 : i32
        %jit3A_230 = arith.constant 2047 : i32
        %max3A_231 = vector.broadcast %jit3A_229 : i32 to vector<16xi32>
        %max3A_232 = arith.maxsi %max3A_231, %sub3A_228 : vector<16xi32>
        %min3A_233 = vector.broadcast %jit3A_230 : i32 to vector<16xi32>
        %min3A_234 = arith.minsi %min3A_233, %max3A_232 : vector<16xi32>
        %mul3A_235 = arith.constant 16 : i32
        %mul3A_236 = vector.broadcast %mul3A_235 : i32 to vector<16xi32>
        %mul3A_237 = arith.muli %min3A_234, %mul3A_236 : vector<16xi32>
        %add3A_238 = arith.addi %mul3A_237, %iota3A : vector<16xi32>
        %and3A_239 = arith.constant 2147483647 : i32
        %and3A_240 = vector.broadcast %and3A_239 : i32 to vector<16xi32>
        %and3A_241 = arith.andi %bitcast3A_216, %and3A_240 : vector<16xi32>
        %shift_right_logical3A_242 = arith.constant 19 : i32
        %shift_right_logical3A_243 = vector.broadcast %shift_right_logical3A_242 : i32 to vector<16xi32>
        %shift_right_logical3A_244 = arith.shrui %and3A_241, %shift_right_logical3A_243 : vector<16xi32>
        %sub3A_245 = arith.constant 1008 : i32
        %sub3A_246 = vector.broadcast %sub3A_245 : i32 to vector<16xi32>
        %sub3A_247 = arith.subi %shift_right_logical3A_244, %sub3A_246 : vector<16xi32>
        %jit3A_248 = arith.constant 0 : i32
        %jit3A_249 = arith.constant 2047 : i32
        %max3A_250 = vector.broadcast %jit3A_248 : i32 to vector<16xi32>
        %max3A_251 = arith.maxsi %max3A_250, %sub3A_247 : vector<16xi32>
        %min3A_252 = vector.broadcast %jit3A_249 : i32 to vector<16xi32>
        %min3A_253 = arith.minsi %min3A_252, %max3A_251 : vector<16xi32>
        %mul3A_254 = arith.constant 16 : i32
        %mul3A_255 = vector.broadcast %mul3A_254 : i32 to vector<16xi32>
        %mul3A_256 = arith.muli %min3A_253, %mul3A_255 : vector<16xi32>
        %add3A_257 = arith.addi %mul3A_256, %iota3A : vector<16xi32>
        tpu.vector_store_idx %arg7[%add3A_238], %broadcast_in_dim3A_5 masked %gt3A_219 {add = true} : memref<32768xi32, #tpu.memory_space<vmem>>[vector<16xi32>], vector<16xi32>, vector<16xi1>
        tpu.vector_store_idx %arg8[%add3A_257], %broadcast_in_dim3A_5 masked %lt3A_222 {add = true} : memref<32768xi32, #tpu.memory_space<vmem>>[vector<16xi32>], vector<16xi32>, vector<16xi1>
        %jit3A_258 = arith.constant 1 : i32
        %jit3A_259 = arith.constant 0 : i32
        %broadcast_in_dim3A_260 = vector.broadcast %jit3A_258 : i32 to vector<16xi32>
        %broadcast_in_dim3A_261 = vector.broadcast %jit3A_259 : i32 to vector<16xi32>
        %select_n3A_262 = arith.select %gt3A_219, %broadcast_in_dim3A_260, %broadcast_in_dim3A_261 : vector<16xi1>, vector<16xi32>
        %add3A_263 = arith.addi %add3A_203, %select_n3A_262 : vector<16xi32>
        %jit3A_264 = arith.constant 1 : i32
        %jit3A_265 = arith.constant 0 : i32
        %broadcast_in_dim3A_266 = vector.broadcast %jit3A_264 : i32 to vector<16xi32>
        %broadcast_in_dim3A_267 = vector.broadcast %jit3A_265 : i32 to vector<16xi32>
        %select_n3A_268 = arith.select %lt3A_222, %broadcast_in_dim3A_266, %broadcast_in_dim3A_267 : vector<16xi1>, vector<16xi32>
        %add3A_269 = arith.addi %add3A_209, %select_n3A_268 : vector<16xi32>
        scf.yield %add3A_263, %add3A_269 : vector<16xi32>, vector<16xi32>
      }
      %scan3A_39 = arith.constant 1024 : i32
      scf.yield %scan3A_38#0, %scan3A_38#1 : vector<16xi32>, vector<16xi32>
    }
    %scan3A_17 = arith.constant 8 : i32
    %swap3A = arith.constant 0 : index
    %swap3A_18 = tpu.vector_load %arg11[%swap3A] {strides = array<i32>} : memref<32xi32, #tpu.memory_space<vmem>>, vector<16xi32>,
    tpu.vector_store %arg11[%swap3A], %scan3A_16#0 {strides = array<i32>} : memref<32xi32, #tpu.memory_space<vmem>>, vector<16xi32>,
    %swap3A_19 = arith.constant 16 : index
    %swap3A_20 = tpu.vector_load %arg11[%swap3A_19] {strides = array<i32>} : memref<32xi32, #tpu.memory_space<vmem>>, vector<16xi32>,
    tpu.vector_store %arg11[%swap3A_19], %scan3A_16#1 {strides = array<i32>} : memref<32xi32, #tpu.memory_space<vmem>>, vector<16xi32>,
    %scan3A_21 = arith.constant 0 : i32
    %scan3A_22 = arith.constant 0 : i32
    %scan3A_23 = arith.constant 128 : i32
    %scan3A_24 = arith.addi %scan3A_22, %scan3A_23 : i32
    %scan3A_25 = arith.constant 1 : i32
    %scan3A_26 = scf.for %scan3A_28 = %scan3A_22 to %scan3A_24 step %scan3A_25 iter_args(%scan3A_29 = %scan3A_21) -> (i32)  : i32 {
      %mul3A_30 = arith.constant 256 : i32
      %mul3A_31 = arith.muli %scan3A_28, %mul3A_30 : i32
      %mul3A_32 = arith.constant 16 : i32
      %mul3A_33 = vector.broadcast %mul3A_32 : i32 to vector<16xi32>
      %mul3A_34 = arith.muli %iota3A, %mul3A_33 : vector<16xi32>
      %add3A_35 = vector.broadcast %mul3A_31 : i32 to vector<16xi32>
      %add3A_36 = arith.addi %add3A_35, %mul3A_34 : vector<16xi32>
      %broadcast_in_dim3A_37 = arith.constant 0 : i32
      %broadcast_in_dim3A_38 = vector.broadcast %broadcast_in_dim3A_37 : i32 to vector<16xi32>
      %broadcast_in_dim3A_39 = arith.constant 0 : i32
      %broadcast_in_dim3A_40 = vector.broadcast %broadcast_in_dim3A_39 : i32 to vector<16xi32>
      %add3A_41 = arith.constant 0 : i32
      %add3A_42 = vector.broadcast %add3A_41 : i32 to vector<16xi32>
      %add3A_43 = arith.addi %add3A_36, %add3A_42 : vector<16xi32>
      %gather3A = tpu.vector_load_idx %arg7[%add3A_43] : memref<32768xi32, #tpu.memory_space<vmem>>[vector<16xi32>], vector<16xi32>,
      %add3A_44 = arith.addi %broadcast_in_dim3A_38, %gather3A : vector<16xi32>
      %add3A_45 = arith.constant 0 : i32
      %add3A_46 = vector.broadcast %add3A_45 : i32 to vector<16xi32>
      %add3A_47 = arith.addi %add3A_36, %add3A_46 : vector<16xi32>
      %gather3A_48 = tpu.vector_load_idx %arg8[%add3A_47] : memref<32768xi32, #tpu.memory_space<vmem>>[vector<16xi32>], vector<16xi32>,
      %add3A_49 = arith.addi %broadcast_in_dim3A_40, %gather3A_48 : vector<16xi32>
      %add3A_50 = arith.constant 1 : i32
      %add3A_51 = vector.broadcast %add3A_50 : i32 to vector<16xi32>
      %add3A_52 = arith.addi %add3A_36, %add3A_51 : vector<16xi32>
      %gather3A_53 = tpu.vector_load_idx %arg7[%add3A_52] : memref<32768xi32, #tpu.memory_space<vmem>>[vector<16xi32>], vector<16xi32>,
      %add3A_54 = arith.addi %add3A_44, %gather3A_53 : vector<16xi32>
      %add3A_55 = arith.constant 1 : i32
      %add3A_56 = vector.broadcast %add3A_55 : i32 to vector<16xi32>
      %add3A_57 = arith.addi %add3A_36, %add3A_56 : vector<16xi32>
      %gather3A_58 = tpu.vector_load_idx %arg8[%add3A_57] : memref<32768xi32, #tpu.memory_space<vmem>>[vector<16xi32>], vector<16xi32>,
      %add3A_59 = arith.addi %add3A_49, %gather3A_58 : vector<16xi32>
      %add3A_60 = arith.constant 2 : i32
      %add3A_61 = vector.broadcast %add3A_60 : i32 to vector<16xi32>
      %add3A_62 = arith.addi %add3A_36, %add3A_61 : vector<16xi32>
      %gather3A_63 = tpu.vector_load_idx %arg7[%add3A_62] : memref<32768xi32, #tpu.memory_space<vmem>>[vector<16xi32>], vector<16xi32>,
      %add3A_64 = arith.addi %add3A_54, %gather3A_63 : vector<16xi32>
      %add3A_65 = arith.constant 2 : i32
      %add3A_66 = vector.broadcast %add3A_65 : i32 to vector<16xi32>
      %add3A_67 = arith.addi %add3A_36, %add3A_66 : vector<16xi32>
      %gather3A_68 = tpu.vector_load_idx %arg8[%add3A_67] : memref<32768xi32, #tpu.memory_space<vmem>>[vector<16xi32>], vector<16xi32>,
      %add3A_69 = arith.addi %add3A_59, %gather3A_68 : vector<16xi32>
      %add3A_70 = arith.constant 3 : i32
      %add3A_71 = vector.broadcast %add3A_70 : i32 to vector<16xi32>
      %add3A_72 = arith.addi %add3A_36, %add3A_71 : vector<16xi32>
      %gather3A_73 = tpu.vector_load_idx %arg7[%add3A_72] : memref<32768xi32, #tpu.memory_space<vmem>>[vector<16xi32>], vector<16xi32>,
      %add3A_74 = arith.addi %add3A_64, %gather3A_73 : vector<16xi32>
      %add3A_75 = arith.constant 3 : i32
      %add3A_76 = vector.broadcast %add3A_75 : i32 to vector<16xi32>
      %add3A_77 = arith.addi %add3A_36, %add3A_76 : vector<16xi32>
      %gather3A_78 = tpu.vector_load_idx %arg8[%add3A_77] : memref<32768xi32, #tpu.memory_space<vmem>>[vector<16xi32>], vector<16xi32>,
      %add3A_79 = arith.addi %add3A_69, %gather3A_78 : vector<16xi32>
      %add3A_80 = arith.constant 4 : i32
      %add3A_81 = vector.broadcast %add3A_80 : i32 to vector<16xi32>
      %add3A_82 = arith.addi %add3A_36, %add3A_81 : vector<16xi32>
      %gather3A_83 = tpu.vector_load_idx %arg7[%add3A_82] : memref<32768xi32, #tpu.memory_space<vmem>>[vector<16xi32>], vector<16xi32>,
      %add3A_84 = arith.addi %add3A_74, %gather3A_83 : vector<16xi32>
      %add3A_85 = arith.constant 4 : i32
      %add3A_86 = vector.broadcast %add3A_85 : i32 to vector<16xi32>
      %add3A_87 = arith.addi %add3A_36, %add3A_86 : vector<16xi32>
      %gather3A_88 = tpu.vector_load_idx %arg8[%add3A_87] : memref<32768xi32, #tpu.memory_space<vmem>>[vector<16xi32>], vector<16xi32>,
      %add3A_89 = arith.addi %add3A_79, %gather3A_88 : vector<16xi32>
      %add3A_90 = arith.constant 5 : i32
      %add3A_91 = vector.broadcast %add3A_90 : i32 to vector<16xi32>
      %add3A_92 = arith.addi %add3A_36, %add3A_91 : vector<16xi32>
      %gather3A_93 = tpu.vector_load_idx %arg7[%add3A_92] : memref<32768xi32, #tpu.memory_space<vmem>>[vector<16xi32>], vector<16xi32>,
      %add3A_94 = arith.addi %add3A_84, %gather3A_93 : vector<16xi32>
      %add3A_95 = arith.constant 5 : i32
      %add3A_96 = vector.broadcast %add3A_95 : i32 to vector<16xi32>
      %add3A_97 = arith.addi %add3A_36, %add3A_96 : vector<16xi32>
      %gather3A_98 = tpu.vector_load_idx %arg8[%add3A_97] : memref<32768xi32, #tpu.memory_space<vmem>>[vector<16xi32>], vector<16xi32>,
      %add3A_99 = arith.addi %add3A_89, %gather3A_98 : vector<16xi32>
      %add3A_100 = arith.constant 6 : i32
      %add3A_101 = vector.broadcast %add3A_100 : i32 to vector<16xi32>
      %add3A_102 = arith.addi %add3A_36, %add3A_101 : vector<16xi32>
      %gather3A_103 = tpu.vector_load_idx %arg7[%add3A_102] : memref<32768xi32, #tpu.memory_space<vmem>>[vector<16xi32>], vector<16xi32>,
      %add3A_104 = arith.addi %add3A_94, %gather3A_103 : vector<16xi32>
      %add3A_105 = arith.constant 6 : i32
      %add3A_106 = vector.broadcast %add3A_105 : i32 to vector<16xi32>
      %add3A_107 = arith.addi %add3A_36, %add3A_106 : vector<16xi32>
      %gather3A_108 = tpu.vector_load_idx %arg8[%add3A_107] : memref<32768xi32, #tpu.memory_space<vmem>>[vector<16xi32>], vector<16xi32>,
      %add3A_109 = arith.addi %add3A_99, %gather3A_108 : vector<16xi32>
      %add3A_110 = arith.constant 7 : i32
      %add3A_111 = vector.broadcast %add3A_110 : i32 to vector<16xi32>
      %add3A_112 = arith.addi %add3A_36, %add3A_111 : vector<16xi32>
      %gather3A_113 = tpu.vector_load_idx %arg7[%add3A_112] : memref<32768xi32, #tpu.memory_space<vmem>>[vector<16xi32>], vector<16xi32>,
      %add3A_114 = arith.addi %add3A_104, %gather3A_113 : vector<16xi32>
      %add3A_115 = arith.constant 7 : i32
      %add3A_116 = vector.broadcast %add3A_115 : i32 to vector<16xi32>
      %add3A_117 = arith.addi %add3A_36, %add3A_116 : vector<16xi32>
      %gather3A_118 = tpu.vector_load_idx %arg8[%add3A_117] : memref<32768xi32, #tpu.memory_space<vmem>>[vector<16xi32>], vector<16xi32>,
      %add3A_119 = arith.addi %add3A_109, %gather3A_118 : vector<16xi32>
      %add3A_120 = arith.constant 8 : i32
      %add3A_121 = vector.broadcast %add3A_120 : i32 to vector<16xi32>
      %add3A_122 = arith.addi %add3A_36, %add3A_121 : vector<16xi32>
      %gather3A_123 = tpu.vector_load_idx %arg7[%add3A_122] : memref<32768xi32, #tpu.memory_space<vmem>>[vector<16xi32>], vector<16xi32>,
      %add3A_124 = arith.addi %add3A_114, %gather3A_123 : vector<16xi32>
      %add3A_125 = arith.constant 8 : i32
      %add3A_126 = vector.broadcast %add3A_125 : i32 to vector<16xi32>
      %add3A_127 = arith.addi %add3A_36, %add3A_126 : vector<16xi32>
      %gather3A_128 = tpu.vector_load_idx %arg8[%add3A_127] : memref<32768xi32, #tpu.memory_space<vmem>>[vector<16xi32>], vector<16xi32>,
      %add3A_129 = arith.addi %add3A_119, %gather3A_128 : vector<16xi32>
      %add3A_130 = arith.constant 9 : i32
      %add3A_131 = vector.broadcast %add3A_130 : i32 to vector<16xi32>
      %add3A_132 = arith.addi %add3A_36, %add3A_131 : vector<16xi32>
      %gather3A_133 = tpu.vector_load_idx %arg7[%add3A_132] : memref<32768xi32, #tpu.memory_space<vmem>>[vector<16xi32>], vector<16xi32>,
      %add3A_134 = arith.addi %add3A_124, %gather3A_133 : vector<16xi32>
      %add3A_135 = arith.constant 9 : i32
      %add3A_136 = vector.broadcast %add3A_135 : i32 to vector<16xi32>
      %add3A_137 = arith.addi %add3A_36, %add3A_136 : vector<16xi32>
      %gather3A_138 = tpu.vector_load_idx %arg8[%add3A_137] : memref<32768xi32, #tpu.memory_space<vmem>>[vector<16xi32>], vector<16xi32>,
      %add3A_139 = arith.addi %add3A_129, %gather3A_138 : vector<16xi32>
      %add3A_140 = arith.constant 10 : i32
      %add3A_141 = vector.broadcast %add3A_140 : i32 to vector<16xi32>
      %add3A_142 = arith.addi %add3A_36, %add3A_141 : vector<16xi32>
      %gather3A_143 = tpu.vector_load_idx %arg7[%add3A_142] : memref<32768xi32, #tpu.memory_space<vmem>>[vector<16xi32>], vector<16xi32>,
      %add3A_144 = arith.addi %add3A_134, %gather3A_143 : vector<16xi32>
      %add3A_145 = arith.constant 10 : i32
      %add3A_146 = vector.broadcast %add3A_145 : i32 to vector<16xi32>
      %add3A_147 = arith.addi %add3A_36, %add3A_146 : vector<16xi32>
      %gather3A_148 = tpu.vector_load_idx %arg8[%add3A_147] : memref<32768xi32, #tpu.memory_space<vmem>>[vector<16xi32>], vector<16xi32>,
      %add3A_149 = arith.addi %add3A_139, %gather3A_148 : vector<16xi32>
      %add3A_150 = arith.constant 11 : i32
      %add3A_151 = vector.broadcast %add3A_150 : i32 to vector<16xi32>
      %add3A_152 = arith.addi %add3A_36, %add3A_151 : vector<16xi32>
      %gather3A_153 = tpu.vector_load_idx %arg7[%add3A_152] : memref<32768xi32, #tpu.memory_space<vmem>>[vector<16xi32>], vector<16xi32>,
      %add3A_154 = arith.addi %add3A_144, %gather3A_153 : vector<16xi32>
      %add3A_155 = arith.constant 11 : i32
      %add3A_156 = vector.broadcast %add3A_155 : i32 to vector<16xi32>
      %add3A_157 = arith.addi %add3A_36, %add3A_156 : vector<16xi32>
      %gather3A_158 = tpu.vector_load_idx %arg8[%add3A_157] : memref<32768xi32, #tpu.memory_space<vmem>>[vector<16xi32>], vector<16xi32>,
      %add3A_159 = arith.addi %add3A_149, %gather3A_158 : vector<16xi32>
      %add3A_160 = arith.constant 12 : i32
      %add3A_161 = vector.broadcast %add3A_160 : i32 to vector<16xi32>
      %add3A_162 = arith.addi %add3A_36, %add3A_161 : vector<16xi32>
      %gather3A_163 = tpu.vector_load_idx %arg7[%add3A_162] : memref<32768xi32, #tpu.memory_space<vmem>>[vector<16xi32>], vector<16xi32>,
      %add3A_164 = arith.addi %add3A_154, %gather3A_163 : vector<16xi32>
      %add3A_165 = arith.constant 12 : i32
      %add3A_166 = vector.broadcast %add3A_165 : i32 to vector<16xi32>
      %add3A_167 = arith.addi %add3A_36, %add3A_166 : vector<16xi32>
      %gather3A_168 = tpu.vector_load_idx %arg8[%add3A_167] : memref<32768xi32, #tpu.memory_space<vmem>>[vector<16xi32>], vector<16xi32>,
      %add3A_169 = arith.addi %add3A_159, %gather3A_168 : vector<16xi32>
      %add3A_170 = arith.constant 13 : i32
      %add3A_171 = vector.broadcast %add3A_170 : i32 to vector<16xi32>
      %add3A_172 = arith.addi %add3A_36, %add3A_171 : vector<16xi32>
      %gather3A_173 = tpu.vector_load_idx %arg7[%add3A_172] : memref<32768xi32, #tpu.memory_space<vmem>>[vector<16xi32>], vector<16xi32>,
      %add3A_174 = arith.addi %add3A_164, %gather3A_173 : vector<16xi32>
      %add3A_175 = arith.constant 13 : i32
      %add3A_176 = vector.broadcast %add3A_175 : i32 to vector<16xi32>
      %add3A_177 = arith.addi %add3A_36, %add3A_176 : vector<16xi32>
      %gather3A_178 = tpu.vector_load_idx %arg8[%add3A_177] : memref<32768xi32, #tpu.memory_space<vmem>>[vector<16xi32>], vector<16xi32>,
      %add3A_179 = arith.addi %add3A_169, %gather3A_178 : vector<16xi32>
      %add3A_180 = arith.constant 14 : i32
      %add3A_181 = vector.broadcast %add3A_180 : i32 to vector<16xi32>
      %add3A_182 = arith.addi %add3A_36, %add3A_181 : vector<16xi32>
      %gather3A_183 = tpu.vector_load_idx %arg7[%add3A_182] : memref<32768xi32, #tpu.memory_space<vmem>>[vector<16xi32>], vector<16xi32>,
      %add3A_184 = arith.addi %add3A_174, %gather3A_183 : vector<16xi32>
      %add3A_185 = arith.constant 14 : i32
      %add3A_186 = vector.broadcast %add3A_185 : i32 to vector<16xi32>
      %add3A_187 = arith.addi %add3A_36, %add3A_186 : vector<16xi32>
      %gather3A_188 = tpu.vector_load_idx %arg8[%add3A_187] : memref<32768xi32, #tpu.memory_space<vmem>>[vector<16xi32>], vector<16xi32>,
      %add3A_189 = arith.addi %add3A_179, %gather3A_188 : vector<16xi32>
      %add3A_190 = arith.constant 15 : i32
      %add3A_191 = vector.broadcast %add3A_190 : i32 to vector<16xi32>
      %add3A_192 = arith.addi %add3A_36, %add3A_191 : vector<16xi32>
      %gather3A_193 = tpu.vector_load_idx %arg7[%add3A_192] : memref<32768xi32, #tpu.memory_space<vmem>>[vector<16xi32>], vector<16xi32>,
      %add3A_194 = arith.addi %add3A_184, %gather3A_193 : vector<16xi32>
      %add3A_195 = arith.constant 15 : i32
      %add3A_196 = vector.broadcast %add3A_195 : i32 to vector<16xi32>
      %add3A_197 = arith.addi %add3A_36, %add3A_196 : vector<16xi32>
      %gather3A_198 = tpu.vector_load_idx %arg8[%add3A_197] : memref<32768xi32, #tpu.memory_space<vmem>>[vector<16xi32>], vector<16xi32>,
      %add3A_199 = arith.addi %add3A_189, %gather3A_198 : vector<16xi32>
      %mul3A_200 = arith.constant 16 : i32
      %mul3A_201 = arith.muli %scan3A_28, %mul3A_200 : i32
      %swap3A_202 = arith.index_cast %mul3A_201 : i32 to index
      %swap3A_203 = tpu.vector_load %arg9[%swap3A_202] {strides = array<i32>} : memref<2048xi32, #tpu.memory_space<vmem>>, vector<16xi32>,
      tpu.vector_store %arg9[%swap3A_202], %add3A_194 {strides = array<i32>} : memref<2048xi32, #tpu.memory_space<vmem>>, vector<16xi32>,
      %mul3A_204 = arith.constant 16 : i32
      %mul3A_205 = arith.muli %scan3A_28, %mul3A_204 : i32
      %swap3A_206 = arith.index_cast %mul3A_205 : i32 to index
      %swap3A_207 = tpu.vector_load %arg10[%swap3A_206] {strides = array<i32>} : memref<2048xi32, #tpu.memory_space<vmem>>, vector<16xi32>,
      tpu.vector_store %arg10[%swap3A_206], %add3A_199 {strides = array<i32>} : memref<2048xi32, #tpu.memory_space<vmem>>, vector<16xi32>,
      %scan3A_208 = arith.constant 0 : i32
      scf.yield %scan3A_208 : i32
    }
    %scan3A_27 = arith.constant 128 : i32
    "tpu.region"() ({
      %run_scoped3A = tpu.sem_alloc : memref<!tpu.dma_semaphore, #tpu.memory_space<semaphore_mem>>
      %dma_start3A = arith.constant 0 : i32
      %dma_start3A_28 = tpu.memref_slice %arg3[%add3A, %dma_start3A] : memref<32x2048xi32, #tpu.memory_space<hbm>> -> memref<1x2048xi32, #tpu.memory_space<hbm>>
      %dma_start3A_29 = tpu.memref_squeeze %dma_start3A_28 : memref<1x2048xi32, #tpu.memory_space<hbm>> -> memref<2048xi32, #tpu.memory_space<hbm>>
      %dma_start3A_30 = arith.constant 0 : i32
      %dma_start3A_31 = tpu.memref_slice %arg3[%add3A, %dma_start3A_30] : memref<32x2048xi32, #tpu.memory_space<hbm>> -> memref<1x2048xi32, #tpu.memory_space<hbm>>
      %dma_start3A_32 = tpu.memref_squeeze %dma_start3A_31 : memref<1x2048xi32, #tpu.memory_space<hbm>> -> memref<2048xi32, #tpu.memory_space<hbm>>
      tpu.enqueue_dma source(%arg9 : memref<2048xi32, #tpu.memory_space<vmem>>) target(%dma_start3A_32 : memref<2048xi32, #tpu.memory_space<hbm>>) target_semaphore(%run_scoped3A : memref<!tpu.dma_semaphore, #tpu.memory_space<semaphore_mem>>)
      %dma_wait3A = arith.constant 0 : i32
      %dma_wait3A_33 = tpu.memref_slice %arg3[%add3A, %dma_wait3A] : memref<32x2048xi32, #tpu.memory_space<hbm>> -> memref<1x2048xi32, #tpu.memory_space<hbm>>
      %dma_wait3A_34 = tpu.memref_squeeze %dma_wait3A_33 : memref<1x2048xi32, #tpu.memory_space<hbm>> -> memref<2048xi32, #tpu.memory_space<hbm>>
      %dma_wait3A_35 = arith.constant 0 : i32
      %dma_wait3A_36 = tpu.memref_slice %arg3[%add3A, %dma_wait3A_35] : memref<32x2048xi32, #tpu.memory_space<hbm>> -> memref<1x2048xi32, #tpu.memory_space<hbm>>
      %dma_wait3A_37 = tpu.memref_squeeze %dma_wait3A_36 : memref<1x2048xi32, #tpu.memory_space<hbm>> -> memref<2048xi32, #tpu.memory_space<hbm>>
      tpu.wait_dma2 semaphore(%run_scoped3A : memref<!tpu.dma_semaphore, #tpu.memory_space<semaphore_mem>>) src(%arg9 : memref<2048xi32, #tpu.memory_space<vmem>>) dst(%dma_wait3A_37 : memref<2048xi32, #tpu.memory_space<hbm>>)
      tpu.yield
    }) : () -> ()
    "tpu.region"() ({
      %run_scoped3A = tpu.sem_alloc : memref<!tpu.dma_semaphore, #tpu.memory_space<semaphore_mem>>
      %dma_start3A = arith.constant 0 : i32
      %dma_start3A_28 = tpu.memref_slice %arg4[%add3A, %dma_start3A] : memref<32x2048xi32, #tpu.memory_space<hbm>> -> memref<1x2048xi32, #tpu.memory_space<hbm>>
      %dma_start3A_29 = tpu.memref_squeeze %dma_start3A_28 : memref<1x2048xi32, #tpu.memory_space<hbm>> -> memref<2048xi32, #tpu.memory_space<hbm>>
      %dma_start3A_30 = arith.constant 0 : i32
      %dma_start3A_31 = tpu.memref_slice %arg4[%add3A, %dma_start3A_30] : memref<32x2048xi32, #tpu.memory_space<hbm>> -> memref<1x2048xi32, #tpu.memory_space<hbm>>
      %dma_start3A_32 = tpu.memref_squeeze %dma_start3A_31 : memref<1x2048xi32, #tpu.memory_space<hbm>> -> memref<2048xi32, #tpu.memory_space<hbm>>
      tpu.enqueue_dma source(%arg10 : memref<2048xi32, #tpu.memory_space<vmem>>) target(%dma_start3A_32 : memref<2048xi32, #tpu.memory_space<hbm>>) target_semaphore(%run_scoped3A : memref<!tpu.dma_semaphore, #tpu.memory_space<semaphore_mem>>)
      %dma_wait3A = arith.constant 0 : i32
      %dma_wait3A_33 = tpu.memref_slice %arg4[%add3A, %dma_wait3A] : memref<32x2048xi32, #tpu.memory_space<hbm>> -> memref<1x2048xi32, #tpu.memory_space<hbm>>
      %dma_wait3A_34 = tpu.memref_squeeze %dma_wait3A_33 : memref<1x2048xi32, #tpu.memory_space<hbm>> -> memref<2048xi32, #tpu.memory_space<hbm>>
      %dma_wait3A_35 = arith.constant 0 : i32
      %dma_wait3A_36 = tpu.memref_slice %arg4[%add3A, %dma_wait3A_35] : memref<32x2048xi32, #tpu.memory_space<hbm>> -> memref<1x2048xi32, #tpu.memory_space<hbm>>
      %dma_wait3A_37 = tpu.memref_squeeze %dma_wait3A_36 : memref<1x2048xi32, #tpu.memory_space<hbm>> -> memref<2048xi32, #tpu.memory_space<hbm>>
      tpu.wait_dma2 semaphore(%run_scoped3A : memref<!tpu.dma_semaphore, #tpu.memory_space<semaphore_mem>>) src(%arg10 : memref<2048xi32, #tpu.memory_space<vmem>>) dst(%dma_wait3A_37 : memref<2048xi32, #tpu.memory_space<hbm>>)
      tpu.yield
    }) : () -> ()
    "tpu.region"() ({
      %run_scoped3A = tpu.sem_alloc : memref<!tpu.dma_semaphore, #tpu.memory_space<semaphore_mem>>
      %dma_start3A = arith.constant 0 : i32
      %dma_start3A_28 = tpu.memref_slice %arg5[%add3A, %dma_start3A] : memref<32x32xi32, #tpu.memory_space<hbm>> -> memref<1x32xi32, #tpu.memory_space<hbm>>
      %dma_start3A_29 = tpu.memref_squeeze %dma_start3A_28 : memref<1x32xi32, #tpu.memory_space<hbm>> -> memref<32xi32, #tpu.memory_space<hbm>>
      %dma_start3A_30 = arith.constant 0 : i32
      %dma_start3A_31 = tpu.memref_slice %arg5[%add3A, %dma_start3A_30] : memref<32x32xi32, #tpu.memory_space<hbm>> -> memref<1x32xi32, #tpu.memory_space<hbm>>
      %dma_start3A_32 = tpu.memref_squeeze %dma_start3A_31 : memref<1x32xi32, #tpu.memory_space<hbm>> -> memref<32xi32, #tpu.memory_space<hbm>>
      tpu.enqueue_dma source(%arg11 : memref<32xi32, #tpu.memory_space<vmem>>) target(%dma_start3A_32 : memref<32xi32, #tpu.memory_space<hbm>>) target_semaphore(%run_scoped3A : memref<!tpu.dma_semaphore, #tpu.memory_space<semaphore_mem>>)
      %dma_wait3A = arith.constant 0 : i32
      %dma_wait3A_33 = tpu.memref_slice %arg5[%add3A, %dma_wait3A] : memref<32x32xi32, #tpu.memory_space<hbm>> -> memref<1x32xi32, #tpu.memory_space<hbm>>
      %dma_wait3A_34 = tpu.memref_squeeze %dma_wait3A_33 : memref<1x32xi32, #tpu.memory_space<hbm>> -> memref<32xi32, #tpu.memory_space<hbm>>
      %dma_wait3A_35 = arith.constant 0 : i32
      %dma_wait3A_36 = tpu.memref_slice %arg5[%add3A, %dma_wait3A_35] : memref<32x32xi32, #tpu.memory_space<hbm>> -> memref<1x32xi32, #tpu.memory_space<hbm>>
      %dma_wait3A_37 = tpu.memref_squeeze %dma_wait3A_36 : memref<1x32xi32, #tpu.memory_space<hbm>> -> memref<32xi32, #tpu.memory_space<hbm>>
      tpu.wait_dma2 semaphore(%run_scoped3A : memref<!tpu.dma_semaphore, #tpu.memory_space<semaphore_mem>>) src(%arg11 : memref<32xi32, #tpu.memory_space<vmem>>) dst(%dma_wait3A_37 : memref<32xi32, #tpu.memory_space<hbm>>)
      tpu.yield
    }) : () -> ()
    return
  }
}

#map = affine_map<(d0, d1) -> (0)>
#map1 = affine_map<(d0, d1) -> (0, 0)>
module attributes {stable_mosaic.version = 14 : i64} {
  func.func @_k3(%arg0: i32, %arg1: i32, %arg2: memref<4194304xf32, #tpu.memory_space<hbm>>, %arg3: memref<32xi32, #tpu.memory_space<hbm>>, %arg4: memref<32x128xi32, #tpu.memory_space<hbm>>, %arg5: memref<32x128xi32, #tpu.memory_space<hbm>>, %arg6: memref<32x128xi32, #tpu.memory_space<hbm>>, %arg7: memref<32x128xi32, #tpu.memory_space<hbm>>, %arg8: memref<16384xf32, #tpu.memory_space<vmem>>, %arg9: memref<32xi32, #tpu.memory_space<vmem>>, %arg10: memref<128xi32, #tpu.memory_space<vmem>>, %arg11: memref<128xi32, #tpu.memory_space<vmem>>, %arg12: memref<128xi32, #tpu.memory_space<vmem>>, %arg13: memref<128xi32, #tpu.memory_space<vmem>>) attributes {dimension_semantics = [#tpu.dimension_semantics<core_parallel>, #tpu.dimension_semantics<subcore_parallel>], iteration_bounds = array<i64: 2, 16>, scalar_prefetch = 0 : i64, scratch_operands = 6 : i64, tpu.core_type = #tpu.core_type<sc_vector_subcore>, window_params = [{transform_indices = #map}, {transform_indices = #map}, {transform_indices = #map1}, {transform_indices = #map1}, {transform_indices = #map1}, {transform_indices = #map1}]} {
    %mul3A = arith.constant 2 : i32
    %mul3A_0 = arith.muli %arg1, %mul3A : i32
    %add3A = arith.addi %mul3A_0, %arg0 : i32
    %mul3A_1 = arith.constant 131072 : i32
    %mul3A_2 = arith.muli %add3A, %mul3A_1 : i32
    %broadcast_in_dim3A = arith.constant 0 : i32
    %broadcast_in_dim3A_3 = vector.broadcast %broadcast_in_dim3A : i32 to vector<16xi32>
    %iota3A = tpu.iota {dimensions = array<i32: 0>} : vector<16xi32>
    %swap3A = arith.constant 0 : index
    %swap3A_4 = tpu.vector_load %arg10[%swap3A] {strides = array<i32>} : memref<128xi32, #tpu.memory_space<vmem>>, vector<16xi32>,
    tpu.vector_store %arg10[%swap3A], %broadcast_in_dim3A_3 {strides = array<i32>} : memref<128xi32, #tpu.memory_space<vmem>>, vector<16xi32>,
    %swap3A_5 = arith.constant 0 : index
    %swap3A_6 = tpu.vector_load %arg11[%swap3A_5] {strides = array<i32>} : memref<128xi32, #tpu.memory_space<vmem>>, vector<16xi32>,
    tpu.vector_store %arg11[%swap3A_5], %broadcast_in_dim3A_3 {strides = array<i32>} : memref<128xi32, #tpu.memory_space<vmem>>, vector<16xi32>,
    %swap3A_7 = arith.constant 0 : index
    %swap3A_8 = tpu.vector_load %arg12[%swap3A_7] {strides = array<i32>} : memref<128xi32, #tpu.memory_space<vmem>>, vector<16xi32>,
    tpu.vector_store %arg12[%swap3A_7], %broadcast_in_dim3A_3 {strides = array<i32>} : memref<128xi32, #tpu.memory_space<vmem>>, vector<16xi32>,
    %swap3A_9 = arith.constant 0 : index
    %swap3A_10 = tpu.vector_load %arg13[%swap3A_9] {strides = array<i32>} : memref<128xi32, #tpu.memory_space<vmem>>, vector<16xi32>,
    tpu.vector_store %arg13[%swap3A_9], %broadcast_in_dim3A_3 {strides = array<i32>} : memref<128xi32, #tpu.memory_space<vmem>>, vector<16xi32>,
    %swap3A_11 = arith.constant 16 : index
    %swap3A_12 = tpu.vector_load %arg10[%swap3A_11] {strides = array<i32>} : memref<128xi32, #tpu.memory_space<vmem>>, vector<16xi32>,
    tpu.vector_store %arg10[%swap3A_11], %broadcast_in_dim3A_3 {strides = array<i32>} : memref<128xi32, #tpu.memory_space<vmem>>, vector<16xi32>,
    %swap3A_13 = arith.constant 16 : index
    %swap3A_14 = tpu.vector_load %arg11[%swap3A_13] {strides = array<i32>} : memref<128xi32, #tpu.memory_space<vmem>>, vector<16xi32>,
    tpu.vector_store %arg11[%swap3A_13], %broadcast_in_dim3A_3 {strides = array<i32>} : memref<128xi32, #tpu.memory_space<vmem>>, vector<16xi32>,
    %swap3A_15 = arith.constant 16 : index
    %swap3A_16 = tpu.vector_load %arg12[%swap3A_15] {strides = array<i32>} : memref<128xi32, #tpu.memory_space<vmem>>, vector<16xi32>,
    tpu.vector_store %arg12[%swap3A_15], %broadcast_in_dim3A_3 {strides = array<i32>} : memref<128xi32, #tpu.memory_space<vmem>>, vector<16xi32>,
    %swap3A_17 = arith.constant 16 : index
    %swap3A_18 = tpu.vector_load %arg13[%swap3A_17] {strides = array<i32>} : memref<128xi32, #tpu.memory_space<vmem>>, vector<16xi32>,
    tpu.vector_store %arg13[%swap3A_17], %broadcast_in_dim3A_3 {strides = array<i32>} : memref<128xi32, #tpu.memory_space<vmem>>, vector<16xi32>,
    %swap3A_19 = arith.constant 32 : index
    %swap3A_20 = tpu.vector_load %arg10[%swap3A_19] {strides = array<i32>} : memref<128xi32, #tpu.memory_space<vmem>>, vector<16xi32>,
    tpu.vector_store %arg10[%swap3A_19], %broadcast_in_dim3A_3 {strides = array<i32>} : memref<128xi32, #tpu.memory_space<vmem>>, vector<16xi32>,
    %swap3A_21 = arith.constant 32 : index
    %swap3A_22 = tpu.vector_load %arg11[%swap3A_21] {strides = array<i32>} : memref<128xi32, #tpu.memory_space<vmem>>, vector<16xi32>,
    tpu.vector_store %arg11[%swap3A_21], %broadcast_in_dim3A_3 {strides = array<i32>} : memref<128xi32, #tpu.memory_space<vmem>>, vector<16xi32>,
    %swap3A_23 = arith.constant 32 : index
    %swap3A_24 = tpu.vector_load %arg12[%swap3A_23] {strides = array<i32>} : memref<128xi32, #tpu.memory_space<vmem>>, vector<16xi32>,
    tpu.vector_store %arg12[%swap3A_23], %broadcast_in_dim3A_3 {strides = array<i32>} : memref<128xi32, #tpu.memory_space<vmem>>, vector<16xi32>,
    %swap3A_25 = arith.constant 32 : index
    %swap3A_26 = tpu.vector_load %arg13[%swap3A_25] {strides = array<i32>} : memref<128xi32, #tpu.memory_space<vmem>>, vector<16xi32>,
    tpu.vector_store %arg13[%swap3A_25], %broadcast_in_dim3A_3 {strides = array<i32>} : memref<128xi32, #tpu.memory_space<vmem>>, vector<16xi32>,
    %swap3A_27 = arith.constant 48 : index
    %swap3A_28 = tpu.vector_load %arg10[%swap3A_27] {strides = array<i32>} : memref<128xi32, #tpu.memory_space<vmem>>, vector<16xi32>,
    tpu.vector_store %arg10[%swap3A_27], %broadcast_in_dim3A_3 {strides = array<i32>} : memref<128xi32, #tpu.memory_space<vmem>>, vector<16xi32>,
    %swap3A_29 = arith.constant 48 : index
    %swap3A_30 = tpu.vector_load %arg11[%swap3A_29] {strides = array<i32>} : memref<128xi32, #tpu.memory_space<vmem>>, vector<16xi32>,
    tpu.vector_store %arg11[%swap3A_29], %broadcast_in_dim3A_3 {strides = array<i32>} : memref<128xi32, #tpu.memory_space<vmem>>, vector<16xi32>,
    %swap3A_31 = arith.constant 48 : index
    %swap3A_32 = tpu.vector_load %arg12[%swap3A_31] {strides = array<i32>} : memref<128xi32, #tpu.memory_space<vmem>>, vector<16xi32>,
    tpu.vector_store %arg12[%swap3A_31], %broadcast_in_dim3A_3 {strides = array<i32>} : memref<128xi32, #tpu.memory_space<vmem>>, vector<16xi32>,
    %swap3A_33 = arith.constant 48 : index
    %swap3A_34 = tpu.vector_load %arg13[%swap3A_33] {strides = array<i32>} : memref<128xi32, #tpu.memory_space<vmem>>, vector<16xi32>,
    tpu.vector_store %arg13[%swap3A_33], %broadcast_in_dim3A_3 {strides = array<i32>} : memref<128xi32, #tpu.memory_space<vmem>>, vector<16xi32>,
    %swap3A_35 = arith.constant 64 : index
    %swap3A_36 = tpu.vector_load %arg10[%swap3A_35] {strides = array<i32>} : memref<128xi32, #tpu.memory_space<vmem>>, vector<16xi32>,
    tpu.vector_store %arg10[%swap3A_35], %broadcast_in_dim3A_3 {strides = array<i32>} : memref<128xi32, #tpu.memory_space<vmem>>, vector<16xi32>,
    %swap3A_37 = arith.constant 64 : index
    %swap3A_38 = tpu.vector_load %arg11[%swap3A_37] {strides = array<i32>} : memref<128xi32, #tpu.memory_space<vmem>>, vector<16xi32>,
    tpu.vector_store %arg11[%swap3A_37], %broadcast_in_dim3A_3 {strides = array<i32>} : memref<128xi32, #tpu.memory_space<vmem>>, vector<16xi32>,
    %swap3A_39 = arith.constant 64 : index
    %swap3A_40 = tpu.vector_load %arg12[%swap3A_39] {strides = array<i32>} : memref<128xi32, #tpu.memory_space<vmem>>, vector<16xi32>,
    tpu.vector_store %arg12[%swap3A_39], %broadcast_in_dim3A_3 {strides = array<i32>} : memref<128xi32, #tpu.memory_space<vmem>>, vector<16xi32>,
    %swap3A_41 = arith.constant 64 : index
    %swap3A_42 = tpu.vector_load %arg13[%swap3A_41] {strides = array<i32>} : memref<128xi32, #tpu.memory_space<vmem>>, vector<16xi32>,
    tpu.vector_store %arg13[%swap3A_41], %broadcast_in_dim3A_3 {strides = array<i32>} : memref<128xi32, #tpu.memory_space<vmem>>, vector<16xi32>,
    %swap3A_43 = arith.constant 80 : index
    %swap3A_44 = tpu.vector_load %arg10[%swap3A_43] {strides = array<i32>} : memref<128xi32, #tpu.memory_space<vmem>>, vector<16xi32>,
    tpu.vector_store %arg10[%swap3A_43], %broadcast_in_dim3A_3 {strides = array<i32>} : memref<128xi32, #tpu.memory_space<vmem>>, vector<16xi32>,
    %swap3A_45 = arith.constant 80 : index
    %swap3A_46 = tpu.vector_load %arg11[%swap3A_45] {strides = array<i32>} : memref<128xi32, #tpu.memory_space<vmem>>, vector<16xi32>,
    tpu.vector_store %arg11[%swap3A_45], %broadcast_in_dim3A_3 {strides = array<i32>} : memref<128xi32, #tpu.memory_space<vmem>>, vector<16xi32>,
    %swap3A_47 = arith.constant 80 : index
    %swap3A_48 = tpu.vector_load %arg12[%swap3A_47] {strides = array<i32>} : memref<128xi32, #tpu.memory_space<vmem>>, vector<16xi32>,
    tpu.vector_store %arg12[%swap3A_47], %broadcast_in_dim3A_3 {strides = array<i32>} : memref<128xi32, #tpu.memory_space<vmem>>, vector<16xi32>,
    %swap3A_49 = arith.constant 80 : index
    %swap3A_50 = tpu.vector_load %arg13[%swap3A_49] {strides = array<i32>} : memref<128xi32, #tpu.memory_space<vmem>>, vector<16xi32>,
    tpu.vector_store %arg13[%swap3A_49], %broadcast_in_dim3A_3 {strides = array<i32>} : memref<128xi32, #tpu.memory_space<vmem>>, vector<16xi32>,
    %swap3A_51 = arith.constant 96 : index
    %swap3A_52 = tpu.vector_load %arg10[%swap3A_51] {strides = array<i32>} : memref<128xi32, #tpu.memory_space<vmem>>, vector<16xi32>,
    tpu.vector_store %arg10[%swap3A_51], %broadcast_in_dim3A_3 {strides = array<i32>} : memref<128xi32, #tpu.memory_space<vmem>>, vector<16xi32>,
    %swap3A_53 = arith.constant 96 : index
    %swap3A_54 = tpu.vector_load %arg11[%swap3A_53] {strides = array<i32>} : memref<128xi32, #tpu.memory_space<vmem>>, vector<16xi32>,
    tpu.vector_store %arg11[%swap3A_53], %broadcast_in_dim3A_3 {strides = array<i32>} : memref<128xi32, #tpu.memory_space<vmem>>, vector<16xi32>,
    %swap3A_55 = arith.constant 96 : index
    %swap3A_56 = tpu.vector_load %arg12[%swap3A_55] {strides = array<i32>} : memref<128xi32, #tpu.memory_space<vmem>>, vector<16xi32>,
    tpu.vector_store %arg12[%swap3A_55], %broadcast_in_dim3A_3 {strides = array<i32>} : memref<128xi32, #tpu.memory_space<vmem>>, vector<16xi32>,
    %swap3A_57 = arith.constant 96 : index
    %swap3A_58 = tpu.vector_load %arg13[%swap3A_57] {strides = array<i32>} : memref<128xi32, #tpu.memory_space<vmem>>, vector<16xi32>,
    tpu.vector_store %arg13[%swap3A_57], %broadcast_in_dim3A_3 {strides = array<i32>} : memref<128xi32, #tpu.memory_space<vmem>>, vector<16xi32>,
    %swap3A_59 = arith.constant 112 : index
    %swap3A_60 = tpu.vector_load %arg10[%swap3A_59] {strides = array<i32>} : memref<128xi32, #tpu.memory_space<vmem>>, vector<16xi32>,
    tpu.vector_store %arg10[%swap3A_59], %broadcast_in_dim3A_3 {strides = array<i32>} : memref<128xi32, #tpu.memory_space<vmem>>, vector<16xi32>,
    %swap3A_61 = arith.constant 112 : index
    %swap3A_62 = tpu.vector_load %arg11[%swap3A_61] {strides = array<i32>} : memref<128xi32, #tpu.memory_space<vmem>>, vector<16xi32>,
    tpu.vector_store %arg11[%swap3A_61], %broadcast_in_dim3A_3 {strides = array<i32>} : memref<128xi32, #tpu.memory_space<vmem>>, vector<16xi32>,
    %swap3A_63 = arith.constant 112 : index
    %swap3A_64 = tpu.vector_load %arg12[%swap3A_63] {strides = array<i32>} : memref<128xi32, #tpu.memory_space<vmem>>, vector<16xi32>,
    tpu.vector_store %arg12[%swap3A_63], %broadcast_in_dim3A_3 {strides = array<i32>} : memref<128xi32, #tpu.memory_space<vmem>>, vector<16xi32>,
    %swap3A_65 = arith.constant 112 : index
    %swap3A_66 = tpu.vector_load %arg13[%swap3A_65] {strides = array<i32>} : memref<128xi32, #tpu.memory_space<vmem>>, vector<16xi32>,
    tpu.vector_store %arg13[%swap3A_65], %broadcast_in_dim3A_3 {strides = array<i32>} : memref<128xi32, #tpu.memory_space<vmem>>, vector<16xi32>,
    "tpu.region"() ({
      %run_scoped3A = tpu.sem_alloc : memref<!tpu.dma_semaphore, #tpu.memory_space<semaphore_mem>>
      tpu.enqueue_dma source(%arg3 : memref<32xi32, #tpu.memory_space<hbm>>) target(%arg9 : memref<32xi32, #tpu.memory_space<vmem>>) target_semaphore(%run_scoped3A : memref<!tpu.dma_semaphore, #tpu.memory_space<semaphore_mem>>)
      tpu.wait_dma2 semaphore(%run_scoped3A : memref<!tpu.dma_semaphore, #tpu.memory_space<semaphore_mem>>) src(%arg3 : memref<32xi32, #tpu.memory_space<hbm>>) dst(%arg9 : memref<32xi32, #tpu.memory_space<vmem>>)
      tpu.yield
    }) : () -> ()
    %get3A = arith.constant 0 : index
    %get3A_67 = tpu.vector_load %arg9[%get3A] {strides = array<i32>} : memref<32xi32, #tpu.memory_space<vmem>>, vector<16xi32>,
    %get3A_68 = arith.constant 16 : index
    %get3A_69 = tpu.vector_load %arg9[%get3A_68] {strides = array<i32>} : memref<32xi32, #tpu.memory_space<vmem>>, vector<16xi32>,
    %scan3A = arith.constant 0 : i32
    %scan3A_70 = arith.constant 0 : i32
    %scan3A_71 = arith.constant 0 : i32
    %scan3A_72 = arith.constant 8 : i32
    %scan3A_73 = arith.addi %scan3A_71, %scan3A_72 : i32
    %scan3A_74 = arith.constant 1 : i32
    %scan3A_75:2 = scf.for %scan3A_77 = %scan3A_71 to %scan3A_73 step %scan3A_74 iter_args(%scan3A_78 = %scan3A, %scan3A_79 = %scan3A_70) -> (i32, i32)  : i32 {
      %mul3A_80 = arith.constant 16384 : i32
      %mul3A_81 = arith.muli %scan3A_77, %mul3A_80 : i32
      %add3A_82 = arith.addi %mul3A_2, %mul3A_81 : i32
      "tpu.region"() ({
        %run_scoped3A = tpu.sem_alloc : memref<!tpu.dma_semaphore, #tpu.memory_space<semaphore_mem>>
        %dma_start3A = tpu.memref_slice %arg2[%add3A_82] : memref<4194304xf32, #tpu.memory_space<hbm>> -> memref<16384xf32, #tpu.memory_space<hbm>>
        %dma_start3A_89 = tpu.memref_slice %arg2[%add3A_82] : memref<4194304xf32, #tpu.memory_space<hbm>> -> memref<16384xf32, #tpu.memory_space<hbm>>
        tpu.enqueue_dma source(%dma_start3A_89 : memref<16384xf32, #tpu.memory_space<hbm>>) target(%arg8 : memref<16384xf32, #tpu.memory_space<vmem>>) target_semaphore(%run_scoped3A : memref<!tpu.dma_semaphore, #tpu.memory_space<semaphore_mem>>)
        %dma_wait3A = tpu.memref_slice %arg2[%add3A_82] : memref<4194304xf32, #tpu.memory_space<hbm>> -> memref<16384xf32, #tpu.memory_space<hbm>>
        %dma_wait3A_90 = tpu.memref_slice %arg2[%add3A_82] : memref<4194304xf32, #tpu.memory_space<hbm>> -> memref<16384xf32, #tpu.memory_space<hbm>>
        tpu.wait_dma2 semaphore(%run_scoped3A : memref<!tpu.dma_semaphore, #tpu.memory_space<semaphore_mem>>) src(%dma_wait3A_90 : memref<16384xf32, #tpu.memory_space<hbm>>) dst(%arg8 : memref<16384xf32, #tpu.memory_space<vmem>>)
        tpu.yield
      }) : () -> ()
      %scan3A_83 = arith.constant 0 : i32
      %scan3A_84 = arith.constant 1024 : i32
      %scan3A_85 = arith.addi %scan3A_83, %scan3A_84 : i32
      %scan3A_86 = arith.constant 4 : i32
      %scan3A_87:2 = scf.for %scan3A_89 = %scan3A_83 to %scan3A_85 step %scan3A_86 iter_args(%scan3A_90 = %scan3A_78, %scan3A_91 = %scan3A_79) -> (i32, i32)  : i32 {
        %mul3A_92 = arith.constant 16 : i32
        %mul3A_93 = arith.muli %scan3A_89, %mul3A_92 : i32
        %get3A_94 = arith.index_cast %mul3A_93 : i32 to index
        %get3A_95 = tpu.vector_load %arg8[%get3A_94] {strides = array<i32>} : memref<16384xf32, #tpu.memory_space<vmem>>, vector<16xf32>,
        %bitcast3A = vector.bitcast %get3A_95 : vector<16xf32> to vector<16xi32>
        %gt3A = arith.constant 0.000000e+00 : f32
        %gt3A_96 = vector.broadcast %gt3A : f32 to vector<16xf32>
        %gt3A_97 = arith.cmpf ogt, %get3A_95, %gt3A_96 : vector<16xf32>
        %lt3A = arith.constant 0.000000e+00 : f32
        %lt3A_98 = vector.broadcast %lt3A : f32 to vector<16xf32>
        %lt3A_99 = arith.cmpf olt, %get3A_95, %lt3A_98 : vector<16xf32>
        %and3A = arith.constant 2147483647 : i32
        %and3A_100 = vector.broadcast %and3A : i32 to vector<16xi32>
        %and3A_101 = arith.andi %bitcast3A, %and3A_100 : vector<16xi32>
        %mul3A_102 = arith.constant 16384 : i32
        %mul3A_103 = arith.muli %scan3A_77, %mul3A_102 : i32
        %add3A_104 = arith.addi %mul3A_2, %mul3A_103 : i32
        %mul3A_105 = arith.constant 16 : i32
        %mul3A_106 = arith.muli %scan3A_89, %mul3A_105 : i32
        %add3A_107 = arith.addi %add3A_104, %mul3A_106 : i32
        %add3A_108 = vector.broadcast %add3A_107 : i32 to vector<16xi32>
        %add3A_109 = arith.addi %add3A_108, %iota3A : vector<16xi32>
        %shift_right_logical3A = arith.constant 19 : i32
        %shift_right_logical3A_110 = vector.broadcast %shift_right_logical3A : i32 to vector<16xi32>
        %shift_right_logical3A_111 = arith.shrui %bitcast3A, %shift_right_logical3A_110 : vector<16xi32>
        %sub3A = arith.constant 1008 : i32
        %sub3A_112 = vector.broadcast %sub3A : i32 to vector<16xi32>
        %sub3A_113 = arith.subi %shift_right_logical3A_111, %sub3A_112 : vector<16xi32>
        %jit3A = arith.constant 0 : i32
        %jit3A_114 = arith.constant 2047 : i32
        %max3A = vector.broadcast %jit3A : i32 to vector<16xi32>
        %max3A_115 = arith.maxsi %max3A, %sub3A_113 : vector<16xi32>
        %min3A = vector.broadcast %jit3A_114 : i32 to vector<16xi32>
        %min3A_116 = arith.minsi %min3A, %max3A_115 : vector<16xi32>
        %ge3A = arith.cmpi sge, %min3A_116, %get3A_67 : vector<16xi32>
        %and3A_117 = arith.andi %gt3A_97, %ge3A : vector<16xi1>
        %shift_right_logical3A_118 = arith.constant 19 : i32
        %shift_right_logical3A_119 = vector.broadcast %shift_right_logical3A_118 : i32 to vector<16xi32>
        %shift_right_logical3A_120 = arith.shrui %and3A_101, %shift_right_logical3A_119 : vector<16xi32>
        %sub3A_121 = arith.constant 1008 : i32
        %sub3A_122 = vector.broadcast %sub3A_121 : i32 to vector<16xi32>
        %sub3A_123 = arith.subi %shift_right_logical3A_120, %sub3A_122 : vector<16xi32>
        %jit3A_124 = arith.constant 0 : i32
        %jit3A_125 = arith.constant 2047 : i32
        %max3A_126 = vector.broadcast %jit3A_124 : i32 to vector<16xi32>
        %max3A_127 = arith.maxsi %max3A_126, %sub3A_123 : vector<16xi32>
        %min3A_128 = vector.broadcast %jit3A_125 : i32 to vector<16xi32>
        %min3A_129 = arith.minsi %min3A_128, %max3A_127 : vector<16xi32>
        %ge3A_130 = arith.cmpi sge, %min3A_129, %get3A_69 : vector<16xi32>
        %and3A_131 = arith.andi %lt3A_99, %ge3A_130 : vector<16xi1>
        %min3A_132 = arith.constant 112 : i32
        %min3A_133 = arith.minsi %scan3A_90, %min3A_132 : i32
        %min3A_134 = arith.constant 112 : i32
        %min3A_135 = arith.minsi %scan3A_91, %min3A_134 : i32
        %swap3A_136 = arith.index_cast %min3A_133 : i32 to index
        %swap3A_137 = tpu.vector_load %arg10[%swap3A_136] masked %and3A_117 {strides = array<i32>} : memref<128xi32, #tpu.memory_space<vmem>>, vector<16xi32>, vector<16xi1>
        tpu.vector_store %arg10[%swap3A_136], %bitcast3A masked %and3A_117 {strides = array<i32>} : memref<128xi32, #tpu.memory_space<vmem>>, vector<16xi32>, vector<16xi1>
        %swap3A_138 = arith.index_cast %min3A_133 : i32 to index
        %swap3A_139 = tpu.vector_load %arg11[%swap3A_138] masked %and3A_117 {strides = array<i32>} : memref<128xi32, #tpu.memory_space<vmem>>, vector<16xi32>, vector<16xi1>
        tpu.vector_store %arg11[%swap3A_138], %add3A_109 masked %and3A_117 {strides = array<i32>} : memref<128xi32, #tpu.memory_space<vmem>>, vector<16xi32>, vector<16xi1>
        %swap3A_140 = arith.index_cast %min3A_135 : i32 to index
        %swap3A_141 = tpu.vector_load %arg12[%swap3A_140] masked %and3A_131 {strides = array<i32>} : memref<128xi32, #tpu.memory_space<vmem>>, vector<16xi32>, vector<16xi1>
        tpu.vector_store %arg12[%swap3A_140], %and3A_101 masked %and3A_131 {strides = array<i32>} : memref<128xi32, #tpu.memory_space<vmem>>, vector<16xi32>, vector<16xi1>
        %swap3A_142 = arith.index_cast %min3A_135 : i32 to index
        %swap3A_143 = tpu.vector_load %arg13[%swap3A_142] masked %and3A_131 {strides = array<i32>} : memref<128xi32, #tpu.memory_space<vmem>>, vector<16xi32>, vector<16xi1>
        tpu.vector_store %arg13[%swap3A_142], %add3A_109 masked %and3A_131 {strides = array<i32>} : memref<128xi32, #tpu.memory_space<vmem>>, vector<16xi32>, vector<16xi1>
        %all_reduce_population_count3A = tpu.all_reduce %and3A_117 {dim = 0 : i64, kind = #tpu.reduction_kind<sum>} : vector<16xi1> -> vector<16xi32>
        %reduce_max3A = arith.constant true
        %reduce_max3A_144 = vector.broadcast %reduce_max3A : i1 to vector<16xi1>
        %reduce_max3A_145 = arith.constant -2147483648 : i32
        %reduce_max3A_146 = vector.broadcast %reduce_max3A_145 : i32 to vector<16xi32>
        %reduce_max3A_147 = arith.xori %all_reduce_population_count3A, %reduce_max3A_146 : vector<16xi32>
        %reduce_max3A_148 = tpu.scan <max>, %reduce_max3A_147 masked %reduce_max3A_144 : vector<16xi32>, vector<16xi1> -> vector<16xi32>
        %reduce_max3A_149 = arith.xori %reduce_max3A_148, %reduce_max3A_146 : vector<16xi32>
        %reduce_max3A_150 = vector.extract %reduce_max3A_149[15] : i32 from vector<16xi32>
        %add3A_151 = arith.addi %scan3A_90, %reduce_max3A_150 : i32
        %min3A_152 = arith.constant 112 : i32
        %min3A_153 = arith.minsi %add3A_151, %min3A_152 : i32
        %all_reduce_population_count3A_154 = tpu.all_reduce %and3A_131 {dim = 0 : i64, kind = #tpu.reduction_kind<sum>} : vector<16xi1> -> vector<16xi32>
        %reduce_max3A_155 = arith.constant true
        %reduce_max3A_156 = vector.broadcast %reduce_max3A_155 : i1 to vector<16xi1>
        %reduce_max3A_157 = arith.constant -2147483648 : i32
        %reduce_max3A_158 = vector.broadcast %reduce_max3A_157 : i32 to vector<16xi32>
        %reduce_max3A_159 = arith.xori %all_reduce_population_count3A_154, %reduce_max3A_158 : vector<16xi32>
        %reduce_max3A_160 = tpu.scan <max>, %reduce_max3A_159 masked %reduce_max3A_156 : vector<16xi32>, vector<16xi1> -> vector<16xi32>
        %reduce_max3A_161 = arith.xori %reduce_max3A_160, %reduce_max3A_158 : vector<16xi32>
        %reduce_max3A_162 = vector.extract %reduce_max3A_161[15] : i32 from vector<16xi32>
        %add3A_163 = arith.addi %scan3A_91, %reduce_max3A_162 : i32
        %min3A_164 = arith.constant 112 : i32
        %min3A_165 = arith.minsi %add3A_163, %min3A_164 : i32
        %scan3A_166 = arith.constant 1 : i32
        %scan3A_167 = arith.addi %scan3A_89, %scan3A_166 : i32
        %mul3A_168 = arith.constant 16 : i32
        %mul3A_169 = arith.muli %scan3A_167, %mul3A_168 : i32
        %get3A_170 = arith.index_cast %mul3A_169 : i32 to index
        %get3A_171 = tpu.vector_load %arg8[%get3A_170] {strides = array<i32>} : memref<16384xf32, #tpu.memory_space<vmem>>, vector<16xf32>,
        %bitcast3A_172 = vector.bitcast %get3A_171 : vector<16xf32> to vector<16xi32>
        %gt3A_173 = arith.constant 0.000000e+00 : f32
        %gt3A_174 = vector.broadcast %gt3A_173 : f32 to vector<16xf32>
        %gt3A_175 = arith.cmpf ogt, %get3A_171, %gt3A_174 : vector<16xf32>
        %lt3A_176 = arith.constant 0.000000e+00 : f32
        %lt3A_177 = vector.broadcast %lt3A_176 : f32 to vector<16xf32>
        %lt3A_178 = arith.cmpf olt, %get3A_171, %lt3A_177 : vector<16xf32>
        %and3A_179 = arith.constant 2147483647 : i32
        %and3A_180 = vector.broadcast %and3A_179 : i32 to vector<16xi32>
        %and3A_181 = arith.andi %bitcast3A_172, %and3A_180 : vector<16xi32>
        %mul3A_182 = arith.constant 16384 : i32
        %mul3A_183 = arith.muli %scan3A_77, %mul3A_182 : i32
        %add3A_184 = arith.addi %mul3A_2, %mul3A_183 : i32
        %mul3A_185 = arith.constant 16 : i32
        %mul3A_186 = arith.muli %scan3A_167, %mul3A_185 : i32
        %add3A_187 = arith.addi %add3A_184, %mul3A_186 : i32
        %add3A_188 = vector.broadcast %add3A_187 : i32 to vector<16xi32>
        %add3A_189 = arith.addi %add3A_188, %iota3A : vector<16xi32>
        %shift_right_logical3A_190 = arith.constant 19 : i32
        %shift_right_logical3A_191 = vector.broadcast %shift_right_logical3A_190 : i32 to vector<16xi32>
        %shift_right_logical3A_192 = arith.shrui %bitcast3A_172, %shift_right_logical3A_191 : vector<16xi32>
        %sub3A_193 = arith.constant 1008 : i32
        %sub3A_194 = vector.broadcast %sub3A_193 : i32 to vector<16xi32>
        %sub3A_195 = arith.subi %shift_right_logical3A_192, %sub3A_194 : vector<16xi32>
        %jit3A_196 = arith.constant 0 : i32
        %jit3A_197 = arith.constant 2047 : i32
        %max3A_198 = vector.broadcast %jit3A_196 : i32 to vector<16xi32>
        %max3A_199 = arith.maxsi %max3A_198, %sub3A_195 : vector<16xi32>
        %min3A_200 = vector.broadcast %jit3A_197 : i32 to vector<16xi32>
        %min3A_201 = arith.minsi %min3A_200, %max3A_199 : vector<16xi32>
        %ge3A_202 = arith.cmpi sge, %min3A_201, %get3A_67 : vector<16xi32>
        %and3A_203 = arith.andi %gt3A_175, %ge3A_202 : vector<16xi1>
        %shift_right_logical3A_204 = arith.constant 19 : i32
        %shift_right_logical3A_205 = vector.broadcast %shift_right_logical3A_204 : i32 to vector<16xi32>
        %shift_right_logical3A_206 = arith.shrui %and3A_181, %shift_right_logical3A_205 : vector<16xi32>
        %sub3A_207 = arith.constant 1008 : i32
        %sub3A_208 = vector.broadcast %sub3A_207 : i32 to vector<16xi32>
        %sub3A_209 = arith.subi %shift_right_logical3A_206, %sub3A_208 : vector<16xi32>
        %jit3A_210 = arith.constant 0 : i32
        %jit3A_211 = arith.constant 2047 : i32
        %max3A_212 = vector.broadcast %jit3A_210 : i32 to vector<16xi32>
        %max3A_213 = arith.maxsi %max3A_212, %sub3A_209 : vector<16xi32>
        %min3A_214 = vector.broadcast %jit3A_211 : i32 to vector<16xi32>
        %min3A_215 = arith.minsi %min3A_214, %max3A_213 : vector<16xi32>
        %ge3A_216 = arith.cmpi sge, %min3A_215, %get3A_69 : vector<16xi32>
        %and3A_217 = arith.andi %lt3A_178, %ge3A_216 : vector<16xi1>
        %min3A_218 = arith.constant 112 : i32
        %min3A_219 = arith.minsi %min3A_153, %min3A_218 : i32
        %min3A_220 = arith.constant 112 : i32
        %min3A_221 = arith.minsi %min3A_165, %min3A_220 : i32
        %swap3A_222 = arith.index_cast %min3A_219 : i32 to index
        %swap3A_223 = tpu.vector_load %arg10[%swap3A_222] masked %and3A_203 {strides = array<i32>} : memref<128xi32, #tpu.memory_space<vmem>>, vector<16xi32>, vector<16xi1>
        tpu.vector_store %arg10[%swap3A_222], %bitcast3A_172 masked %and3A_203 {strides = array<i32>} : memref<128xi32, #tpu.memory_space<vmem>>, vector<16xi32>, vector<16xi1>
        %swap3A_224 = arith.index_cast %min3A_219 : i32 to index
        %swap3A_225 = tpu.vector_load %arg11[%swap3A_224] masked %and3A_203 {strides = array<i32>} : memref<128xi32, #tpu.memory_space<vmem>>, vector<16xi32>, vector<16xi1>
        tpu.vector_store %arg11[%swap3A_224], %add3A_189 masked %and3A_203 {strides = array<i32>} : memref<128xi32, #tpu.memory_space<vmem>>, vector<16xi32>, vector<16xi1>
        %swap3A_226 = arith.index_cast %min3A_221 : i32 to index
        %swap3A_227 = tpu.vector_load %arg12[%swap3A_226] masked %and3A_217 {strides = array<i32>} : memref<128xi32, #tpu.memory_space<vmem>>, vector<16xi32>, vector<16xi1>
        tpu.vector_store %arg12[%swap3A_226], %and3A_181 masked %and3A_217 {strides = array<i32>} : memref<128xi32, #tpu.memory_space<vmem>>, vector<16xi32>, vector<16xi1>
        %swap3A_228 = arith.index_cast %min3A_221 : i32 to index
        %swap3A_229 = tpu.vector_load %arg13[%swap3A_228] masked %and3A_217 {strides = array<i32>} : memref<128xi32, #tpu.memory_space<vmem>>, vector<16xi32>, vector<16xi1>
        tpu.vector_store %arg13[%swap3A_228], %add3A_189 masked %and3A_217 {strides = array<i32>} : memref<128xi32, #tpu.memory_space<vmem>>, vector<16xi32>, vector<16xi1>
        %all_reduce_population_count3A_230 = tpu.all_reduce %and3A_203 {dim = 0 : i64, kind = #tpu.reduction_kind<sum>} : vector<16xi1> -> vector<16xi32>
        %reduce_max3A_231 = arith.constant true
        %reduce_max3A_232 = vector.broadcast %reduce_max3A_231 : i1 to vector<16xi1>
        %reduce_max3A_233 = arith.constant -2147483648 : i32
        %reduce_max3A_234 = vector.broadcast %reduce_max3A_233 : i32 to vector<16xi32>
        %reduce_max3A_235 = arith.xori %all_reduce_population_count3A_230, %reduce_max3A_234 : vector<16xi32>
        %reduce_max3A_236 = tpu.scan <max>, %reduce_max3A_235 masked %reduce_max3A_232 : vector<16xi32>, vector<16xi1> -> vector<16xi32>
        %reduce_max3A_237 = arith.xori %reduce_max3A_236, %reduce_max3A_234 : vector<16xi32>
        %reduce_max3A_238 = vector.extract %reduce_max3A_237[15] : i32 from vector<16xi32>
        %add3A_239 = arith.addi %min3A_153, %reduce_max3A_238 : i32
        %min3A_240 = arith.constant 112 : i32
        %min3A_241 = arith.minsi %add3A_239, %min3A_240 : i32
        %all_reduce_population_count3A_242 = tpu.all_reduce %and3A_217 {dim = 0 : i64, kind = #tpu.reduction_kind<sum>} : vector<16xi1> -> vector<16xi32>
        %reduce_max3A_243 = arith.constant true
        %reduce_max3A_244 = vector.broadcast %reduce_max3A_243 : i1 to vector<16xi1>
        %reduce_max3A_245 = arith.constant -2147483648 : i32
        %reduce_max3A_246 = vector.broadcast %reduce_max3A_245 : i32 to vector<16xi32>
        %reduce_max3A_247 = arith.xori %all_reduce_population_count3A_242, %reduce_max3A_246 : vector<16xi32>
        %reduce_max3A_248 = tpu.scan <max>, %reduce_max3A_247 masked %reduce_max3A_244 : vector<16xi32>, vector<16xi1> -> vector<16xi32>
        %reduce_max3A_249 = arith.xori %reduce_max3A_248, %reduce_max3A_246 : vector<16xi32>
        %reduce_max3A_250 = vector.extract %reduce_max3A_249[15] : i32 from vector<16xi32>
        %add3A_251 = arith.addi %min3A_165, %reduce_max3A_250 : i32
        %min3A_252 = arith.constant 112 : i32
        %min3A_253 = arith.minsi %add3A_251, %min3A_252 : i32
        %scan3A_254 = arith.constant 2 : i32
        %scan3A_255 = arith.addi %scan3A_89, %scan3A_254 : i32
        %mul3A_256 = arith.constant 16 : i32
        %mul3A_257 = arith.muli %scan3A_255, %mul3A_256 : i32
        %get3A_258 = arith.index_cast %mul3A_257 : i32 to index
        %get3A_259 = tpu.vector_load %arg8[%get3A_258] {strides = array<i32>} : memref<16384xf32, #tpu.memory_space<vmem>>, vector<16xf32>,
        %bitcast3A_260 = vector.bitcast %get3A_259 : vector<16xf32> to vector<16xi32>
        %gt3A_261 = arith.constant 0.000000e+00 : f32
        %gt3A_262 = vector.broadcast %gt3A_261 : f32 to vector<16xf32>
        %gt3A_263 = arith.cmpf ogt, %get3A_259, %gt3A_262 : vector<16xf32>
        %lt3A_264 = arith.constant 0.000000e+00 : f32
        %lt3A_265 = vector.broadcast %lt3A_264 : f32 to vector<16xf32>
        %lt3A_266 = arith.cmpf olt, %get3A_259, %lt3A_265 : vector<16xf32>
        %and3A_267 = arith.constant 2147483647 : i32
        %and3A_268 = vector.broadcast %and3A_267 : i32 to vector<16xi32>
        %and3A_269 = arith.andi %bitcast3A_260, %and3A_268 : vector<16xi32>
        %mul3A_270 = arith.constant 16384 : i32
        %mul3A_271 = arith.muli %scan3A_77, %mul3A_270 : i32
        %add3A_272 = arith.addi %mul3A_2, %mul3A_271 : i32
        %mul3A_273 = arith.constant 16 : i32
        %mul3A_274 = arith.muli %scan3A_255, %mul3A_273 : i32
        %add3A_275 = arith.addi %add3A_272, %mul3A_274 : i32
        %add3A_276 = vector.broadcast %add3A_275 : i32 to vector<16xi32>
        %add3A_277 = arith.addi %add3A_276, %iota3A : vector<16xi32>
        %shift_right_logical3A_278 = arith.constant 19 : i32
        %shift_right_logical3A_279 = vector.broadcast %shift_right_logical3A_278 : i32 to vector<16xi32>
        %shift_right_logical3A_280 = arith.shrui %bitcast3A_260, %shift_right_logical3A_279 : vector<16xi32>
        %sub3A_281 = arith.constant 1008 : i32
        %sub3A_282 = vector.broadcast %sub3A_281 : i32 to vector<16xi32>
        %sub3A_283 = arith.subi %shift_right_logical3A_280, %sub3A_282 : vector<16xi32>
        %jit3A_284 = arith.constant 0 : i32
        %jit3A_285 = arith.constant 2047 : i32
        %max3A_286 = vector.broadcast %jit3A_284 : i32 to vector<16xi32>
        %max3A_287 = arith.maxsi %max3A_286, %sub3A_283 : vector<16xi32>
        %min3A_288 = vector.broadcast %jit3A_285 : i32 to vector<16xi32>
        %min3A_289 = arith.minsi %min3A_288, %max3A_287 : vector<16xi32>
        %ge3A_290 = arith.cmpi sge, %min3A_289, %get3A_67 : vector<16xi32>
        %and3A_291 = arith.andi %gt3A_263, %ge3A_290 : vector<16xi1>
        %shift_right_logical3A_292 = arith.constant 19 : i32
        %shift_right_logical3A_293 = vector.broadcast %shift_right_logical3A_292 : i32 to vector<16xi32>
        %shift_right_logical3A_294 = arith.shrui %and3A_269, %shift_right_logical3A_293 : vector<16xi32>
        %sub3A_295 = arith.constant 1008 : i32
        %sub3A_296 = vector.broadcast %sub3A_295 : i32 to vector<16xi32>
        %sub3A_297 = arith.subi %shift_right_logical3A_294, %sub3A_296 : vector<16xi32>
        %jit3A_298 = arith.constant 0 : i32
        %jit3A_299 = arith.constant 2047 : i32
        %max3A_300 = vector.broadcast %jit3A_298 : i32 to vector<16xi32>
        %max3A_301 = arith.maxsi %max3A_300, %sub3A_297 : vector<16xi32>
        %min3A_302 = vector.broadcast %jit3A_299 : i32 to vector<16xi32>
        %min3A_303 = arith.minsi %min3A_302, %max3A_301 : vector<16xi32>
        %ge3A_304 = arith.cmpi sge, %min3A_303, %get3A_69 : vector<16xi32>
        %and3A_305 = arith.andi %lt3A_266, %ge3A_304 : vector<16xi1>
        %min3A_306 = arith.constant 112 : i32
        %min3A_307 = arith.minsi %min3A_241, %min3A_306 : i32
        %min3A_308 = arith.constant 112 : i32
        %min3A_309 = arith.minsi %min3A_253, %min3A_308 : i32
        %swap3A_310 = arith.index_cast %min3A_307 : i32 to index
        %swap3A_311 = tpu.vector_load %arg10[%swap3A_310] masked %and3A_291 {strides = array<i32>} : memref<128xi32, #tpu.memory_space<vmem>>, vector<16xi32>, vector<16xi1>
        tpu.vector_store %arg10[%swap3A_310], %bitcast3A_260 masked %and3A_291 {strides = array<i32>} : memref<128xi32, #tpu.memory_space<vmem>>, vector<16xi32>, vector<16xi1>
        %swap3A_312 = arith.index_cast %min3A_307 : i32 to index
        %swap3A_313 = tpu.vector_load %arg11[%swap3A_312] masked %and3A_291 {strides = array<i32>} : memref<128xi32, #tpu.memory_space<vmem>>, vector<16xi32>, vector<16xi1>
        tpu.vector_store %arg11[%swap3A_312], %add3A_277 masked %and3A_291 {strides = array<i32>} : memref<128xi32, #tpu.memory_space<vmem>>, vector<16xi32>, vector<16xi1>
        %swap3A_314 = arith.index_cast %min3A_309 : i32 to index
        %swap3A_315 = tpu.vector_load %arg12[%swap3A_314] masked %and3A_305 {strides = array<i32>} : memref<128xi32, #tpu.memory_space<vmem>>, vector<16xi32>, vector<16xi1>
        tpu.vector_store %arg12[%swap3A_314], %and3A_269 masked %and3A_305 {strides = array<i32>} : memref<128xi32, #tpu.memory_space<vmem>>, vector<16xi32>, vector<16xi1>
        %swap3A_316 = arith.index_cast %min3A_309 : i32 to index
        %swap3A_317 = tpu.vector_load %arg13[%swap3A_316] masked %and3A_305 {strides = array<i32>} : memref<128xi32, #tpu.memory_space<vmem>>, vector<16xi32>, vector<16xi1>
        tpu.vector_store %arg13[%swap3A_316], %add3A_277 masked %and3A_305 {strides = array<i32>} : memref<128xi32, #tpu.memory_space<vmem>>, vector<16xi32>, vector<16xi1>
        %all_reduce_population_count3A_318 = tpu.all_reduce %and3A_291 {dim = 0 : i64, kind = #tpu.reduction_kind<sum>} : vector<16xi1> -> vector<16xi32>
        %reduce_max3A_319 = arith.constant true
        %reduce_max3A_320 = vector.broadcast %reduce_max3A_319 : i1 to vector<16xi1>
        %reduce_max3A_321 = arith.constant -2147483648 : i32
        %reduce_max3A_322 = vector.broadcast %reduce_max3A_321 : i32 to vector<16xi32>
        %reduce_max3A_323 = arith.xori %all_reduce_population_count3A_318, %reduce_max3A_322 : vector<16xi32>
        %reduce_max3A_324 = tpu.scan <max>, %reduce_max3A_323 masked %reduce_max3A_320 : vector<16xi32>, vector<16xi1> -> vector<16xi32>
        %reduce_max3A_325 = arith.xori %reduce_max3A_324, %reduce_max3A_322 : vector<16xi32>
        %reduce_max3A_326 = vector.extract %reduce_max3A_325[15] : i32 from vector<16xi32>
        %add3A_327 = arith.addi %min3A_241, %reduce_max3A_326 : i32
        %min3A_328 = arith.constant 112 : i32
        %min3A_329 = arith.minsi %add3A_327, %min3A_328 : i32
        %all_reduce_population_count3A_330 = tpu.all_reduce %and3A_305 {dim = 0 : i64, kind = #tpu.reduction_kind<sum>} : vector<16xi1> -> vector<16xi32>
        %reduce_max3A_331 = arith.constant true
        %reduce_max3A_332 = vector.broadcast %reduce_max3A_331 : i1 to vector<16xi1>
        %reduce_max3A_333 = arith.constant -2147483648 : i32
        %reduce_max3A_334 = vector.broadcast %reduce_max3A_333 : i32 to vector<16xi32>
        %reduce_max3A_335 = arith.xori %all_reduce_population_count3A_330, %reduce_max3A_334 : vector<16xi32>
        %reduce_max3A_336 = tpu.scan <max>, %reduce_max3A_335 masked %reduce_max3A_332 : vector<16xi32>, vector<16xi1> -> vector<16xi32>
        %reduce_max3A_337 = arith.xori %reduce_max3A_336, %reduce_max3A_334 : vector<16xi32>
        %reduce_max3A_338 = vector.extract %reduce_max3A_337[15] : i32 from vector<16xi32>
        %add3A_339 = arith.addi %min3A_253, %reduce_max3A_338 : i32
        %min3A_340 = arith.constant 112 : i32
        %min3A_341 = arith.minsi %add3A_339, %min3A_340 : i32
        %scan3A_342 = arith.constant 3 : i32
        %scan3A_343 = arith.addi %scan3A_89, %scan3A_342 : i32
        %mul3A_344 = arith.constant 16 : i32
        %mul3A_345 = arith.muli %scan3A_343, %mul3A_344 : i32
        %get3A_346 = arith.index_cast %mul3A_345 : i32 to index
        %get3A_347 = tpu.vector_load %arg8[%get3A_346] {strides = array<i32>} : memref<16384xf32, #tpu.memory_space<vmem>>, vector<16xf32>,
        %bitcast3A_348 = vector.bitcast %get3A_347 : vector<16xf32> to vector<16xi32>
        %gt3A_349 = arith.constant 0.000000e+00 : f32
        %gt3A_350 = vector.broadcast %gt3A_349 : f32 to vector<16xf32>
        %gt3A_351 = arith.cmpf ogt, %get3A_347, %gt3A_350 : vector<16xf32>
        %lt3A_352 = arith.constant 0.000000e+00 : f32
        %lt3A_353 = vector.broadcast %lt3A_352 : f32 to vector<16xf32>
        %lt3A_354 = arith.cmpf olt, %get3A_347, %lt3A_353 : vector<16xf32>
        %and3A_355 = arith.constant 2147483647 : i32
        %and3A_356 = vector.broadcast %and3A_355 : i32 to vector<16xi32>
        %and3A_357 = arith.andi %bitcast3A_348, %and3A_356 : vector<16xi32>
        %mul3A_358 = arith.constant 16384 : i32
        %mul3A_359 = arith.muli %scan3A_77, %mul3A_358 : i32
        %add3A_360 = arith.addi %mul3A_2, %mul3A_359 : i32
        %mul3A_361 = arith.constant 16 : i32
        %mul3A_362 = arith.muli %scan3A_343, %mul3A_361 : i32
        %add3A_363 = arith.addi %add3A_360, %mul3A_362 : i32
        %add3A_364 = vector.broadcast %add3A_363 : i32 to vector<16xi32>
        %add3A_365 = arith.addi %add3A_364, %iota3A : vector<16xi32>
        %shift_right_logical3A_366 = arith.constant 19 : i32
        %shift_right_logical3A_367 = vector.broadcast %shift_right_logical3A_366 : i32 to vector<16xi32>
        %shift_right_logical3A_368 = arith.shrui %bitcast3A_348, %shift_right_logical3A_367 : vector<16xi32>
        %sub3A_369 = arith.constant 1008 : i32
        %sub3A_370 = vector.broadcast %sub3A_369 : i32 to vector<16xi32>
        %sub3A_371 = arith.subi %shift_right_logical3A_368, %sub3A_370 : vector<16xi32>
        %jit3A_372 = arith.constant 0 : i32
        %jit3A_373 = arith.constant 2047 : i32
        %max3A_374 = vector.broadcast %jit3A_372 : i32 to vector<16xi32>
        %max3A_375 = arith.maxsi %max3A_374, %sub3A_371 : vector<16xi32>
        %min3A_376 = vector.broadcast %jit3A_373 : i32 to vector<16xi32>
        %min3A_377 = arith.minsi %min3A_376, %max3A_375 : vector<16xi32>
        %ge3A_378 = arith.cmpi sge, %min3A_377, %get3A_67 : vector<16xi32>
        %and3A_379 = arith.andi %gt3A_351, %ge3A_378 : vector<16xi1>
        %shift_right_logical3A_380 = arith.constant 19 : i32
        %shift_right_logical3A_381 = vector.broadcast %shift_right_logical3A_380 : i32 to vector<16xi32>
        %shift_right_logical3A_382 = arith.shrui %and3A_357, %shift_right_logical3A_381 : vector<16xi32>
        %sub3A_383 = arith.constant 1008 : i32
        %sub3A_384 = vector.broadcast %sub3A_383 : i32 to vector<16xi32>
        %sub3A_385 = arith.subi %shift_right_logical3A_382, %sub3A_384 : vector<16xi32>
        %jit3A_386 = arith.constant 0 : i32
        %jit3A_387 = arith.constant 2047 : i32
        %max3A_388 = vector.broadcast %jit3A_386 : i32 to vector<16xi32>
        %max3A_389 = arith.maxsi %max3A_388, %sub3A_385 : vector<16xi32>
        %min3A_390 = vector.broadcast %jit3A_387 : i32 to vector<16xi32>
        %min3A_391 = arith.minsi %min3A_390, %max3A_389 : vector<16xi32>
        %ge3A_392 = arith.cmpi sge, %min3A_391, %get3A_69 : vector<16xi32>
        %and3A_393 = arith.andi %lt3A_354, %ge3A_392 : vector<16xi1>
        %min3A_394 = arith.constant 112 : i32
        %min3A_395 = arith.minsi %min3A_329, %min3A_394 : i32
        %min3A_396 = arith.constant 112 : i32
        %min3A_397 = arith.minsi %min3A_341, %min3A_396 : i32
        %swap3A_398 = arith.index_cast %min3A_395 : i32 to index
        %swap3A_399 = tpu.vector_load %arg10[%swap3A_398] masked %and3A_379 {strides = array<i32>} : memref<128xi32, #tpu.memory_space<vmem>>, vector<16xi32>, vector<16xi1>
        tpu.vector_store %arg10[%swap3A_398], %bitcast3A_348 masked %and3A_379 {strides = array<i32>} : memref<128xi32, #tpu.memory_space<vmem>>, vector<16xi32>, vector<16xi1>
        %swap3A_400 = arith.index_cast %min3A_395 : i32 to index
        %swap3A_401 = tpu.vector_load %arg11[%swap3A_400] masked %and3A_379 {strides = array<i32>} : memref<128xi32, #tpu.memory_space<vmem>>, vector<16xi32>, vector<16xi1>
        tpu.vector_store %arg11[%swap3A_400], %add3A_365 masked %and3A_379 {strides = array<i32>} : memref<128xi32, #tpu.memory_space<vmem>>, vector<16xi32>, vector<16xi1>
        %swap3A_402 = arith.index_cast %min3A_397 : i32 to index
        %swap3A_403 = tpu.vector_load %arg12[%swap3A_402] masked %and3A_393 {strides = array<i32>} : memref<128xi32, #tpu.memory_space<vmem>>, vector<16xi32>, vector<16xi1>
        tpu.vector_store %arg12[%swap3A_402], %and3A_357 masked %and3A_393 {strides = array<i32>} : memref<128xi32, #tpu.memory_space<vmem>>, vector<16xi32>, vector<16xi1>
        %swap3A_404 = arith.index_cast %min3A_397 : i32 to index
        %swap3A_405 = tpu.vector_load %arg13[%swap3A_404] masked %and3A_393 {strides = array<i32>} : memref<128xi32, #tpu.memory_space<vmem>>, vector<16xi32>, vector<16xi1>
        tpu.vector_store %arg13[%swap3A_404], %add3A_365 masked %and3A_393 {strides = array<i32>} : memref<128xi32, #tpu.memory_space<vmem>>, vector<16xi32>, vector<16xi1>
        %all_reduce_population_count3A_406 = tpu.all_reduce %and3A_379 {dim = 0 : i64, kind = #tpu.reduction_kind<sum>} : vector<16xi1> -> vector<16xi32>
        %reduce_max3A_407 = arith.constant true
        %reduce_max3A_408 = vector.broadcast %reduce_max3A_407 : i1 to vector<16xi1>
        %reduce_max3A_409 = arith.constant -2147483648 : i32
        %reduce_max3A_410 = vector.broadcast %reduce_max3A_409 : i32 to vector<16xi32>
        %reduce_max3A_411 = arith.xori %all_reduce_population_count3A_406, %reduce_max3A_410 : vector<16xi32>
        %reduce_max3A_412 = tpu.scan <max>, %reduce_max3A_411 masked %reduce_max3A_408 : vector<16xi32>, vector<16xi1> -> vector<16xi32>
        %reduce_max3A_413 = arith.xori %reduce_max3A_412, %reduce_max3A_410 : vector<16xi32>
        %reduce_max3A_414 = vector.extract %reduce_max3A_413[15] : i32 from vector<16xi32>
        %add3A_415 = arith.addi %min3A_329, %reduce_max3A_414 : i32
        %min3A_416 = arith.constant 112 : i32
        %min3A_417 = arith.minsi %add3A_415, %min3A_416 : i32
        %all_reduce_population_count3A_418 = tpu.all_reduce %and3A_393 {dim = 0 : i64, kind = #tpu.reduction_kind<sum>} : vector<16xi1> -> vector<16xi32>
        %reduce_max3A_419 = arith.constant true
        %reduce_max3A_420 = vector.broadcast %reduce_max3A_419 : i1 to vector<16xi1>
        %reduce_max3A_421 = arith.constant -2147483648 : i32
        %reduce_max3A_422 = vector.broadcast %reduce_max3A_421 : i32 to vector<16xi32>
        %reduce_max3A_423 = arith.xori %all_reduce_population_count3A_418, %reduce_max3A_422 : vector<16xi32>
        %reduce_max3A_424 = tpu.scan <max>, %reduce_max3A_423 masked %reduce_max3A_420 : vector<16xi32>, vector<16xi1> -> vector<16xi32>
        %reduce_max3A_425 = arith.xori %reduce_max3A_424, %reduce_max3A_422 : vector<16xi32>
        %reduce_max3A_426 = vector.extract %reduce_max3A_425[15] : i32 from vector<16xi32>
        %add3A_427 = arith.addi %min3A_341, %reduce_max3A_426 : i32
        %min3A_428 = arith.constant 112 : i32
        %min3A_429 = arith.minsi %add3A_427, %min3A_428 : i32
        scf.yield %min3A_417, %min3A_429 : i32, i32
      }
      %scan3A_88 = arith.constant 1024 : i32
      scf.yield %scan3A_87#0, %scan3A_87#1 : i32, i32
    }
    %scan3A_76 = arith.constant 8 : i32
    "tpu.region"() ({
      %run_scoped3A = tpu.sem_alloc : memref<!tpu.dma_semaphore, #tpu.memory_space<semaphore_mem>>
      %dma_start3A = arith.constant 0 : i32
      %dma_start3A_77 = tpu.memref_slice %arg4[%add3A, %dma_start3A] : memref<32x128xi32, #tpu.memory_space<hbm>> -> memref<1x128xi32, #tpu.memory_space<hbm>>
      %dma_start3A_78 = tpu.memref_squeeze %dma_start3A_77 : memref<1x128xi32, #tpu.memory_space<hbm>> -> memref<128xi32, #tpu.memory_space<hbm>>
      %dma_start3A_79 = arith.constant 0 : i32
      %dma_start3A_80 = tpu.memref_slice %arg4[%add3A, %dma_start3A_79] : memref<32x128xi32, #tpu.memory_space<hbm>> -> memref<1x128xi32, #tpu.memory_space<hbm>>
      %dma_start3A_81 = tpu.memref_squeeze %dma_start3A_80 : memref<1x128xi32, #tpu.memory_space<hbm>> -> memref<128xi32, #tpu.memory_space<hbm>>
      tpu.enqueue_dma source(%arg10 : memref<128xi32, #tpu.memory_space<vmem>>) target(%dma_start3A_81 : memref<128xi32, #tpu.memory_space<hbm>>) target_semaphore(%run_scoped3A : memref<!tpu.dma_semaphore, #tpu.memory_space<semaphore_mem>>)
      %dma_wait3A = arith.constant 0 : i32
      %dma_wait3A_82 = tpu.memref_slice %arg4[%add3A, %dma_wait3A] : memref<32x128xi32, #tpu.memory_space<hbm>> -> memref<1x128xi32, #tpu.memory_space<hbm>>
      %dma_wait3A_83 = tpu.memref_squeeze %dma_wait3A_82 : memref<1x128xi32, #tpu.memory_space<hbm>> -> memref<128xi32, #tpu.memory_space<hbm>>
      %dma_wait3A_84 = arith.constant 0 : i32
      %dma_wait3A_85 = tpu.memref_slice %arg4[%add3A, %dma_wait3A_84] : memref<32x128xi32, #tpu.memory_space<hbm>> -> memref<1x128xi32, #tpu.memory_space<hbm>>
      %dma_wait3A_86 = tpu.memref_squeeze %dma_wait3A_85 : memref<1x128xi32, #tpu.memory_space<hbm>> -> memref<128xi32, #tpu.memory_space<hbm>>
      tpu.wait_dma2 semaphore(%run_scoped3A : memref<!tpu.dma_semaphore, #tpu.memory_space<semaphore_mem>>) src(%arg10 : memref<128xi32, #tpu.memory_space<vmem>>) dst(%dma_wait3A_86 : memref<128xi32, #tpu.memory_space<hbm>>)
      tpu.yield
    }) : () -> ()
    "tpu.region"() ({
      %run_scoped3A = tpu.sem_alloc : memref<!tpu.dma_semaphore, #tpu.memory_space<semaphore_mem>>
      %dma_start3A = arith.constant 0 : i32
      %dma_start3A_77 = tpu.memref_slice %arg5[%add3A, %dma_start3A] : memref<32x128xi32, #tpu.memory_space<hbm>> -> memref<1x128xi32, #tpu.memory_space<hbm>>
      %dma_start3A_78 = tpu.memref_squeeze %dma_start3A_77 : memref<1x128xi32, #tpu.memory_space<hbm>> -> memref<128xi32, #tpu.memory_space<hbm>>
      %dma_start3A_79 = arith.constant 0 : i32
      %dma_start3A_80 = tpu.memref_slice %arg5[%add3A, %dma_start3A_79] : memref<32x128xi32, #tpu.memory_space<hbm>> -> memref<1x128xi32, #tpu.memory_space<hbm>>
      %dma_start3A_81 = tpu.memref_squeeze %dma_start3A_80 : memref<1x128xi32, #tpu.memory_space<hbm>> -> memref<128xi32, #tpu.memory_space<hbm>>
      tpu.enqueue_dma source(%arg11 : memref<128xi32, #tpu.memory_space<vmem>>) target(%dma_start3A_81 : memref<128xi32, #tpu.memory_space<hbm>>) target_semaphore(%run_scoped3A : memref<!tpu.dma_semaphore, #tpu.memory_space<semaphore_mem>>)
      %dma_wait3A = arith.constant 0 : i32
      %dma_wait3A_82 = tpu.memref_slice %arg5[%add3A, %dma_wait3A] : memref<32x128xi32, #tpu.memory_space<hbm>> -> memref<1x128xi32, #tpu.memory_space<hbm>>
      %dma_wait3A_83 = tpu.memref_squeeze %dma_wait3A_82 : memref<1x128xi32, #tpu.memory_space<hbm>> -> memref<128xi32, #tpu.memory_space<hbm>>
      %dma_wait3A_84 = arith.constant 0 : i32
      %dma_wait3A_85 = tpu.memref_slice %arg5[%add3A, %dma_wait3A_84] : memref<32x128xi32, #tpu.memory_space<hbm>> -> memref<1x128xi32, #tpu.memory_space<hbm>>
      %dma_wait3A_86 = tpu.memref_squeeze %dma_wait3A_85 : memref<1x128xi32, #tpu.memory_space<hbm>> -> memref<128xi32, #tpu.memory_space<hbm>>
      tpu.wait_dma2 semaphore(%run_scoped3A : memref<!tpu.dma_semaphore, #tpu.memory_space<semaphore_mem>>) src(%arg11 : memref<128xi32, #tpu.memory_space<vmem>>) dst(%dma_wait3A_86 : memref<128xi32, #tpu.memory_space<hbm>>)
      tpu.yield
    }) : () -> ()
    "tpu.region"() ({
      %run_scoped3A = tpu.sem_alloc : memref<!tpu.dma_semaphore, #tpu.memory_space<semaphore_mem>>
      %dma_start3A = arith.constant 0 : i32
      %dma_start3A_77 = tpu.memref_slice %arg6[%add3A, %dma_start3A] : memref<32x128xi32, #tpu.memory_space<hbm>> -> memref<1x128xi32, #tpu.memory_space<hbm>>
      %dma_start3A_78 = tpu.memref_squeeze %dma_start3A_77 : memref<1x128xi32, #tpu.memory_space<hbm>> -> memref<128xi32, #tpu.memory_space<hbm>>
      %dma_start3A_79 = arith.constant 0 : i32
      %dma_start3A_80 = tpu.memref_slice %arg6[%add3A, %dma_start3A_79] : memref<32x128xi32, #tpu.memory_space<hbm>> -> memref<1x128xi32, #tpu.memory_space<hbm>>
      %dma_start3A_81 = tpu.memref_squeeze %dma_start3A_80 : memref<1x128xi32, #tpu.memory_space<hbm>> -> memref<128xi32, #tpu.memory_space<hbm>>
      tpu.enqueue_dma source(%arg12 : memref<128xi32, #tpu.memory_space<vmem>>) target(%dma_start3A_81 : memref<128xi32, #tpu.memory_space<hbm>>) target_semaphore(%run_scoped3A : memref<!tpu.dma_semaphore, #tpu.memory_space<semaphore_mem>>)
      %dma_wait3A = arith.constant 0 : i32
      %dma_wait3A_82 = tpu.memref_slice %arg6[%add3A, %dma_wait3A] : memref<32x128xi32, #tpu.memory_space<hbm>> -> memref<1x128xi32, #tpu.memory_space<hbm>>
      %dma_wait3A_83 = tpu.memref_squeeze %dma_wait3A_82 : memref<1x128xi32, #tpu.memory_space<hbm>> -> memref<128xi32, #tpu.memory_space<hbm>>
      %dma_wait3A_84 = arith.constant 0 : i32
      %dma_wait3A_85 = tpu.memref_slice %arg6[%add3A, %dma_wait3A_84] : memref<32x128xi32, #tpu.memory_space<hbm>> -> memref<1x128xi32, #tpu.memory_space<hbm>>
      %dma_wait3A_86 = tpu.memref_squeeze %dma_wait3A_85 : memref<1x128xi32, #tpu.memory_space<hbm>> -> memref<128xi32, #tpu.memory_space<hbm>>
      tpu.wait_dma2 semaphore(%run_scoped3A : memref<!tpu.dma_semaphore, #tpu.memory_space<semaphore_mem>>) src(%arg12 : memref<128xi32, #tpu.memory_space<vmem>>) dst(%dma_wait3A_86 : memref<128xi32, #tpu.memory_space<hbm>>)
      tpu.yield
    }) : () -> ()
    "tpu.region"() ({
      %run_scoped3A = tpu.sem_alloc : memref<!tpu.dma_semaphore, #tpu.memory_space<semaphore_mem>>
      %dma_start3A = arith.constant 0 : i32
      %dma_start3A_77 = tpu.memref_slice %arg7[%add3A, %dma_start3A] : memref<32x128xi32, #tpu.memory_space<hbm>> -> memref<1x128xi32, #tpu.memory_space<hbm>>
      %dma_start3A_78 = tpu.memref_squeeze %dma_start3A_77 : memref<1x128xi32, #tpu.memory_space<hbm>> -> memref<128xi32, #tpu.memory_space<hbm>>
      %dma_start3A_79 = arith.constant 0 : i32
      %dma_start3A_80 = tpu.memref_slice %arg7[%add3A, %dma_start3A_79] : memref<32x128xi32, #tpu.memory_space<hbm>> -> memref<1x128xi32, #tpu.memory_space<hbm>>
      %dma_start3A_81 = tpu.memref_squeeze %dma_start3A_80 : memref<1x128xi32, #tpu.memory_space<hbm>> -> memref<128xi32, #tpu.memory_space<hbm>>
      tpu.enqueue_dma source(%arg13 : memref<128xi32, #tpu.memory_space<vmem>>) target(%dma_start3A_81 : memref<128xi32, #tpu.memory_space<hbm>>) target_semaphore(%run_scoped3A : memref<!tpu.dma_semaphore, #tpu.memory_space<semaphore_mem>>)
      %dma_wait3A = arith.constant 0 : i32
      %dma_wait3A_82 = tpu.memref_slice %arg7[%add3A, %dma_wait3A] : memref<32x128xi32, #tpu.memory_space<hbm>> -> memref<1x128xi32, #tpu.memory_space<hbm>>
      %dma_wait3A_83 = tpu.memref_squeeze %dma_wait3A_82 : memref<1x128xi32, #tpu.memory_space<hbm>> -> memref<128xi32, #tpu.memory_space<hbm>>
      %dma_wait3A_84 = arith.constant 0 : i32
      %dma_wait3A_85 = tpu.memref_slice %arg7[%add3A, %dma_wait3A_84] : memref<32x128xi32, #tpu.memory_space<hbm>> -> memref<1x128xi32, #tpu.memory_space<hbm>>
      %dma_wait3A_86 = tpu.memref_squeeze %dma_wait3A_85 : memref<1x128xi32, #tpu.memory_space<hbm>> -> memref<128xi32, #tpu.memory_space<hbm>>
      tpu.wait_dma2 semaphore(%run_scoped3A : memref<!tpu.dma_semaphore, #tpu.memory_space<semaphore_mem>>) src(%arg13 : memref<128xi32, #tpu.memory_space<vmem>>) dst(%dma_wait3A_86 : memref<128xi32, #tpu.memory_space<hbm>>)
      tpu.yield
    }) : () -> ()
    return
  }
}

#map = affine_map<(d0, d1) -> (0)>
#map1 = affine_map<(d0, d1) -> (0, 0)>
module attributes {stable_mosaic.version = 14 : i64} {
  func.func @_k5(%arg0: i32, %arg1: i32, %arg2: memref<4194304xf32, #tpu.memory_space<hbm>>, %arg3: memref<64xf32, #tpu.memory_space<hbm>>, %arg4: memref<32x96xi32, #tpu.memory_space<hbm>>, %arg5: memref<32x96xi32, #tpu.memory_space<hbm>>, %arg6: memref<32x32xi32, #tpu.memory_space<hbm>>, %arg7: memref<16384xf32, #tpu.memory_space<vmem>>, %arg8: memref<64xf32, #tpu.memory_space<vmem>>, %arg9: memref<96xi32, #tpu.memory_space<vmem>>, %arg10: memref<96xi32, #tpu.memory_space<vmem>>, %arg11: memref<32xi32, #tpu.memory_space<vmem>>) attributes {dimension_semantics = [#tpu.dimension_semantics<core_parallel>, #tpu.dimension_semantics<subcore_parallel>], iteration_bounds = array<i64: 2, 16>, scalar_prefetch = 0 : i64, scratch_operands = 5 : i64, tpu.core_type = #tpu.core_type<sc_vector_subcore>, window_params = [{transform_indices = #map}, {transform_indices = #map}, {transform_indices = #map1}, {transform_indices = #map1}, {transform_indices = #map1}]} {
    %mul3A = arith.constant 2 : i32
    %mul3A_0 = arith.muli %arg1, %mul3A : i32
    %add3A = arith.addi %mul3A_0, %arg0 : i32
    %mul3A_1 = arith.constant 131072 : i32
    %mul3A_2 = arith.muli %add3A, %mul3A_1 : i32
    %broadcast_in_dim3A = arith.constant 0 : i32
    %broadcast_in_dim3A_3 = vector.broadcast %broadcast_in_dim3A : i32 to vector<16xi32>
    %iota3A = tpu.iota {dimensions = array<i32: 0>} : vector<16xi32>
    %swap3A = arith.constant 0 : index
    %swap3A_4 = tpu.vector_load %arg9[%swap3A] {strides = array<i32>} : memref<96xi32, #tpu.memory_space<vmem>>, vector<16xi32>,
    tpu.vector_store %arg9[%swap3A], %broadcast_in_dim3A_3 {strides = array<i32>} : memref<96xi32, #tpu.memory_space<vmem>>, vector<16xi32>,
    %swap3A_5 = arith.constant 0 : index
    %swap3A_6 = tpu.vector_load %arg10[%swap3A_5] {strides = array<i32>} : memref<96xi32, #tpu.memory_space<vmem>>, vector<16xi32>,
    tpu.vector_store %arg10[%swap3A_5], %broadcast_in_dim3A_3 {strides = array<i32>} : memref<96xi32, #tpu.memory_space<vmem>>, vector<16xi32>,
    %swap3A_7 = arith.constant 16 : index
    %swap3A_8 = tpu.vector_load %arg9[%swap3A_7] {strides = array<i32>} : memref<96xi32, #tpu.memory_space<vmem>>, vector<16xi32>,
    tpu.vector_store %arg9[%swap3A_7], %broadcast_in_dim3A_3 {strides = array<i32>} : memref<96xi32, #tpu.memory_space<vmem>>, vector<16xi32>,
    %swap3A_9 = arith.constant 16 : index
    %swap3A_10 = tpu.vector_load %arg10[%swap3A_9] {strides = array<i32>} : memref<96xi32, #tpu.memory_space<vmem>>, vector<16xi32>,
    tpu.vector_store %arg10[%swap3A_9], %broadcast_in_dim3A_3 {strides = array<i32>} : memref<96xi32, #tpu.memory_space<vmem>>, vector<16xi32>,
    %swap3A_11 = arith.constant 32 : index
    %swap3A_12 = tpu.vector_load %arg9[%swap3A_11] {strides = array<i32>} : memref<96xi32, #tpu.memory_space<vmem>>, vector<16xi32>,
    tpu.vector_store %arg9[%swap3A_11], %broadcast_in_dim3A_3 {strides = array<i32>} : memref<96xi32, #tpu.memory_space<vmem>>, vector<16xi32>,
    %swap3A_13 = arith.constant 32 : index
    %swap3A_14 = tpu.vector_load %arg10[%swap3A_13] {strides = array<i32>} : memref<96xi32, #tpu.memory_space<vmem>>, vector<16xi32>,
    tpu.vector_store %arg10[%swap3A_13], %broadcast_in_dim3A_3 {strides = array<i32>} : memref<96xi32, #tpu.memory_space<vmem>>, vector<16xi32>,
    %swap3A_15 = arith.constant 48 : index
    %swap3A_16 = tpu.vector_load %arg9[%swap3A_15] {strides = array<i32>} : memref<96xi32, #tpu.memory_space<vmem>>, vector<16xi32>,
    tpu.vector_store %arg9[%swap3A_15], %broadcast_in_dim3A_3 {strides = array<i32>} : memref<96xi32, #tpu.memory_space<vmem>>, vector<16xi32>,
    %swap3A_17 = arith.constant 48 : index
    %swap3A_18 = tpu.vector_load %arg10[%swap3A_17] {strides = array<i32>} : memref<96xi32, #tpu.memory_space<vmem>>, vector<16xi32>,
    tpu.vector_store %arg10[%swap3A_17], %broadcast_in_dim3A_3 {strides = array<i32>} : memref<96xi32, #tpu.memory_space<vmem>>, vector<16xi32>,
    %swap3A_19 = arith.constant 64 : index
    %swap3A_20 = tpu.vector_load %arg9[%swap3A_19] {strides = array<i32>} : memref<96xi32, #tpu.memory_space<vmem>>, vector<16xi32>,
    tpu.vector_store %arg9[%swap3A_19], %broadcast_in_dim3A_3 {strides = array<i32>} : memref<96xi32, #tpu.memory_space<vmem>>, vector<16xi32>,
    %swap3A_21 = arith.constant 64 : index
    %swap3A_22 = tpu.vector_load %arg10[%swap3A_21] {strides = array<i32>} : memref<96xi32, #tpu.memory_space<vmem>>, vector<16xi32>,
    tpu.vector_store %arg10[%swap3A_21], %broadcast_in_dim3A_3 {strides = array<i32>} : memref<96xi32, #tpu.memory_space<vmem>>, vector<16xi32>,
    %swap3A_23 = arith.constant 80 : index
    %swap3A_24 = tpu.vector_load %arg9[%swap3A_23] {strides = array<i32>} : memref<96xi32, #tpu.memory_space<vmem>>, vector<16xi32>,
    tpu.vector_store %arg9[%swap3A_23], %broadcast_in_dim3A_3 {strides = array<i32>} : memref<96xi32, #tpu.memory_space<vmem>>, vector<16xi32>,
    %swap3A_25 = arith.constant 80 : index
    %swap3A_26 = tpu.vector_load %arg10[%swap3A_25] {strides = array<i32>} : memref<96xi32, #tpu.memory_space<vmem>>, vector<16xi32>,
    tpu.vector_store %arg10[%swap3A_25], %broadcast_in_dim3A_3 {strides = array<i32>} : memref<96xi32, #tpu.memory_space<vmem>>, vector<16xi32>,
    "tpu.region"() ({
      %run_scoped3A = tpu.sem_alloc : memref<!tpu.dma_semaphore, #tpu.memory_space<semaphore_mem>>
      tpu.enqueue_dma source(%arg3 : memref<64xf32, #tpu.memory_space<hbm>>) target(%arg8 : memref<64xf32, #tpu.memory_space<vmem>>) target_semaphore(%run_scoped3A : memref<!tpu.dma_semaphore, #tpu.memory_space<semaphore_mem>>)
      tpu.wait_dma2 semaphore(%run_scoped3A : memref<!tpu.dma_semaphore, #tpu.memory_space<semaphore_mem>>) src(%arg3 : memref<64xf32, #tpu.memory_space<hbm>>) dst(%arg8 : memref<64xf32, #tpu.memory_space<vmem>>)
      tpu.yield
    }) : () -> ()
    %get3A = arith.constant 0 : index
    %get3A_27 = tpu.vector_load %arg8[%get3A] {strides = array<i32>} : memref<64xf32, #tpu.memory_space<vmem>>, vector<16xf32>,
    %get3A_28 = arith.constant 16 : index
    %get3A_29 = tpu.vector_load %arg8[%get3A_28] {strides = array<i32>} : memref<64xf32, #tpu.memory_space<vmem>>, vector<16xf32>,
    %get3A_30 = arith.constant 32 : index
    %get3A_31 = tpu.vector_load %arg8[%get3A_30] {strides = array<i32>} : memref<64xf32, #tpu.memory_space<vmem>>, vector<16xf32>,
    %get3A_32 = arith.constant 48 : index
    %get3A_33 = tpu.vector_load %arg8[%get3A_32] {strides = array<i32>} : memref<64xf32, #tpu.memory_space<vmem>>, vector<16xf32>,
    %scan3A = arith.constant 0 : i32
    %scan3A_34 = arith.constant 0 : i32
    %scan3A_35 = arith.constant 0 : i32
    %scan3A_36 = arith.constant 8 : i32
    %scan3A_37 = arith.addi %scan3A_35, %scan3A_36 : i32
    %scan3A_38 = arith.constant 1 : i32
    %scan3A_39:4 = scf.for %scan3A_45 = %scan3A_35 to %scan3A_37 step %scan3A_38 iter_args(%scan3A_46 = %scan3A, %scan3A_47 = %scan3A_34, %scan3A_48 = %broadcast_in_dim3A_3, %scan3A_49 = %broadcast_in_dim3A_3) -> (i32, i32, vector<16xi32>, vector<16xi32>)  : i32 {
      %mul3A_50 = arith.constant 16384 : i32
      %mul3A_51 = arith.muli %scan3A_45, %mul3A_50 : i32
      %add3A_52 = arith.addi %mul3A_2, %mul3A_51 : i32
      "tpu.region"() ({
        %run_scoped3A = tpu.sem_alloc : memref<!tpu.dma_semaphore, #tpu.memory_space<semaphore_mem>>
        %dma_start3A = tpu.memref_slice %arg2[%add3A_52] : memref<4194304xf32, #tpu.memory_space<hbm>> -> memref<16384xf32, #tpu.memory_space<hbm>>
        %dma_start3A_59 = tpu.memref_slice %arg2[%add3A_52] : memref<4194304xf32, #tpu.memory_space<hbm>> -> memref<16384xf32, #tpu.memory_space<hbm>>
        tpu.enqueue_dma source(%dma_start3A_59 : memref<16384xf32, #tpu.memory_space<hbm>>) target(%arg7 : memref<16384xf32, #tpu.memory_space<vmem>>) target_semaphore(%run_scoped3A : memref<!tpu.dma_semaphore, #tpu.memory_space<semaphore_mem>>)
        %dma_wait3A = tpu.memref_slice %arg2[%add3A_52] : memref<4194304xf32, #tpu.memory_space<hbm>> -> memref<16384xf32, #tpu.memory_space<hbm>>
        %dma_wait3A_60 = tpu.memref_slice %arg2[%add3A_52] : memref<4194304xf32, #tpu.memory_space<hbm>> -> memref<16384xf32, #tpu.memory_space<hbm>>
        tpu.wait_dma2 semaphore(%run_scoped3A : memref<!tpu.dma_semaphore, #tpu.memory_space<semaphore_mem>>) src(%dma_wait3A_60 : memref<16384xf32, #tpu.memory_space<hbm>>) dst(%arg7 : memref<16384xf32, #tpu.memory_space<vmem>>)
        tpu.yield
      }) : () -> ()
      %scan3A_53 = arith.constant 0 : i32
      %scan3A_54 = arith.constant 1024 : i32
      %scan3A_55 = arith.addi %scan3A_53, %scan3A_54 : i32
      %scan3A_56 = arith.constant 4 : i32
      %scan3A_57:4 = scf.for %scan3A_59 = %scan3A_53 to %scan3A_55 step %scan3A_56 iter_args(%scan3A_60 = %scan3A_46, %scan3A_61 = %scan3A_47, %scan3A_62 = %scan3A_48, %scan3A_63 = %scan3A_49) -> (i32, i32, vector<16xi32>, vector<16xi32>)  : i32 {
        %mul3A_64 = arith.constant 16 : i32
        %mul3A_65 = arith.muli %scan3A_59, %mul3A_64 : i32
        %get3A_66 = arith.index_cast %mul3A_65 : i32 to index
        %get3A_67 = tpu.vector_load %arg7[%get3A_66] {strides = array<i32>} : memref<16384xf32, #tpu.memory_space<vmem>>, vector<16xf32>,
        %gt3A = arith.constant 0.000000e+00 : f32
        %gt3A_68 = vector.broadcast %gt3A : f32 to vector<16xf32>
        %gt3A_69 = arith.cmpf ogt, %get3A_67, %gt3A_68 : vector<16xf32>
        %lt3A = arith.constant 0.000000e+00 : f32
        %lt3A_70 = vector.broadcast %lt3A : f32 to vector<16xf32>
        %lt3A_71 = arith.cmpf olt, %get3A_67, %lt3A_70 : vector<16xf32>
        %mul3A_72 = arith.constant 16384 : i32
        %mul3A_73 = arith.muli %scan3A_45, %mul3A_72 : i32
        %add3A_74 = arith.addi %mul3A_2, %mul3A_73 : i32
        %mul3A_75 = arith.constant 16 : i32
        %mul3A_76 = arith.muli %scan3A_59, %mul3A_75 : i32
        %add3A_77 = arith.addi %add3A_74, %mul3A_76 : i32
        %add3A_78 = vector.broadcast %add3A_77 : i32 to vector<16xi32>
        %add3A_79 = arith.addi %add3A_78, %iota3A : vector<16xi32>
        %add3A_80 = arith.addf %get3A_67, %get3A_27 : vector<16xf32>
        %eq3A = arith.cmpf oeq, %add3A_80, %get3A_29 : vector<16xf32>
        %and3A = arith.andi %gt3A_69, %eq3A : vector<16xi1>
        %add3A_81 = arith.addf %get3A_67, %get3A_31 : vector<16xf32>
        %eq3A_82 = arith.cmpf oeq, %add3A_81, %get3A_33 : vector<16xf32>
        %and3A_83 = arith.andi %lt3A_71, %eq3A_82 : vector<16xi1>
        %min3A = arith.constant 80 : i32
        %min3A_84 = arith.minsi %scan3A_60, %min3A : i32
        %min3A_85 = arith.constant 80 : i32
        %min3A_86 = arith.minsi %scan3A_61, %min3A_85 : i32
        %swap3A_87 = arith.index_cast %min3A_84 : i32 to index
        %swap3A_88 = tpu.vector_load %arg9[%swap3A_87] masked %and3A {strides = array<i32>} : memref<96xi32, #tpu.memory_space<vmem>>, vector<16xi32>, vector<16xi1>
        tpu.vector_store %arg9[%swap3A_87], %add3A_79 masked %and3A {strides = array<i32>} : memref<96xi32, #tpu.memory_space<vmem>>, vector<16xi32>, vector<16xi1>
        %swap3A_89 = arith.index_cast %min3A_86 : i32 to index
        %swap3A_90 = tpu.vector_load %arg10[%swap3A_89] masked %and3A_83 {strides = array<i32>} : memref<96xi32, #tpu.memory_space<vmem>>, vector<16xi32>, vector<16xi1>
        tpu.vector_store %arg10[%swap3A_89], %add3A_79 masked %and3A_83 {strides = array<i32>} : memref<96xi32, #tpu.memory_space<vmem>>, vector<16xi32>, vector<16xi1>
        %jit3A = arith.constant 1 : i32
        %jit3A_91 = arith.constant 0 : i32
        %broadcast_in_dim3A_92 = vector.broadcast %jit3A : i32 to vector<16xi32>
        %broadcast_in_dim3A_93 = vector.broadcast %jit3A_91 : i32 to vector<16xi32>
        %select_n3A = arith.select %and3A, %broadcast_in_dim3A_92, %broadcast_in_dim3A_93 : vector<16xi1>, vector<16xi32>
        %add3A_94 = arith.addi %scan3A_62, %select_n3A : vector<16xi32>
        %jit3A_95 = arith.constant 1 : i32
        %jit3A_96 = arith.constant 0 : i32
        %broadcast_in_dim3A_97 = vector.broadcast %jit3A_95 : i32 to vector<16xi32>
        %broadcast_in_dim3A_98 = vector.broadcast %jit3A_96 : i32 to vector<16xi32>
        %select_n3A_99 = arith.select %and3A_83, %broadcast_in_dim3A_97, %broadcast_in_dim3A_98 : vector<16xi1>, vector<16xi32>
        %add3A_100 = arith.addi %scan3A_63, %select_n3A_99 : vector<16xi32>
        %all_reduce_population_count3A = tpu.all_reduce %and3A {dim = 0 : i64, kind = #tpu.reduction_kind<sum>} : vector<16xi1> -> vector<16xi32>
        %reduce_max3A = arith.constant true
        %reduce_max3A_101 = vector.broadcast %reduce_max3A : i1 to vector<16xi1>
        %reduce_max3A_102 = arith.constant -2147483648 : i32
        %reduce_max3A_103 = vector.broadcast %reduce_max3A_102 : i32 to vector<16xi32>
        %reduce_max3A_104 = arith.xori %all_reduce_population_count3A, %reduce_max3A_103 : vector<16xi32>
        %reduce_max3A_105 = tpu.scan <max>, %reduce_max3A_104 masked %reduce_max3A_101 : vector<16xi32>, vector<16xi1> -> vector<16xi32>
        %reduce_max3A_106 = arith.xori %reduce_max3A_105, %reduce_max3A_103 : vector<16xi32>
        %reduce_max3A_107 = vector.extract %reduce_max3A_106[15] : i32 from vector<16xi32>
        %add3A_108 = arith.addi %scan3A_60, %reduce_max3A_107 : i32
        %min3A_109 = arith.constant 80 : i32
        %min3A_110 = arith.minsi %add3A_108, %min3A_109 : i32
        %all_reduce_population_count3A_111 = tpu.all_reduce %and3A_83 {dim = 0 : i64, kind = #tpu.reduction_kind<sum>} : vector<16xi1> -> vector<16xi32>
        %reduce_max3A_112 = arith.constant true
        %reduce_max3A_113 = vector.broadcast %reduce_max3A_112 : i1 to vector<16xi1>
        %reduce_max3A_114 = arith.constant -2147483648 : i32
        %reduce_max3A_115 = vector.broadcast %reduce_max3A_114 : i32 to vector<16xi32>
        %reduce_max3A_116 = arith.xori %all_reduce_population_count3A_111, %reduce_max3A_115 : vector<16xi32>
        %reduce_max3A_117 = tpu.scan <max>, %reduce_max3A_116 masked %reduce_max3A_113 : vector<16xi32>, vector<16xi1> -> vector<16xi32>
        %reduce_max3A_118 = arith.xori %reduce_max3A_117, %reduce_max3A_115 : vector<16xi32>
        %reduce_max3A_119 = vector.extract %reduce_max3A_118[15] : i32 from vector<16xi32>
        %add3A_120 = arith.addi %scan3A_61, %reduce_max3A_119 : i32
        %min3A_121 = arith.constant 80 : i32
        %min3A_122 = arith.minsi %add3A_120, %min3A_121 : i32
        %scan3A_123 = arith.constant 1 : i32
        %scan3A_124 = arith.addi %scan3A_59, %scan3A_123 : i32
        %mul3A_125 = arith.constant 16 : i32
        %mul3A_126 = arith.muli %scan3A_124, %mul3A_125 : i32
        %get3A_127 = arith.index_cast %mul3A_126 : i32 to index
        %get3A_128 = tpu.vector_load %arg7[%get3A_127] {strides = array<i32>} : memref<16384xf32, #tpu.memory_space<vmem>>, vector<16xf32>,
        %gt3A_129 = arith.constant 0.000000e+00 : f32
        %gt3A_130 = vector.broadcast %gt3A_129 : f32 to vector<16xf32>
        %gt3A_131 = arith.cmpf ogt, %get3A_128, %gt3A_130 : vector<16xf32>
        %lt3A_132 = arith.constant 0.000000e+00 : f32
        %lt3A_133 = vector.broadcast %lt3A_132 : f32 to vector<16xf32>
        %lt3A_134 = arith.cmpf olt, %get3A_128, %lt3A_133 : vector<16xf32>
        %mul3A_135 = arith.constant 16384 : i32
        %mul3A_136 = arith.muli %scan3A_45, %mul3A_135 : i32
        %add3A_137 = arith.addi %mul3A_2, %mul3A_136 : i32
        %mul3A_138 = arith.constant 16 : i32
        %mul3A_139 = arith.muli %scan3A_124, %mul3A_138 : i32
        %add3A_140 = arith.addi %add3A_137, %mul3A_139 : i32
        %add3A_141 = vector.broadcast %add3A_140 : i32 to vector<16xi32>
        %add3A_142 = arith.addi %add3A_141, %iota3A : vector<16xi32>
        %add3A_143 = arith.addf %get3A_128, %get3A_27 : vector<16xf32>
        %eq3A_144 = arith.cmpf oeq, %add3A_143, %get3A_29 : vector<16xf32>
        %and3A_145 = arith.andi %gt3A_131, %eq3A_144 : vector<16xi1>
        %add3A_146 = arith.addf %get3A_128, %get3A_31 : vector<16xf32>
        %eq3A_147 = arith.cmpf oeq, %add3A_146, %get3A_33 : vector<16xf32>
        %and3A_148 = arith.andi %lt3A_134, %eq3A_147 : vector<16xi1>
        %min3A_149 = arith.constant 80 : i32
        %min3A_150 = arith.minsi %min3A_110, %min3A_149 : i32
        %min3A_151 = arith.constant 80 : i32
        %min3A_152 = arith.minsi %min3A_122, %min3A_151 : i32
        %swap3A_153 = arith.index_cast %min3A_150 : i32 to index
        %swap3A_154 = tpu.vector_load %arg9[%swap3A_153] masked %and3A_145 {strides = array<i32>} : memref<96xi32, #tpu.memory_space<vmem>>, vector<16xi32>, vector<16xi1>
        tpu.vector_store %arg9[%swap3A_153], %add3A_142 masked %and3A_145 {strides = array<i32>} : memref<96xi32, #tpu.memory_space<vmem>>, vector<16xi32>, vector<16xi1>
        %swap3A_155 = arith.index_cast %min3A_152 : i32 to index
        %swap3A_156 = tpu.vector_load %arg10[%swap3A_155] masked %and3A_148 {strides = array<i32>} : memref<96xi32, #tpu.memory_space<vmem>>, vector<16xi32>, vector<16xi1>
        tpu.vector_store %arg10[%swap3A_155], %add3A_142 masked %and3A_148 {strides = array<i32>} : memref<96xi32, #tpu.memory_space<vmem>>, vector<16xi32>, vector<16xi1>
        %jit3A_157 = arith.constant 1 : i32
        %jit3A_158 = arith.constant 0 : i32
        %broadcast_in_dim3A_159 = vector.broadcast %jit3A_157 : i32 to vector<16xi32>
        %broadcast_in_dim3A_160 = vector.broadcast %jit3A_158 : i32 to vector<16xi32>
        %select_n3A_161 = arith.select %and3A_145, %broadcast_in_dim3A_159, %broadcast_in_dim3A_160 : vector<16xi1>, vector<16xi32>
        %add3A_162 = arith.addi %add3A_94, %select_n3A_161 : vector<16xi32>
        %jit3A_163 = arith.constant 1 : i32
        %jit3A_164 = arith.constant 0 : i32
        %broadcast_in_dim3A_165 = vector.broadcast %jit3A_163 : i32 to vector<16xi32>
        %broadcast_in_dim3A_166 = vector.broadcast %jit3A_164 : i32 to vector<16xi32>
        %select_n3A_167 = arith.select %and3A_148, %broadcast_in_dim3A_165, %broadcast_in_dim3A_166 : vector<16xi1>, vector<16xi32>
        %add3A_168 = arith.addi %add3A_100, %select_n3A_167 : vector<16xi32>
        %all_reduce_population_count3A_169 = tpu.all_reduce %and3A_145 {dim = 0 : i64, kind = #tpu.reduction_kind<sum>} : vector<16xi1> -> vector<16xi32>
        %reduce_max3A_170 = arith.constant true
        %reduce_max3A_171 = vector.broadcast %reduce_max3A_170 : i1 to vector<16xi1>
        %reduce_max3A_172 = arith.constant -2147483648 : i32
        %reduce_max3A_173 = vector.broadcast %reduce_max3A_172 : i32 to vector<16xi32>
        %reduce_max3A_174 = arith.xori %all_reduce_population_count3A_169, %reduce_max3A_173 : vector<16xi32>
        %reduce_max3A_175 = tpu.scan <max>, %reduce_max3A_174 masked %reduce_max3A_171 : vector<16xi32>, vector<16xi1> -> vector<16xi32>
        %reduce_max3A_176 = arith.xori %reduce_max3A_175, %reduce_max3A_173 : vector<16xi32>
        %reduce_max3A_177 = vector.extract %reduce_max3A_176[15] : i32 from vector<16xi32>
        %add3A_178 = arith.addi %min3A_110, %reduce_max3A_177 : i32
        %min3A_179 = arith.constant 80 : i32
        %min3A_180 = arith.minsi %add3A_178, %min3A_179 : i32
        %all_reduce_population_count3A_181 = tpu.all_reduce %and3A_148 {dim = 0 : i64, kind = #tpu.reduction_kind<sum>} : vector<16xi1> -> vector<16xi32>
        %reduce_max3A_182 = arith.constant true
        %reduce_max3A_183 = vector.broadcast %reduce_max3A_182 : i1 to vector<16xi1>
        %reduce_max3A_184 = arith.constant -2147483648 : i32
        %reduce_max3A_185 = vector.broadcast %reduce_max3A_184 : i32 to vector<16xi32>
        %reduce_max3A_186 = arith.xori %all_reduce_population_count3A_181, %reduce_max3A_185 : vector<16xi32>
        %reduce_max3A_187 = tpu.scan <max>, %reduce_max3A_186 masked %reduce_max3A_183 : vector<16xi32>, vector<16xi1> -> vector<16xi32>
        %reduce_max3A_188 = arith.xori %reduce_max3A_187, %reduce_max3A_185 : vector<16xi32>
        %reduce_max3A_189 = vector.extract %reduce_max3A_188[15] : i32 from vector<16xi32>
        %add3A_190 = arith.addi %min3A_122, %reduce_max3A_189 : i32
        %min3A_191 = arith.constant 80 : i32
        %min3A_192 = arith.minsi %add3A_190, %min3A_191 : i32
        %scan3A_193 = arith.constant 2 : i32
        %scan3A_194 = arith.addi %scan3A_59, %scan3A_193 : i32
        %mul3A_195 = arith.constant 16 : i32
        %mul3A_196 = arith.muli %scan3A_194, %mul3A_195 : i32
        %get3A_197 = arith.index_cast %mul3A_196 : i32 to index
        %get3A_198 = tpu.vector_load %arg7[%get3A_197] {strides = array<i32>} : memref<16384xf32, #tpu.memory_space<vmem>>, vector<16xf32>,
        %gt3A_199 = arith.constant 0.000000e+00 : f32
        %gt3A_200 = vector.broadcast %gt3A_199 : f32 to vector<16xf32>
        %gt3A_201 = arith.cmpf ogt, %get3A_198, %gt3A_200 : vector<16xf32>
        %lt3A_202 = arith.constant 0.000000e+00 : f32
        %lt3A_203 = vector.broadcast %lt3A_202 : f32 to vector<16xf32>
        %lt3A_204 = arith.cmpf olt, %get3A_198, %lt3A_203 : vector<16xf32>
        %mul3A_205 = arith.constant 16384 : i32
        %mul3A_206 = arith.muli %scan3A_45, %mul3A_205 : i32
        %add3A_207 = arith.addi %mul3A_2, %mul3A_206 : i32
        %mul3A_208 = arith.constant 16 : i32
        %mul3A_209 = arith.muli %scan3A_194, %mul3A_208 : i32
        %add3A_210 = arith.addi %add3A_207, %mul3A_209 : i32
        %add3A_211 = vector.broadcast %add3A_210 : i32 to vector<16xi32>
        %add3A_212 = arith.addi %add3A_211, %iota3A : vector<16xi32>
        %add3A_213 = arith.addf %get3A_198, %get3A_27 : vector<16xf32>
        %eq3A_214 = arith.cmpf oeq, %add3A_213, %get3A_29 : vector<16xf32>
        %and3A_215 = arith.andi %gt3A_201, %eq3A_214 : vector<16xi1>
        %add3A_216 = arith.addf %get3A_198, %get3A_31 : vector<16xf32>
        %eq3A_217 = arith.cmpf oeq, %add3A_216, %get3A_33 : vector<16xf32>
        %and3A_218 = arith.andi %lt3A_204, %eq3A_217 : vector<16xi1>
        %min3A_219 = arith.constant 80 : i32
        %min3A_220 = arith.minsi %min3A_180, %min3A_219 : i32
        %min3A_221 = arith.constant 80 : i32
        %min3A_222 = arith.minsi %min3A_192, %min3A_221 : i32
        %swap3A_223 = arith.index_cast %min3A_220 : i32 to index
        %swap3A_224 = tpu.vector_load %arg9[%swap3A_223] masked %and3A_215 {strides = array<i32>} : memref<96xi32, #tpu.memory_space<vmem>>, vector<16xi32>, vector<16xi1>
        tpu.vector_store %arg9[%swap3A_223], %add3A_212 masked %and3A_215 {strides = array<i32>} : memref<96xi32, #tpu.memory_space<vmem>>, vector<16xi32>, vector<16xi1>
        %swap3A_225 = arith.index_cast %min3A_222 : i32 to index
        %swap3A_226 = tpu.vector_load %arg10[%swap3A_225] masked %and3A_218 {strides = array<i32>} : memref<96xi32, #tpu.memory_space<vmem>>, vector<16xi32>, vector<16xi1>
        tpu.vector_store %arg10[%swap3A_225], %add3A_212 masked %and3A_218 {strides = array<i32>} : memref<96xi32, #tpu.memory_space<vmem>>, vector<16xi32>, vector<16xi1>
        %jit3A_227 = arith.constant 1 : i32
        %jit3A_228 = arith.constant 0 : i32
        %broadcast_in_dim3A_229 = vector.broadcast %jit3A_227 : i32 to vector<16xi32>
        %broadcast_in_dim3A_230 = vector.broadcast %jit3A_228 : i32 to vector<16xi32>
        %select_n3A_231 = arith.select %and3A_215, %broadcast_in_dim3A_229, %broadcast_in_dim3A_230 : vector<16xi1>, vector<16xi32>
        %add3A_232 = arith.addi %add3A_162, %select_n3A_231 : vector<16xi32>
        %jit3A_233 = arith.constant 1 : i32
        %jit3A_234 = arith.constant 0 : i32
        %broadcast_in_dim3A_235 = vector.broadcast %jit3A_233 : i32 to vector<16xi32>
        %broadcast_in_dim3A_236 = vector.broadcast %jit3A_234 : i32 to vector<16xi32>
        %select_n3A_237 = arith.select %and3A_218, %broadcast_in_dim3A_235, %broadcast_in_dim3A_236 : vector<16xi1>, vector<16xi32>
        %add3A_238 = arith.addi %add3A_168, %select_n3A_237 : vector<16xi32>
        %all_reduce_population_count3A_239 = tpu.all_reduce %and3A_215 {dim = 0 : i64, kind = #tpu.reduction_kind<sum>} : vector<16xi1> -> vector<16xi32>
        %reduce_max3A_240 = arith.constant true
        %reduce_max3A_241 = vector.broadcast %reduce_max3A_240 : i1 to vector<16xi1>
        %reduce_max3A_242 = arith.constant -2147483648 : i32
        %reduce_max3A_243 = vector.broadcast %reduce_max3A_242 : i32 to vector<16xi32>
        %reduce_max3A_244 = arith.xori %all_reduce_population_count3A_239, %reduce_max3A_243 : vector<16xi32>
        %reduce_max3A_245 = tpu.scan <max>, %reduce_max3A_244 masked %reduce_max3A_241 : vector<16xi32>, vector<16xi1> -> vector<16xi32>
        %reduce_max3A_246 = arith.xori %reduce_max3A_245, %reduce_max3A_243 : vector<16xi32>
        %reduce_max3A_247 = vector.extract %reduce_max3A_246[15] : i32 from vector<16xi32>
        %add3A_248 = arith.addi %min3A_180, %reduce_max3A_247 : i32
        %min3A_249 = arith.constant 80 : i32
        %min3A_250 = arith.minsi %add3A_248, %min3A_249 : i32
        %all_reduce_population_count3A_251 = tpu.all_reduce %and3A_218 {dim = 0 : i64, kind = #tpu.reduction_kind<sum>} : vector<16xi1> -> vector<16xi32>
        %reduce_max3A_252 = arith.constant true
        %reduce_max3A_253 = vector.broadcast %reduce_max3A_252 : i1 to vector<16xi1>
        %reduce_max3A_254 = arith.constant -2147483648 : i32
        %reduce_max3A_255 = vector.broadcast %reduce_max3A_254 : i32 to vector<16xi32>
        %reduce_max3A_256 = arith.xori %all_reduce_population_count3A_251, %reduce_max3A_255 : vector<16xi32>
        %reduce_max3A_257 = tpu.scan <max>, %reduce_max3A_256 masked %reduce_max3A_253 : vector<16xi32>, vector<16xi1> -> vector<16xi32>
        %reduce_max3A_258 = arith.xori %reduce_max3A_257, %reduce_max3A_255 : vector<16xi32>
        %reduce_max3A_259 = vector.extract %reduce_max3A_258[15] : i32 from vector<16xi32>
        %add3A_260 = arith.addi %min3A_192, %reduce_max3A_259 : i32
        %min3A_261 = arith.constant 80 : i32
        %min3A_262 = arith.minsi %add3A_260, %min3A_261 : i32
        %scan3A_263 = arith.constant 3 : i32
        %scan3A_264 = arith.addi %scan3A_59, %scan3A_263 : i32
        %mul3A_265 = arith.constant 16 : i32
        %mul3A_266 = arith.muli %scan3A_264, %mul3A_265 : i32
        %get3A_267 = arith.index_cast %mul3A_266 : i32 to index
        %get3A_268 = tpu.vector_load %arg7[%get3A_267] {strides = array<i32>} : memref<16384xf32, #tpu.memory_space<vmem>>, vector<16xf32>,
        %gt3A_269 = arith.constant 0.000000e+00 : f32
        %gt3A_270 = vector.broadcast %gt3A_269 : f32 to vector<16xf32>
        %gt3A_271 = arith.cmpf ogt, %get3A_268, %gt3A_270 : vector<16xf32>
        %lt3A_272 = arith.constant 0.000000e+00 : f32
        %lt3A_273 = vector.broadcast %lt3A_272 : f32 to vector<16xf32>
        %lt3A_274 = arith.cmpf olt, %get3A_268, %lt3A_273 : vector<16xf32>
        %mul3A_275 = arith.constant 16384 : i32
        %mul3A_276 = arith.muli %scan3A_45, %mul3A_275 : i32
        %add3A_277 = arith.addi %mul3A_2, %mul3A_276 : i32
        %mul3A_278 = arith.constant 16 : i32
        %mul3A_279 = arith.muli %scan3A_264, %mul3A_278 : i32
        %add3A_280 = arith.addi %add3A_277, %mul3A_279 : i32
        %add3A_281 = vector.broadcast %add3A_280 : i32 to vector<16xi32>
        %add3A_282 = arith.addi %add3A_281, %iota3A : vector<16xi32>
        %add3A_283 = arith.addf %get3A_268, %get3A_27 : vector<16xf32>
        %eq3A_284 = arith.cmpf oeq, %add3A_283, %get3A_29 : vector<16xf32>
        %and3A_285 = arith.andi %gt3A_271, %eq3A_284 : vector<16xi1>
        %add3A_286 = arith.addf %get3A_268, %get3A_31 : vector<16xf32>
        %eq3A_287 = arith.cmpf oeq, %add3A_286, %get3A_33 : vector<16xf32>
        %and3A_288 = arith.andi %lt3A_274, %eq3A_287 : vector<16xi1>
        %min3A_289 = arith.constant 80 : i32
        %min3A_290 = arith.minsi %min3A_250, %min3A_289 : i32
        %min3A_291 = arith.constant 80 : i32
        %min3A_292 = arith.minsi %min3A_262, %min3A_291 : i32
        %swap3A_293 = arith.index_cast %min3A_290 : i32 to index
        %swap3A_294 = tpu.vector_load %arg9[%swap3A_293] masked %and3A_285 {strides = array<i32>} : memref<96xi32, #tpu.memory_space<vmem>>, vector<16xi32>, vector<16xi1>
        tpu.vector_store %arg9[%swap3A_293], %add3A_282 masked %and3A_285 {strides = array<i32>} : memref<96xi32, #tpu.memory_space<vmem>>, vector<16xi32>, vector<16xi1>
        %swap3A_295 = arith.index_cast %min3A_292 : i32 to index
        %swap3A_296 = tpu.vector_load %arg10[%swap3A_295] masked %and3A_288 {strides = array<i32>} : memref<96xi32, #tpu.memory_space<vmem>>, vector<16xi32>, vector<16xi1>
        tpu.vector_store %arg10[%swap3A_295], %add3A_282 masked %and3A_288 {strides = array<i32>} : memref<96xi32, #tpu.memory_space<vmem>>, vector<16xi32>, vector<16xi1>
        %jit3A_297 = arith.constant 1 : i32
        %jit3A_298 = arith.constant 0 : i32
        %broadcast_in_dim3A_299 = vector.broadcast %jit3A_297 : i32 to vector<16xi32>
        %broadcast_in_dim3A_300 = vector.broadcast %jit3A_298 : i32 to vector<16xi32>
        %select_n3A_301 = arith.select %and3A_285, %broadcast_in_dim3A_299, %broadcast_in_dim3A_300 : vector<16xi1>, vector<16xi32>
        %add3A_302 = arith.addi %add3A_232, %select_n3A_301 : vector<16xi32>
        %jit3A_303 = arith.constant 1 : i32
        %jit3A_304 = arith.constant 0 : i32
        %broadcast_in_dim3A_305 = vector.broadcast %jit3A_303 : i32 to vector<16xi32>
        %broadcast_in_dim3A_306 = vector.broadcast %jit3A_304 : i32 to vector<16xi32>
        %select_n3A_307 = arith.select %and3A_288, %broadcast_in_dim3A_305, %broadcast_in_dim3A_306 : vector<16xi1>, vector<16xi32>
        %add3A_308 = arith.addi %add3A_238, %select_n3A_307 : vector<16xi32>
        %all_reduce_population_count3A_309 = tpu.all_reduce %and3A_285 {dim = 0 : i64, kind = #tpu.reduction_kind<sum>} : vector<16xi1> -> vector<16xi32>
        %reduce_max3A_310 = arith.constant true
        %reduce_max3A_311 = vector.broadcast %reduce_max3A_310 : i1 to vector<16xi1>
        %reduce_max3A_312 = arith.constant -2147483648 : i32
        %reduce_max3A_313 = vector.broadcast %reduce_max3A_312 : i32 to vector<16xi32>
        %reduce_max3A_314 = arith.xori %all_reduce_population_count3A_309, %reduce_max3A_313 : vector<16xi32>
        %reduce_max3A_315 = tpu.scan <max>, %reduce_max3A_314 masked %reduce_max3A_311 : vector<16xi32>, vector<16xi1> -> vector<16xi32>
        %reduce_max3A_316 = arith.xori %reduce_max3A_315, %reduce_max3A_313 : vector<16xi32>
        %reduce_max3A_317 = vector.extract %reduce_max3A_316[15] : i32 from vector<16xi32>
        %add3A_318 = arith.addi %min3A_250, %reduce_max3A_317 : i32
        %min3A_319 = arith.constant 80 : i32
        %min3A_320 = arith.minsi %add3A_318, %min3A_319 : i32
        %all_reduce_population_count3A_321 = tpu.all_reduce %and3A_288 {dim = 0 : i64, kind = #tpu.reduction_kind<sum>} : vector<16xi1> -> vector<16xi32>
        %reduce_max3A_322 = arith.constant true
        %reduce_max3A_323 = vector.broadcast %reduce_max3A_322 : i1 to vector<16xi1>
        %reduce_max3A_324 = arith.constant -2147483648 : i32
        %reduce_max3A_325 = vector.broadcast %reduce_max3A_324 : i32 to vector<16xi32>
        %reduce_max3A_326 = arith.xori %all_reduce_population_count3A_321, %reduce_max3A_325 : vector<16xi32>
        %reduce_max3A_327 = tpu.scan <max>, %reduce_max3A_326 masked %reduce_max3A_323 : vector<16xi32>, vector<16xi1> -> vector<16xi32>
        %reduce_max3A_328 = arith.xori %reduce_max3A_327, %reduce_max3A_325 : vector<16xi32>
        %reduce_max3A_329 = vector.extract %reduce_max3A_328[15] : i32 from vector<16xi32>
        %add3A_330 = arith.addi %min3A_262, %reduce_max3A_329 : i32
        %min3A_331 = arith.constant 80 : i32
        %min3A_332 = arith.minsi %add3A_330, %min3A_331 : i32
        scf.yield %min3A_320, %min3A_332, %add3A_302, %add3A_308 : i32, i32, vector<16xi32>, vector<16xi32>
      }
      %scan3A_58 = arith.constant 1024 : i32
      scf.yield %scan3A_57#0, %scan3A_57#1, %scan3A_57#2, %scan3A_57#3 : i32, i32, vector<16xi32>, vector<16xi32>
    }
    %scan3A_40 = arith.constant 8 : i32
    %swap3A_41 = arith.constant 0 : index
    %swap3A_42 = tpu.vector_load %arg11[%swap3A_41] {strides = array<i32>} : memref<32xi32, #tpu.memory_space<vmem>>, vector<16xi32>,
    tpu.vector_store %arg11[%swap3A_41], %scan3A_39#2 {strides = array<i32>} : memref<32xi32, #tpu.memory_space<vmem>>, vector<16xi32>,
    %swap3A_43 = arith.constant 16 : index
    %swap3A_44 = tpu.vector_load %arg11[%swap3A_43] {strides = array<i32>} : memref<32xi32, #tpu.memory_space<vmem>>, vector<16xi32>,
    tpu.vector_store %arg11[%swap3A_43], %scan3A_39#3 {strides = array<i32>} : memref<32xi32, #tpu.memory_space<vmem>>, vector<16xi32>,
    "tpu.region"() ({
      %run_scoped3A = tpu.sem_alloc : memref<!tpu.dma_semaphore, #tpu.memory_space<semaphore_mem>>
      %dma_start3A = arith.constant 0 : i32
      %dma_start3A_45 = tpu.memref_slice %arg4[%add3A, %dma_start3A] : memref<32x96xi32, #tpu.memory_space<hbm>> -> memref<1x96xi32, #tpu.memory_space<hbm>>
      %dma_start3A_46 = tpu.memref_squeeze %dma_start3A_45 : memref<1x96xi32, #tpu.memory_space<hbm>> -> memref<96xi32, #tpu.memory_space<hbm>>
      %dma_start3A_47 = arith.constant 0 : i32
      %dma_start3A_48 = tpu.memref_slice %arg4[%add3A, %dma_start3A_47] : memref<32x96xi32, #tpu.memory_space<hbm>> -> memref<1x96xi32, #tpu.memory_space<hbm>>
      %dma_start3A_49 = tpu.memref_squeeze %dma_start3A_48 : memref<1x96xi32, #tpu.memory_space<hbm>> -> memref<96xi32, #tpu.memory_space<hbm>>
      tpu.enqueue_dma source(%arg9 : memref<96xi32, #tpu.memory_space<vmem>>) target(%dma_start3A_49 : memref<96xi32, #tpu.memory_space<hbm>>) target_semaphore(%run_scoped3A : memref<!tpu.dma_semaphore, #tpu.memory_space<semaphore_mem>>)
      %dma_wait3A = arith.constant 0 : i32
      %dma_wait3A_50 = tpu.memref_slice %arg4[%add3A, %dma_wait3A] : memref<32x96xi32, #tpu.memory_space<hbm>> -> memref<1x96xi32, #tpu.memory_space<hbm>>
      %dma_wait3A_51 = tpu.memref_squeeze %dma_wait3A_50 : memref<1x96xi32, #tpu.memory_space<hbm>> -> memref<96xi32, #tpu.memory_space<hbm>>
      %dma_wait3A_52 = arith.constant 0 : i32
      %dma_wait3A_53 = tpu.memref_slice %arg4[%add3A, %dma_wait3A_52] : memref<32x96xi32, #tpu.memory_space<hbm>> -> memref<1x96xi32, #tpu.memory_space<hbm>>
      %dma_wait3A_54 = tpu.memref_squeeze %dma_wait3A_53 : memref<1x96xi32, #tpu.memory_space<hbm>> -> memref<96xi32, #tpu.memory_space<hbm>>
      tpu.wait_dma2 semaphore(%run_scoped3A : memref<!tpu.dma_semaphore, #tpu.memory_space<semaphore_mem>>) src(%arg9 : memref<96xi32, #tpu.memory_space<vmem>>) dst(%dma_wait3A_54 : memref<96xi32, #tpu.memory_space<hbm>>)
      tpu.yield
    }) : () -> ()
    "tpu.region"() ({
      %run_scoped3A = tpu.sem_alloc : memref<!tpu.dma_semaphore, #tpu.memory_space<semaphore_mem>>
      %dma_start3A = arith.constant 0 : i32
      %dma_start3A_45 = tpu.memref_slice %arg5[%add3A, %dma_start3A] : memref<32x96xi32, #tpu.memory_space<hbm>> -> memref<1x96xi32, #tpu.memory_space<hbm>>
      %dma_start3A_46 = tpu.memref_squeeze %dma_start3A_45 : memref<1x96xi32, #tpu.memory_space<hbm>> -> memref<96xi32, #tpu.memory_space<hbm>>
      %dma_start3A_47 = arith.constant 0 : i32
      %dma_start3A_48 = tpu.memref_slice %arg5[%add3A, %dma_start3A_47] : memref<32x96xi32, #tpu.memory_space<hbm>> -> memref<1x96xi32, #tpu.memory_space<hbm>>
      %dma_start3A_49 = tpu.memref_squeeze %dma_start3A_48 : memref<1x96xi32, #tpu.memory_space<hbm>> -> memref<96xi32, #tpu.memory_space<hbm>>
      tpu.enqueue_dma source(%arg10 : memref<96xi32, #tpu.memory_space<vmem>>) target(%dma_start3A_49 : memref<96xi32, #tpu.memory_space<hbm>>) target_semaphore(%run_scoped3A : memref<!tpu.dma_semaphore, #tpu.memory_space<semaphore_mem>>)
      %dma_wait3A = arith.constant 0 : i32
      %dma_wait3A_50 = tpu.memref_slice %arg5[%add3A, %dma_wait3A] : memref<32x96xi32, #tpu.memory_space<hbm>> -> memref<1x96xi32, #tpu.memory_space<hbm>>
      %dma_wait3A_51 = tpu.memref_squeeze %dma_wait3A_50 : memref<1x96xi32, #tpu.memory_space<hbm>> -> memref<96xi32, #tpu.memory_space<hbm>>
      %dma_wait3A_52 = arith.constant 0 : i32
      %dma_wait3A_53 = tpu.memref_slice %arg5[%add3A, %dma_wait3A_52] : memref<32x96xi32, #tpu.memory_space<hbm>> -> memref<1x96xi32, #tpu.memory_space<hbm>>
      %dma_wait3A_54 = tpu.memref_squeeze %dma_wait3A_53 : memref<1x96xi32, #tpu.memory_space<hbm>> -> memref<96xi32, #tpu.memory_space<hbm>>
      tpu.wait_dma2 semaphore(%run_scoped3A : memref<!tpu.dma_semaphore, #tpu.memory_space<semaphore_mem>>) src(%arg10 : memref<96xi32, #tpu.memory_space<vmem>>) dst(%dma_wait3A_54 : memref<96xi32, #tpu.memory_space<hbm>>)
      tpu.yield
    }) : () -> ()
    "tpu.region"() ({
      %run_scoped3A = tpu.sem_alloc : memref<!tpu.dma_semaphore, #tpu.memory_space<semaphore_mem>>
      %dma_start3A = arith.constant 0 : i32
      %dma_start3A_45 = tpu.memref_slice %arg6[%add3A, %dma_start3A] : memref<32x32xi32, #tpu.memory_space<hbm>> -> memref<1x32xi32, #tpu.memory_space<hbm>>
      %dma_start3A_46 = tpu.memref_squeeze %dma_start3A_45 : memref<1x32xi32, #tpu.memory_space<hbm>> -> memref<32xi32, #tpu.memory_space<hbm>>
      %dma_start3A_47 = arith.constant 0 : i32
      %dma_start3A_48 = tpu.memref_slice %arg6[%add3A, %dma_start3A_47] : memref<32x32xi32, #tpu.memory_space<hbm>> -> memref<1x32xi32, #tpu.memory_space<hbm>>
      %dma_start3A_49 = tpu.memref_squeeze %dma_start3A_48 : memref<1x32xi32, #tpu.memory_space<hbm>> -> memref<32xi32, #tpu.memory_space<hbm>>
      tpu.enqueue_dma source(%arg11 : memref<32xi32, #tpu.memory_space<vmem>>) target(%dma_start3A_49 : memref<32xi32, #tpu.memory_space<hbm>>) target_semaphore(%run_scoped3A : memref<!tpu.dma_semaphore, #tpu.memory_space<semaphore_mem>>)
      %dma_wait3A = arith.constant 0 : i32
      %dma_wait3A_50 = tpu.memref_slice %arg6[%add3A, %dma_wait3A] : memref<32x32xi32, #tpu.memory_space<hbm>> -> memref<1x32xi32, #tpu.memory_space<hbm>>
      %dma_wait3A_51 = tpu.memref_squeeze %dma_wait3A_50 : memref<1x32xi32, #tpu.memory_space<hbm>> -> memref<32xi32, #tpu.memory_space<hbm>>
      %dma_wait3A_52 = arith.constant 0 : i32
      %dma_wait3A_53 = tpu.memref_slice %arg6[%add3A, %dma_wait3A_52] : memref<32x32xi32, #tpu.memory_space<hbm>> -> memref<1x32xi32, #tpu.memory_space<hbm>>
      %dma_wait3A_54 = tpu.memref_squeeze %dma_wait3A_53 : memref<1x32xi32, #tpu.memory_space<hbm>> -> memref<32xi32, #tpu.memory_space<hbm>>
      tpu.wait_dma2 semaphore(%run_scoped3A : memref<!tpu.dma_semaphore, #tpu.memory_space<semaphore_mem>>) src(%arg11 : memref<32xi32, #tpu.memory_space<vmem>>) dst(%dma_wait3A_54 : memref<32xi32, #tpu.memory_space<hbm>>)
      tpu.yield
    }) : () -> ()
    return
  }
}

module attributes {stable_mosaic.version = 14 : i64} {
  func.func @_k6_body(%arg0: i32, %arg1: memref<256x1024xf32, #tpu.memory_space<vmem>>, %arg2: memref<8x128xf32, #tpu.memory_space<vmem>>, %arg3: memref<8x128xi32, #tpu.memory_space<vmem>>, %arg4: memref<256x1024xf32, #tpu.memory_space<vmem>>) attributes {dimension_semantics = [#tpu.dimension_semantics<arbitrary>], iteration_bounds = array<i64: 16>, scalar_prefetch = 0 : i64, scratch_operands = 0 : i64, tpu.core_type = #tpu.core_type<tc>, window_params = [{transform_indices = @transform_0, window_bounds = array<i64: 256, 1024>}, {pipeline_mode = #tpu.pipeline_mode<synchronous>, transform_indices = @transform_1, window_bounds = array<i64: 8, 128>}, {pipeline_mode = #tpu.pipeline_mode<synchronous>, transform_indices = @transform_2, window_bounds = array<i64: 8, 128>}, {transform_indices = @transform_3, window_bounds = array<i64: 256, 1024>}]} {
    %get3A = arith.constant 0 : index
    %get3A_0 = arith.constant 0 : index
    %get3A_1 = vector.load %arg1[%get3A, %get3A_0] : memref<256x1024xf32, #tpu.memory_space<vmem>>, vector<256x1024xf32>
    %get3A_2 = arith.constant 0 : index
    %get3A_3 = arith.constant 0 : index
    %get3A_4 = vector.load %arg2[%get3A_2, %get3A_3] : memref<8x128xf32, #tpu.memory_space<vmem>>, vector<1x1xf32>
    %get3A_5 = vector.extract %get3A_4[0, 0] : f32 from vector<1x1xf32>
    %get3A_6 = arith.constant 0 : index
    %get3A_7 = arith.constant 1 : index
    %get3A_8 = vector.load %arg2[%get3A_6, %get3A_7] : memref<8x128xf32, #tpu.memory_space<vmem>>, vector<1x1xf32>
    %get3A_9 = vector.extract %get3A_8[0, 0] : f32 from vector<1x1xf32>
    %get3A_10 = arith.constant 0 : index
    %get3A_11 = arith.constant 2 : index
    %get3A_12 = vector.load %arg2[%get3A_10, %get3A_11] : memref<8x128xf32, #tpu.memory_space<vmem>>, vector<1x1xf32>
    %get3A_13 = vector.extract %get3A_12[0, 0] : f32 from vector<1x1xf32>
    %get3A_14 = arith.constant 0 : index
    %get3A_15 = arith.constant 4 : index
    %get3A_16 = vector.load %arg2[%get3A_14, %get3A_15] : memref<8x128xf32, #tpu.memory_space<vmem>>, vector<1x1xf32>
    %get3A_17 = vector.extract %get3A_16[0, 0] : f32 from vector<1x1xf32>
    %gt3A = arith.constant 0.000000e+00 : f32
    %gt3A_18 = arith.cmpf ogt, %get3A_17, %gt3A : f32
    %get3A_19 = arith.constant 0 : index
    %get3A_20 = arith.constant 5 : index
    %get3A_21 = vector.load %arg2[%get3A_19, %get3A_20] : memref<8x128xf32, #tpu.memory_space<vmem>>, vector<1x1xf32>
    %get3A_22 = vector.extract %get3A_21[0, 0] : f32 from vector<1x1xf32>
    %gt3A_23 = arith.constant 0.000000e+00 : f32
    %gt3A_24 = arith.cmpf ogt, %get3A_22, %gt3A_23 : f32
    %get3A_25 = arith.constant 0 : index
    %get3A_26 = arith.constant 0 : index
    %get3A_27 = vector.load %arg3[%get3A_25, %get3A_26] : memref<8x128xi32, #tpu.memory_space<vmem>>, vector<1x1xi32>
    %get3A_28 = vector.extract %get3A_27[0, 0] : i32 from vector<1x1xi32>
    %get3A_29 = arith.constant 0 : index
    %get3A_30 = arith.constant 1 : index
    %get3A_31 = vector.load %arg3[%get3A_29, %get3A_30] : memref<8x128xi32, #tpu.memory_space<vmem>>, vector<1x1xi32>
    %get3A_32 = vector.extract %get3A_31[0, 0] : i32 from vector<1x1xi32>
    %iota3A = tpu.iota {dimensions = array<i32: 0>} : vector<256x1024xi32>
    %mul3A = arith.constant 256 : i32
    %mul3A_33 = arith.muli %arg0, %mul3A : i32
    %add3A = vector.broadcast %mul3A_33 : i32 to vector<256x1024xi32>
    %add3A_34 = arith.addi %iota3A, %add3A : vector<256x1024xi32>
    %iota3A_35 = tpu.iota {dimensions = array<i32: 1>} : vector<256x1024xi32>
    %mul3A_36 = arith.constant 1024 : i32
    %mul3A_37 = vector.broadcast %mul3A_36 : i32 to vector<256x1024xi32>
    %mul3A_38 = arith.muli %add3A_34, %mul3A_37 : vector<256x1024xi32>
    %add3A_39 = arith.addi %mul3A_38, %iota3A_35 : vector<256x1024xi32>
    %add3A_40 = vector.broadcast %get3A_5 : f32 to vector<256x1024xf32>
    %add3A_41 = arith.addf %get3A_1, %add3A_40 : vector<256x1024xf32>
    %gt3A_42 = arith.constant 0.000000e+00 : f32
    %gt3A_43 = vector.broadcast %gt3A_42 : f32 to vector<256x1024xf32>
    %gt3A_44 = arith.cmpf ogt, %get3A_1, %gt3A_43 : vector<256x1024xf32>
    %gt3A_45 = vector.broadcast %get3A_9 : f32 to vector<256x1024xf32>
    %gt3A_46 = arith.cmpf ogt, %add3A_41, %gt3A_45 : vector<256x1024xf32>
    %eq3A = vector.broadcast %get3A_9 : f32 to vector<256x1024xf32>
    %eq3A_47 = arith.cmpf oeq, %add3A_41, %eq3A : vector<256x1024xf32>
    %le3A = vector.broadcast %get3A_28 : i32 to vector<256x1024xi32>
    %le3A_48 = arith.cmpi sle, %add3A_39, %le3A : vector<256x1024xi32>
    %and3A = arith.andi %eq3A_47, %le3A_48 : vector<256x1024xi1>
    %or3A = arith.ori %gt3A_46, %and3A : vector<256x1024xi1>
    %and3A_49 = arith.andi %gt3A_44, %or3A : vector<256x1024xi1>
    %jit3A = arith.constant 0.000000e+00 : f32
    %broadcast_in_dim3A = vector.broadcast %jit3A : f32 to vector<256x1024xf32>
    %select_n3A = arith.select %and3A_49, %add3A_41, %broadcast_in_dim3A : vector<256x1024xi1>, vector<256x1024xf32>
    %eq3A_50 = vector.broadcast %get3A_32 : i32 to vector<256x1024xi32>
    %eq3A_51 = arith.cmpi eq, %add3A_39, %eq3A_50 : vector<256x1024xi32>
    %add3A_52 = vector.broadcast %get3A_13 : f32 to vector<256x1024xf32>
    %add3A_53 = arith.addf %get3A_1, %add3A_52 : vector<256x1024xf32>
    %jit3A_54 = arith.constant 0.000000e+00 : f32
    %broadcast_in_dim3A_55 = vector.broadcast %jit3A_54 : f32 to vector<256x1024xf32>
    %select_n3A_56 = arith.select %eq3A_51, %add3A_53, %broadcast_in_dim3A_55 : vector<256x1024xi1>, vector<256x1024xf32>
    %gt3A_57 = arith.constant 0.000000e+00 : f32
    %gt3A_58 = vector.broadcast %gt3A_57 : f32 to vector<256x1024xf32>
    %gt3A_59 = arith.cmpf ogt, %get3A_1, %gt3A_58 : vector<256x1024xf32>
    %select_n3A_60 = arith.select %gt3A_18, %select_n3A, %get3A_1 : vector<256x1024xf32>
    %lt3A = arith.constant 0.000000e+00 : f32
    %lt3A_61 = vector.broadcast %lt3A : f32 to vector<256x1024xf32>
    %lt3A_62 = arith.cmpf olt, %get3A_1, %lt3A_61 : vector<256x1024xf32>
    %select_n3A_63 = arith.select %gt3A_24, %select_n3A_56, %get3A_1 : vector<256x1024xf32>
    %select_n3A_64 = arith.select %lt3A_62, %select_n3A_63, %get3A_1 : vector<256x1024xi1>, vector<256x1024xf32>
    %select_n3A_65 = arith.select %gt3A_59, %select_n3A_60, %select_n3A_64 : vector<256x1024xi1>, vector<256x1024xf32>
    %swap3A = arith.constant 0 : index
    %swap3A_66 = arith.constant 0 : index
    %swap3A_67 = vector.load %arg4[%swap3A, %swap3A_66] : memref<256x1024xf32, #tpu.memory_space<vmem>>, vector<256x1024xf32>
    tpu.vector_store %arg4[%swap3A, %swap3A_66], %select_n3A_65 {strides = array<i32>} : memref<256x1024xf32, #tpu.memory_space<vmem>>, vector<256x1024xf32>,
    return
  }
  func.func @transform_0(%arg0: i32) -> (i32, i32) {
    %c0_i32 = arith.constant 0 : i32
    %c0_i32_0 = arith.constant 0 : i32
    return %arg0, %c0_i32 : i32, i32
  }
  func.func @transform_1(%arg0: i32) -> (i32, i32) {
    %c0_i32 = arith.constant 0 : i32
    %c0_i32_0 = arith.constant 0 : i32
    %c0_i32_1 = arith.constant 0 : i32
    return %c0_i32, %c0_i32_0 : i32, i32
  }
  func.func @transform_2(%arg0: i32) -> (i32, i32) {
    %c0_i32 = arith.constant 0 : i32
    %c0_i32_0 = arith.constant 0 : i32
    %c0_i32_1 = arith.constant 0 : i32
    return %c0_i32, %c0_i32_0 : i32, i32
  }
  func.func @transform_3(%arg0: i32) -> (i32, i32) {
    %c0_i32 = arith.constant 0 : i32
    %c0_i32_0 = arith.constant 0 : i32
    return %arg0, %c0_i32 : i32, i32
  }
}

</mosaic_0001>

<sc_bundles>
// kernel: kernel.12.cloned.1.call-start
scs
__scs_entry_jumppad:
0x0: {  	(pc) =	sbr.rel $0x88, $3  }
0x1: {  	(tag) =	ssettag $0x0;
	lr =	simm.s32 $0x1  }
0x2: {  	[smem:$0x3FA0] =	sst lr;
	_ =	strace $0xD0000000  }
0x3: {  	_ = 	snop  }
0x4: {  	_ = 	snop  }
0x5: {  	_ = 	snop  }
0x6: {  	_ = 	snop  }
0x7: {  	_ = 	snop  }
__scs_overlays_trampoline_lowered:
0x8: {  	[smem:$0x3FAF] =	sst s0  }
0x9: {  	[smem:$0x3FB0] =	sst s1  }
0xa: {  	[smem:$0x3FB1] =	sst s2  }
0xb: {  	[smem:$0x3FB2] =	sst s3  }
0xc: {  	[smem:$0x3FB3] =	sst s4  }
0xd: {  	[smem:$0x3FB4] =	sst s5  }
0xe: {  	[smem:$0x3FB5] =	sst s6  }
0xf: {  	[smem:$0x3FB6] =	sst s7  }
0x10: {  	[smem:$0x3FB7] =	sst s8  }
0x11: {  	[smem:$0x3FB8] =	sst s9;
	s0 =	simm.s32 @!p0 $0x0  }
0x12: {  	s1 =	sld [smem:$0x3F9E];
	s0 =	simm.s32 @p0 $0x1  }
0x13: {  	[smem:$0x3FB9] =	sst s0;
	s0 =	simm.s32 @!p1 $0x0  }
0x14: {  	s2 =	sld [smem:$0x3F9D];
	s0 =	simm.s32 @p1 $0x1  }
0x15: {  	[smem:$0x3FBA] =	sst s0;
	s0 =	simm.s32 @!p2 $0x0  }
0x16: {  	s3 =	sld [smem:$0x3FDB];
	s0 =	simm.s32 @p2 $0x1  }
0x17: {  	s4 =	simm.s32 $0x1BF5;
	[smem:$0x3FBC] =	sst s0  }
0x18: {  	s0 =	sld [smem:$0x3F9F];
	_ =	swait.ge [sflag:s4], $0x0  }
0x19: {  	s7 =	sld [smem:$0x3FA0]  }
0x1a: {  	s8 =	sadd.s32 $0xFFFFE003, lr  }
0x1b: {  	s9 =	sadd.s32 $0xFFFFFEF7, lr;
	s5 =	simm.s32 $0xFFFFFFFF;
	p2 =	slt.u32 s8, $0xFFFFF086  }
0x1c: {  	p1 =	slt.u32 s9, $0xF7A;
	s5 =	simm.s32 @!p2 $0x0  }
0x1d: {  	s5 =	simm.s32 @p1 $0x1;
	p0 =	seq.s32 s7, s2  }
0x1e: {  	s7 =	smul.u32 @!p0 $0xF7A, s2;
	p2 =	seq.s32 @!p0 s5, $0x0  }
0x1f: {  	s9 =	smul.u32 $0xF7A, s1;
	s8 =	simm.s32 @!p0 $0x1BF5;
	p2 =	por !p2, p0  }
0x20: {  	[sflag:s8] =	ssyncset.s32 @!p0 $0xFFFFF086;
	s6 =	sadd.s32 @!p0 s3, s7;
	s7 =	simm.s32 @!p0 $0x108  }
0x21: {  	s3 =	sadd.s32 s3, s9;
	s6 =	sadd.s32 @!p0 $0x88, s6;
	s7 =	simm.s32 @p2 $0x1082  }
0x22: {  	[simem:s7], [sflag:s8] =	dma.local @!p0 [hbm:s6], $0xF7A  }
0x23: {  	s9 =	sor.u32 $0xD0000000, s2;
	s6 =	simm.s32 $0x108;
	_ =	swait.ge @!p0 [sflag:s8], $0x0  }
0x24: {  	s3 =	sadd.s32 $0x88, s3;
	s6 =	simm.s32 @!p1 $0x1082;
	[sflag:s4] =	ssyncset.s32 $0xFFFFF086  }
0x25: {  	[simem:s6], [sflag:s4] =	dma.local [hbm:s3], $0xF7A  }
0x26: {  	[smem:$0x3FA0] =	sst s1;
	(tag) =	ssettag s2;
	_ =	strace s9  }
0x27: {  	s1 =	sld [smem:$0x3FB0]  }
0x28: {  	s2 =	sld [smem:$0x3FB1]  }
0x29: {  	s4 =	sld [smem:$0x3FB3]  }
0x2a: {  	p0 =	seq.s32 s5, $0x0;
	s5 =	sld [smem:$0x3FB4]  }
0x2b: {  	s6 =	sld [smem:$0x3FB5]  }
0x2c: {  	s7 =	sld [smem:$0x3FB6]  }
0x2d: {  	s3 =	simm.s32 $0x108;
	s8 =	sld [smem:$0x3FB7]  }
0x2e: {  	s3 =	simm.s32 @!p0 $0x1082;
	s9 =	sld [smem:$0x3FB8]  }
0x2f: {  	lr =	sadd.s32 s0, s3;
	s0 =	sld [smem:$0x3FAF]  }
0x30: {  	s3 =	sld [smem:$0x3FB2]  }
0x31: {  	[smem:$0x3FBB] =	sst s10  }
0x32: {  	s10 =	sld [smem:$0x3FB9];
	_ =	sdelay $0x3  }
0x33: {  	p0 =	seq.s32 s10, $0x1;
	s10 =	sld [smem:$0x3FBB];
	_ =	sdelay $0x3  }
0x34: {  	[smem:$0x3FBB] =	sst s10  }
0x35: {  	s10 =	sld [smem:$0x3FBA];
	_ =	sdelay $0x3  }
0x36: {  	p1 =	seq.s32 s10, $0x1;
	s10 =	sld [smem:$0x3FBB];
	_ =	sdelay $0x3  }
0x37: {  	[smem:$0x3FBB] =	sst s10  }
0x38: {  	s10 =	sld [smem:$0x3FBC]  }
0x39: {  	_ = 	snop;
	(pc) =	sbr.ind lr, $3  }
0x3a: {  	_ = 	snop  }
0x3b: {  	_ = 	snop  }
0x3c: {  	p2 =	seq.s32 s10, $0x1;
	s10 =	sld [smem:$0x3FBB]  }
0x3d: {  	_ =	shalt  }
0x3e: {  	_ =	shalt  }
0x3f: {  	_ =	shalt  }
0x40: {  	_ =	shalt  }
0x41: {  	_ =	shalt  }
0x42: {  	_ =	shalt  }
0x43: {  	_ =	shalt  }
0x44: {  	_ =	shalt  }
0x45: {  	_ =	shalt  }
0x46: {  	_ =	shalt  }
0x47: {  	_ =	shalt  }
0x48: {  	_ =	shalt  }
0x49: {  	_ =	shalt  }
0x4a: {  	_ =	shalt  }
0x4b: {  	_ =	shalt  }
0x4c: {  	_ =	shalt  }
0x4d: {  	_ =	shalt  }
0x4e: {  	_ =	shalt  }
0x4f: {  	_ =	shalt  }
0x50: {  	_ =	shalt  }
0x51: {  	_ =	shalt  }
0x52: {  	_ =	shalt  }
0x53: {  	_ =	shalt  }
0x54: {  	_ =	shalt  }
0x55: {  	_ =	shalt  }
0x56: {  	_ =	shalt  }
0x57: {  	_ =	shalt  }
0x58: {  	_ =	shalt  }
0x59: {  	_ =	shalt  }
0x5a: {  	_ =	shalt  }
0x5b: {  	_ =	shalt  }
0x5c: {  	_ =	shalt  }
0x5d: {  	_ =	shalt  }
0x5e: {  	_ =	shalt  }
0x5f: {  	_ =	shalt  }
0x60: {  	_ =	shalt  }
0x61: {  	_ =	shalt  }
0x62: {  	_ =	shalt  }
0x63: {  	_ =	shalt  }
0x64: {  	_ =	shalt  }
0x65: {  	_ =	shalt  }
0x66: {  	_ =	shalt  }
0x67: {  	_ =	shalt  }
0x68: {  	_ =	shalt  }
0x69: {  	_ =	shalt  }
0x6a: {  	_ =	shalt  }
0x6b: {  	_ =	shalt  }
0x6c: {  	_ =	shalt  }
0x6d: {  	_ =	shalt  }
0x6e: {  	_ =	shalt  }
0x6f: {  	_ =	shalt  }
0x70: {  	_ =	shalt  }
0x71: {  	_ =	shalt  }
0x72: {  	_ =	shalt  }
0x73: {  	_ =	shalt  }
0x74: {  	_ =	shalt  }
0x75: {  	_ =	shalt  }
0x76: {  	_ =	shalt  }
0x77: {  	_ =	shalt  }
0x78: {  	_ =	shalt  }
0x79: {  	_ =	shalt  }
0x7a: {  	_ =	shalt  }
0x7b: {  	_ =	shalt  }
0x7c: {  	_ =	shalt  }
0x7d: {  	_ =	shalt  }
0x7e: {  	_ =	shalt  }
0x7f: {  	_ =	shalt  }
0x80: {  	_ =	shalt  }
0x81: {  	_ =	shalt  }
0x82: {  	_ =	shalt  }
0x83: {  	_ =	shalt  }
0x84: {  	_ =	shalt  }
0x85: {  	_ =	shalt  }
0x86: {  	_ =	shalt  }
0x87: {  	_ =	shalt  }
.Lfunc_end0:
.L_simem_size_0:
called_computation.2_lowered:
.L_overlay_start_0:
0x88: {  	s2 =	sld [smem:$0x3FD9]  }
0x89: {  	s3 =	sld [smem:$0x3FFE];
	_ =	sdelay $0x1  }
0x8a: {  	s1 =	srdreg.scid  }
0x8b: {  	s0 =	sand.u32 $0x1, s1  }
0x8c: {  	s16 =	sshll.u32 s0, $0xA;
	s2 =	sadd.s32 s3, s2  }
0x8d: {  	s2 =	sadd.s32 s2, s16  }
0x8e: {  	[smem:$0x3FC7] =	sst s2  }
0x8f: {  	_ = 	snop  }
0x90: {  	(tm) =	ssettm $0x1  }
0x91: {  	s17 =	sld [smem:$0x3FFB];
	_ =	sdelay $0x3  }
0x92: {  	_ =	strace s17  }
0x93: {  	s2 =	sld [smem:$0x3FFC];
	_ =	sdelay $0x3  }
0x94: {  	_ =	strace s2  }
0x95: {  	s2 =	sld [smem:$0x3FFD];
	_ =	sdelay $0x3  }
0x96: {  	_ =	strace s2  }
0x97: {  	_ =	strace $0x8FFFFFFF  }
0x98: {  	s18 =	sld [smem:$0x3FDB];
	_ =	sdelay $0x1  }
0x99: {  	s19 =	simm.s32 $_scs_section_size  }
0x9a: {  	s4 =	simm.s32 $_size__tile_overlayer_lowered;
	s5 =	simm.s32 $_tile_overlayer_lowered  }
0x9b: {  	s22 =	simm.s32 $0x1BFF;
	s21 =	sshll.u32 s5, $0x1;
	s2 =	sadd.s32 s19, s18  }
0x9c: {  	s6 =	simm.s32 $0x0;
	s20 =	sshll.u32 s4, $0x1;
	s4 =	sadd.s32 s21, s2  }
0x9d: {  	[timem:s6], [sflag:s22] =	dma.local [hbm:s4], s20  }
0x9e: {  	_ =	swait.ge [sflag:s22], s20  }
0x9f: {  	s3 =	ssub.s32 $0x0, s20;
	[sflag:s22] =	ssyncset.done $0x0  }
0xa0: {  	[sflag:s22] =	ssyncadd.s32 s3;
	_ =	sdelay $0x1  }
0xa1: {  	s23 =	simm.s32 $0x1B8B  }
0xa2: {  	_ =	swait.ge [sflag:s23], $0x1  }
0xa3: {  	[sflag:s23] =	ssyncset.done $0x0  }
0xa4: {  	s25 =	simm.s32 $0x1B8E;
	s24 =	sld [smem:$0x3FFE];
	[sflag:s23] =	ssyncadd.s32 $0xFFFFFFFF  }
0xa5: {  	s26 =	simm.s32 $execute0_lowered;
	[smem:$0x3FD2] =	sst s25  }
0xa6: {  	s4 =	sshll.u32 s26, $0x1;
	_ =	strace $0x8000004C;
	[dreg:$0x1] =	wrdreg $0xFFFFFFFF  }
0xa7: {  	s28 =	simm.s32 $_size_execute0_lowered;
	s2 =	sadd.s32 s2, s4;
	[dreg:$0x0] =	wrdreg $0x0  }
0xa8: {  	s4 =	sshll.u32 s28, $0x1;
	[dreg:$0x2] =	wrdreg s2  }
0xa9: {  	[dreg:$0x3] =	wrdreg s4  }
0xaa: {  	[dreg:$0x4] =	wrdreg $0xC0  }
0xab: {  	_ =	task [dreg:s6], $0x5FFFF  }
0xac: {  	[dreg:$0x1] =	wrdreg $0xFFFFFFFF  }
0xad: {  	[dreg:$0x0] =	wrdreg $0x60  }
0xae: {  	[dreg:$0x2] =	wrdreg s24  }
0xaf: {  	[dreg:$0x3] =	wrdreg $0x9  }
0xb0: {  	_ =	task.clear_ibuf [dreg:s6], $0x4FFFF;
	_ =	strace $0x9000004C  }
0xb1: {  	s29 =	simm.s32 $0x9;
	_ =	strace $0x8000004E  }
0xb2: {  	_ =	swait.ge [sflag:s29], $0x1  }
0xb3: {  	[sflag:s29] =	ssyncadd.s32 $0xFFFFFFFF  }
0xb4: {  	_ =	strace $0x9000004E  }
0xb5: {  	_ =	sfence  }
0xb6: {  	s30 =	sld [smem:$0x0];
	_ =	sdelay $0x2  }
0xb7: {  	s31 =	sshll.u32 s1, $0xD;
	s1 =	sshrl.u32 s1, $0x2  }
0xb8: {  	s3 =	sand.u32 $0x4000, s31;
	s1 =	sadd.s32 s1, s30  }
0xb9: {  	s0 =	sor.u32 s3, s0;
	s1 =	sshll.u32 s1, $0x11  }
0xba: {  	s0 =	sor.u32 s1, s0  }
0xbb: {  	s0 =	sadd.s32 $0x8F2B, s0  }
0xbc: {  	[sflag:s0] =	ssyncadd.remote.s32 $0x1  }
0xbd: {  	_ =	sfence.sel $0xFFFF  }
0xbe: {  	[dreg:$0x0] =	wrdreg $0xFFFFFFFF;
	(pc) =	sbr.abs _section_cstart, $3  }
0xbf: {  	[dreg:$0x1] =	wrdreg $0xFFFFFFFF  }
0xc0: {  	_ =	task.clear_ibuf [dreg:s6], $0x2FFFF;
	_ =	strace $0x9FFFFFFF  }
0xc1: {  	(tm) =	ssettm $0x7FFFFFFF  }
tec
execute0_lowered:
.L_overlay_start_1:
0x0: {  	(tag) =	ssettag $0x1  }
0x1: {  	s2 =	rddreg [dreg:$0x0]  }
0x2: {  	s0 =	rddreg [dreg:$0x1]  }
0x3: {  	s4 =	srdreg.scid;
	s1 =	stileid.u32  }
0x4: {  	s3 =	simm.s32 $0x0;
	s12 =	simm.s32 $0x1;
	s13 =	simm.s32 $0x4080  }
0x5: {  	s14 =	simm.s32 $0x4100;
	s15 =	simm.s32 $0x4180;
	s16 =	simm.s32 $0x0  }
0x6: {  	s6 =	sand.u32 $0x1, s4;
	s31 =	sshll.u32 s1, $0x1;
	[smem:$0x7FF] =	sst s3  }
0x7: {  	s4 =	sadd.s32 $0x80200, s2;
	s10 =	sshll.u32 s1, $0x12;
	s5 =	sor.u32 s6, s31  }
0x8: {  	s7 =	ssub.s32 $0x2, s6;
	_ =	strace $0x8000004D;
	s11 =	sshll.u32 s6, $0x11  }
0x9: {  	s8 =	sshll.u32 s5, $0x4;
	s9 =	sshrl.u32 s7, $0x1;
	s5 =	sshll.u32 s5, $0x11  }
0xa: {  	s10 =	sor.u32 s11, s10;
	s11 =	simm.s32 $0x4000;
	s8 =	sadd.s32 s8, s2  }
0xb: {  	s9 =	ssub.s32 s7, s9;
	s10 =	sor.u32 $0x30, s10;
	s6 =	sadd.s32 $0x80E00, s8  }
0xc: {  	v0 =	vlaneseq.u32;
	v1 =	vimm.s32 $0x0;
	s7 =	sadd.s32 $0x80C00, s8;
	s8 =	sadd.s32 $0x80A00, s8;
	s9 =	smax.u32 s9, $0x1  }
.LBB2_1:
0xd: {  	[tilespmem:$0x4080] =	vst v1  }
0xe: {  	[tilespmem:$0x4100] =	vst v1  }
0xf: {  	[tilespmem:$0x4090] =	vst v1  }
0x10: {  	[tilespmem:$0x4110] =	vst v1  }
0x11: {  	[tilespmem:$0x40A0] =	vst v1  }
0x12: {  	[tilespmem:$0x4120] =	vst v1  }
0x13: {  	[tilespmem:$0x40B0] =	vst v1  }
0x14: {  	[tilespmem:$0x4130] =	vst v1  }
0x15: {  	[tilespmem:$0x40C0] =	vst v1  }
0x16: {  	[tilespmem:$0x4140] =	vst v1  }
0x17: {  	[tilespmem:$0x40D0] =	vst v1  }
0x18: {  	[tilespmem:$0x4150] =	vst v1  }
0x19: {  	[tilespmem:s11], [sflag:$0x1] =	stream.linear.gather [hbm4b:s4+s3], $0x80, $0x38;
	[tilespmem:$0x4200] =	vst v63  }
0x1a: {  	_ =	swait.ge [sflag:s12], $0x80  }
0x1b: {  	[sflag:s12] =	ssyncset.done $0x0  }
0x1c: {  	[sflag:s12] =	ssyncadd.s32 $0xFFFFFF80  }
0x1d: {  	v2 =	vld [tilespmem:$0x4000]  }
0x1e: {  	v3 =	vld [tilespmem:$0x4010]  }
0x1f: {  	s17 =	smov.u32 s10;
	v4 =	vld [tilespmem:$0x4020]  }
0x20: {  	v6 =	vimm.s32 $0x0;
	v7 =	vimm.s32 $0x0;
	s20 =	simm.s32 $0x0;
	s21 =	simm.s32 $0x0;
	s18 =	simm.s32 $0x0;
	v5 =	vld [tilespmem:$0x4030]  }
.LBB2_2:
0x21: {  	s19 =	sshll.u32 s18, $0xE  }
0x22: {  	s19 =	sadd.s32 s5, s19  }
0x23: {  	s19 =	sshrl.u32 s19, $0x3  }
0x24: {  	s19 =	sadd.s32 s2, s19  }
0x25: {  	[tilespmem:s3], [sflag:$0x1] =	stream.linear.gather [hbm4b:s19+s3], $0x4000, $0x38;
	[tilespmem:$0x4200] =	vst v63  }
0x26: {  	_ =	swait.ge [sflag:s12], $0x4000  }
0x27: {  	[sflag:s12] =	ssyncset.done $0x0  }
0x28: {  	s19 =	simm.s32 $0x20;
	[sflag:s12] =	ssyncadd.s32 $0xFFFFC000  }
0x29: {  	v8 =	vld [tilespmem:s19+$0xFFFFFFE0];
	_ =	sdelay $0x4  }
0x2a: {  	v9 =	vadd.f32 v8, v2  }
0x2b: {  	v10 =	vadd.f32 v8, v4  }
0x2c: {  	s22 =	sadd.s32 $0xFFFFFFD0, s17;
	vm0 =	vlt.f32 v8, $0.0e+00;
	vm1 =	vgt.f32 v8, $0.0e+00;
	vm2 =	veq.f32 v9, v3  }
0x2d: {  	v8 =	vor.u32 s22, v0;
	vm3 =	veq.f32 v10, v5;
	vm1 =	vmand vm1, vm2  }
0x2e: {  	vm0 =	vmand vm0, vm3;
	[tilespmem:s21+$0x4080] =	vst.msk vm1, v8  }
0x2f: {  	[tilespmem:s20+$0x4100] =	vst.msk vm0, v8  }
0x30: {  	v49 =	vmpcnt.ones.xlane vm1;
	v50 =	vld [tilespmem:s19+$0xFFFFFFF0]  }
0x31: {  	v8 =	vmpcnt.ones.xlane vm0  }
0x32: {  	v9 =	vxor.u32 $0x80000000, v49  }
0x33: {  	v8 =	vxor.u32 $0x80000000, v8;
	(xrf0) =	vmax.scan.msk.u32 $0xffff, v9  }
0x34: {  	(xrf0) =	vmax.scan.msk.u32 $0xffff, v8  }
0x35: {  	v8 =	vadd.f32 v50, v2;
	_ =	sdelay $0x2  }
0x36: {  	v51 =	vadd.f32 v50, v4  }
0x37: {  	vm2 =	vgt.f32 v50, $0.0e+00;
	vm5 =	vlt.f32 v50, $0.0e+00;
	vm3 =	veq.f32 v8, v3;
	v8, _, _ =	vpop (xrf0)  }
0x38: {  	vm4 =	veq.f32 v51, v5;
	vm2 =	vmand vm2, vm3;
	(v2sf) =	vpush v8, $0xF;
	v8, _, _ =	vpop (xrf0)  }
0x39: {  	vm3 =	vmand vm5, vm4;
	v52 =	vmpcnt.ones.xlane vm2;
	(v2sf) =	vpush v8, $0xF  }
0x3a: {  	v8 =	vmpcnt.ones.xlane vm3  }
0x3b: {  	v9 =	vxor.u32 $0x80000000, v52  }
0x3c: {  	(xrf0) =	vmax.scan.msk.u32 $0xffff, v9;
	v8 =	vxor.u32 $0x80000000, v8  }
0x3d: {  	(xrf0) =	vmax.scan.msk.u32 $0xffff, v8;
	_ =	sdelay $0x4  }
0x3e: {  	v8, _, _ =	vpop (xrf0)  }
0x3f: {  	(v2sf) =	vpush v8, $0xF;
	v8, _, _ =	vpop (xrf0)  }
0x40: {  	(v2sf) =	vpush v8, $0xF;
	_ =	sdelay $0x2  }
0x41: {  	s29 =	spop (v2sf)  }
0x42: {  	s30 =	sadd.s32 s29, s21;
	s31 =	spop (v2sf)  }
0x43: {  	s21 =	sadd.s32 $0x80000000, s30;
	s23 =	sadd.s32 s31, s20  }
0x44: {  	s24 =	sadd.s32 $0xFFFFFFE0, s17;
	p0 =	slt.s32 s21, $0x50;
	s20 =	sadd.s32 $0x80000000, s23  }
0x45: {  	v8 =	vor.u32 s24, v0;
	s21 =	simm.s32 @!p0 $0x50;
	p0 =	slt.s32 s20, $0x50  }
0x46: {  	s20 =	simm.s32 @!p0 $0x50;
	[tilespmem:s21+$0x4080] =	vst.msk vm2, v8  }
0x47: {  	[tilespmem:s20+$0x4100] =	vst.msk vm3, v8  }
0x48: {  	v8 =	vld [tilespmem:s19+$0x0];
	_ =	sdelay $0x3  }
0x49: {  	s25 =	spop (v2sf)  }
0x4a: {  	s21 =	sadd.s32 s25, s21;
	s26 =	spop (v2sf);
	v53 =	vadd.f32 v8, v2  }
0x4b: {  	s21 =	sadd.s32 $0x80000000, s21;
	v54 =	vadd.f32 v8, v4;
	s20 =	sadd.s32 s26, s20  }
0x4c: {  	s28 =	sadd.s32 $0xFFFFFFF0, s17;
	p0 =	slt.s32 s21, $0x50;
	vm4 =	vgt.f32 v8, $0.0e+00;
	vm7 =	vlt.f32 v8, $0.0e+00;
	s20 =	sadd.s32 $0x80000000, s20;
	vm5 =	veq.f32 v53, v3  }
0x4d: {  	v8 =	vor.u32 s28, v0;
	s21 =	simm.s32 @!p0 $0x50;
	vm6 =	veq.f32 v54, v5;
	p0 =	slt.s32 s20, $0x50;
	vm5 =	vmand vm4, vm5  }
0x4e: {  	s20 =	simm.s32 @!p0 $0x50;
	vm4 =	vmand vm7, vm6;
	[tilespmem:s21+$0x4080] =	vst.msk vm5, v8  }
0x4f: {  	[tilespmem:s20+$0x4100] =	vst.msk vm4, v8  }
0x50: {  	v55 =	vmpcnt.ones.xlane vm5;
	v56 =	vld [tilespmem:s19+$0x10]  }
0x51: {  	v8 =	vmpcnt.ones.xlane vm4  }
0x52: {  	v9 =	vxor.u32 $0x80000000, v55  }
0x53: {  	v8 =	vxor.u32 $0x80000000, v8;
	(xrf0) =	vmax.scan.msk.u32 $0xffff, v9  }
0x54: {  	(xrf0) =	vmax.scan.msk.u32 $0xffff, v8  }
0x55: {  	v8 =	vadd.f32 v56, v2;
	_ =	sdelay $0x2  }
0x56: {  	v57 =	vadd.f32 v56, v4  }
0x57: {  	vm13 =	vgt.f32 v56, $0.0e+00;
	vm15 =	vlt.f32 v56, $0.0e+00;
	vm14 =	veq.f32 v8, v3;
	v8, _, _ =	vpop (xrf0)  }
0x58: {  	vm8 =	veq.f32 v57, v5;
	vm6 =	vmand vm13, vm14;
	(v2sf) =	vpush v8, $0xF;
	v8, _, _ =	vpop (xrf0)  }
0x59: {  	vm7 =	vmand vm15, vm8;
	v58 =	vmpcnt.ones.xlane vm6;
	(v2sf) =	vpush v8, $0xF  }
0x5a: {  	v8 =	vmpcnt.ones.xlane vm7  }
0x5b: {  	v9 =	vxor.u32 $0x80000000, v58  }
0x5c: {  	(xrf0) =	vmax.scan.msk.u32 $0xffff, v9;
	v8 =	vxor.u32 $0x80000000, v8  }
0x5d: {  	(xrf0) =	vmax.scan.msk.u32 $0xffff, v8;
	_ =	sdelay $0x4  }
0x5e: {  	v8, _, _ =	vpop (xrf0)  }
0x5f: {  	(v2sf) =	vpush v8, $0xF;
	v8, _, _ =	vpop (xrf0)  }
0x60: {  	(v2sf) =	vpush v8, $0xF;
	_ =	sdelay $0x2  }
0x61: {  	s29 =	spop (v2sf)  }
0x62: {  	s19 =	sadd.s32 s29, s21;
	s30 =	spop (v2sf)  }
0x63: {  	s19 =	sadd.s32 $0x80000000, s19;
	s20 =	sadd.s32 s30, s20  }
0x64: {  	p0 =	slt.s32 s19, $0x50;
	s23 =	sadd.s32 $0x80000000, s20  }
0x65: {  	v8 =	vor.u32 s17, v0;
	s19 =	simm.s32 @!p0 $0x50;
	p0 =	slt.s32 s23, $0x50  }
0x66: {  	s23 =	simm.s32 @!p0 $0x50;
	[tilespmem:s19+$0x4080] =	vst.msk vm6, v8  }
0x67: {  	s20 =	simm.s32 $0x60;
	[tilespmem:s23+$0x4100] =	vst.msk vm7, v8  }
0x68: {  	v60 =	vsel vm0, $0x1, v1;
	v59 =	vld [tilespmem:s20+$0xFFFFFFE0]  }
0x69: {  	v6 =	vadd.s32 v60, v6;
	v12 =	vsel vm3, $0x1, v1;
	v8 =	vsel vm1, $0x1, v1  }
0x6a: {  	v11 =	vsel vm2, $0x1, v1;
	v6 =	vadd.s32 v12, v6;
	v7 =	vadd.s32 v8, v7  }
0x6b: {  	v13 =	vsel vm5, $0x1, v1;
	v8 =	vsel vm4, $0x1, v1;
	v7 =	vadd.s32 v11, v7  }
0x6c: {  	v61 =	vsel vm7, $0x1, v1;
	v8 =	vadd.s32 v8, v6;
	v6 =	vadd.s32 v13, v7;
	s31 =	spop (v2sf)  }
0x6d: {  	s21 =	simm.s32 $0x4;
	v7 =	vsel vm6, $0x1, v1;
	s19 =	sadd.s32 s31, s19;
	s24 =	spop (v2sf);
	v62 =	vadd.f32 v59, v2;
	v63 =	vadd.f32 v59, v4  }
0x6e: {  	v6 =	vadd.s32 v7, v6;
	v7 =	vadd.s32 v61, v8;
	s22 =	sadd.s32 $0x80000000, s19;
	s19 =	sadd.s32 $0x40, s17;
	vm1 =	vlt.f32 v59, $0.0e+00;
	s23 =	sadd.s32 s24, s23  }
0x6f: {  	vm0 =	vgt.f32 v59, $0.0e+00;
	s24 =	sadd.s32 $0xFFFFFFD0, s19;
	p1 =	slt.s32 s22, $0x50;
	s23 =	sadd.s32 $0x80000000, s23;
	vm3 =	veq.f32 v62, v3;
	vm2 =	veq.f32 v63, v5  }
.LBB2_3:
0x70: {  	s21 =	sadd.s32 $0x4, s21;
	v8 =	vor.u32 s24, v0;
	vm0 =	vmand vm0, vm3;
	s22 =	simm.s32 @!p1 $0x50;
	p1 =	slt.s32 s23, $0x50  }
0x71: {  	vm1 =	vmand vm1, vm2;
	p0 =	slt.u32 s21, $0x3FC;
	[tilespmem:s22+$0x4080] =	vst.msk vm0, v8;
	v9 =	vsel vm0, $0x1, v1;
	v10 =	vmpcnt.ones.xlane vm0;
	s23 =	simm.s32 @!p1 $0x50  }
0x72: {  	v11 =	vmpcnt.ones.xlane vm1;
	[tilespmem:s23+$0x4100] =	vst.msk vm1, v8;
	v8 =	vsel vm1, $0x1, v1  }
0x73: {  	v10 =	vxor.u32 $0x80000000, v10;
	v12 =	vld [tilespmem:s20+$0xFFFFFFF0]  }
0x74: {  	v11 =	vxor.u32 $0x80000000, v11;
	(xrf0) =	vmax.scan.msk.u32 $0xffff, v10  }
0x75: {  	(xrf0) =	vmax.scan.msk.u32 $0xffff, v11;
	_ =	sdelay $0x2  }
0x76: {  	v13 =	vadd.f32 v12, v2;
	v11 =	vadd.f32 v12, v4;
	_ =	sdelay $0x1  }
0x77: {  	vm0 =	vgt.f32 v12, $0.0e+00;
	vm1 =	veq.f32 v13, v3;
	vm2 =	veq.f32 v11, v5;
	v10, _, _ =	vpop (xrf0)  }
0x78: {  	vm3 =	vlt.f32 v12, $0.0e+00;
	vm0 =	vmand vm0, vm1;
	(v2sf) =	vpush v10, $0xF;
	v10, _, _ =	vpop (xrf0)  }
0x79: {  	vm1 =	vmand vm3, vm2;
	v11 =	vmpcnt.ones.xlane vm0;
	(v2sf) =	vpush v10, $0xF  }
0x7a: {  	v10 =	vsel vm0, $0x1, v1;
	v12 =	vsel vm1, $0x1, v1;
	v13 =	vmpcnt.ones.xlane vm1  }
0x7b: {  	v11 =	vxor.u32 $0x80000000, v11  }
0x7c: {  	v13 =	vxor.u32 $0x80000000, v13;
	(xrf0) =	vmax.scan.msk.u32 $0xffff, v11  }
0x7d: {  	(xrf0) =	vmax.scan.msk.u32 $0xffff, v13;
	_ =	sdelay $0x4  }
0x7e: {  	v11, _, _ =	vpop (xrf0)  }
0x7f: {  	(v2sf) =	vpush v11, $0xF;
	v11, _, _ =	vpop (xrf0)  }
0x80: {  	(v2sf) =	vpush v11, $0xF;
	_ =	sdelay $0x2  }
0x81: {  	s24 =	spop (v2sf)  }
0x82: {  	s22 =	sadd.s32 s24, s22;
	s24 =	spop (v2sf)  }
0x83: {  	s22 =	sadd.s32 $0x80000000, s22;
	s23 =	sadd.s32 s24, s23  }
0x84: {  	s24 =	sadd.s32 $0xFFFFFFE0, s19;
	p1 =	slt.s32 s22, $0x50;
	s23 =	sadd.s32 $0x80000000, s23  }
0x85: {  	v11 =	vor.u32 s24, v0;
	s22 =	simm.s32 @!p1 $0x50;
	p1 =	slt.s32 s23, $0x50  }
0x86: {  	s23 =	simm.s32 @!p1 $0x50;
	[tilespmem:s22+$0x4080] =	vst.msk vm0, v11  }
0x87: {  	[tilespmem:s23+$0x4100] =	vst.msk vm1, v11  }
0x88: {  	v11 =	vld [tilespmem:s20+$0x0];
	_ =	sdelay $0x3  }
0x89: {  	s24 =	spop (v2sf)  }
0x8a: {  	s22 =	sadd.s32 s24, s22;
	v13 =	vadd.f32 v11, v2;
	v14 =	vadd.f32 v11, v4;
	s24 =	spop (v2sf)  }
0x8b: {  	s22 =	sadd.s32 $0x80000000, s22;
	s23 =	sadd.s32 s24, s23  }
0x8c: {  	vm0 =	vgt.f32 v11, $0.0e+00;
	s24 =	sadd.s32 $0xFFFFFFF0, s19;
	p1 =	slt.s32 s22, $0x50;
	s23 =	sadd.s32 $0x80000000, s23;
	vm1 =	veq.f32 v13, v3;
	vm2 =	veq.f32 v14, v5  }
0x8d: {  	vm3 =	vlt.f32 v11, $0.0e+00;
	v11 =	vor.u32 s24, v0;
	s22 =	simm.s32 @!p1 $0x50;
	p1 =	slt.s32 s23, $0x50;
	vm0 =	vmand vm0, vm1  }
0x8e: {  	vm1 =	vmand vm3, vm2;
	s23 =	simm.s32 @!p1 $0x50;
	[tilespmem:s22+$0x4080] =	vst.msk vm0, v11;
	v13 =	vsel vm0, $0x1, v1;
	v14 =	vmpcnt.ones.xlane vm0  }
0x8f: {  	v15 =	vmpcnt.ones.xlane vm1;
	[tilespmem:s23+$0x4100] =	vst.msk vm1, v11;
	v11 =	vsel vm1, $0x1, v1  }
0x90: {  	v14 =	vxor.u32 $0x80000000, v14;
	v16 =	vld [tilespmem:s20+$0x10]  }
0x91: {  	v15 =	vxor.u32 $0x80000000, v15;
	(xrf0) =	vmax.scan.msk.u32 $0xffff, v14  }
0x92: {  	(xrf0) =	vmax.scan.msk.u32 $0xffff, v15;
	_ =	sdelay $0x1  }
0x93: {  	v6 =	vadd.s32 v9, v6;
	v7 =	vadd.s32 v8, v7  }
0x94: {  	v7 =	vadd.s32 v12, v7;
	v12 =	vadd.f32 v16, v2;
	v9 =	vadd.f32 v16, v4  }
0x95: {  	v6 =	vadd.s32 v10, v6;
	v7 =	vadd.s32 v11, v7;
	vm0 =	vlt.f32 v16, $0.0e+00  }
0x96: {  	vm1 =	vgt.f32 v16, $0.0e+00;
	vm2 =	veq.f32 v12, v3;
	vm3 =	veq.f32 v9, v5;
	v8, _, _ =	vpop (xrf0)  }
0x97: {  	vm1 =	vmand vm1, vm2;
	vm0 =	vmand vm0, vm3;
	(v2sf) =	vpush v8, $0xF;
	v8, _, _ =	vpop (xrf0)  }
0x98: {  	v9 =	vmpcnt.ones.xlane vm1;
	v10 =	vmpcnt.ones.xlane vm0;
	(v2sf) =	vpush v8, $0xF  }
0x99: {  	v6 =	vadd.s32 v13, v6;
	v8 =	vsel vm1, $0x1, v1;
	v11 =	vsel vm0, $0x1, v1  }
0x9a: {  	v6 =	vadd.s32 v8, v6;
	v8 =	vxor.u32 $0x80000000, v9;
	v9 =	vxor.u32 $0x80000000, v10  }
0x9b: {  	v7 =	vadd.s32 v11, v7;
	(xrf0) =	vmax.scan.msk.u32 $0xffff, v8  }
0x9c: {  	(xrf0) =	vmax.scan.msk.u32 $0xffff, v9;
	_ =	sdelay $0x4  }
0x9d: {  	v8, _, _ =	vpop (xrf0)  }
0x9e: {  	(v2sf) =	vpush v8, $0xF;
	v8, _, _ =	vpop (xrf0)  }
0x9f: {  	(v2sf) =	vpush v8, $0xF;
	_ =	sdelay $0x2  }
0xa0: {  	s24 =	spop (v2sf)  }
0xa1: {  	s22 =	sadd.s32 s24, s22;
	s24 =	spop (v2sf)  }
0xa2: {  	s22 =	sadd.s32 $0x80000000, s22;
	s23 =	sadd.s32 s24, s23  }
0xa3: {  	p1 =	slt.s32 s22, $0x50;
	s23 =	sadd.s32 $0x80000000, s23  }
0xa4: {  	v8 =	vor.u32 s19, v0;
	s22 =	simm.s32 @!p1 $0x50;
	p1 =	slt.s32 s23, $0x50  }
0xa5: {  	s23 =	simm.s32 @!p1 $0x50;
	[tilespmem:s22+$0x4080] =	vst.msk vm1, v8  }
0xa6: {  	s20 =	sadd.s32 $0x40, s20;
	[tilespmem:s23+$0x4100] =	vst.msk vm0, v8  }
0xa7: {  	v8 =	vld [tilespmem:s20+$0xFFFFFFE0];
	_ =	sdelay $0x2  }
.Ltmp0:
0xa8: {  	(pc) =	sbr.rel @p0 .LBB2_3-.Ltmp0, $4  }
0xa9: {  	s24 =	spop (v2sf)  }
0xaa: {  	vm1 =	vlt.f32 v8, $0.0e+00;
	v9 =	vadd.f32 v8, v2;
	v10 =	vadd.f32 v8, v4;
	s22 =	sadd.s32 s24, s22;
	s24 =	spop (v2sf)  }
0xab: {  	s19 =	sadd.s32 $0x40, s19;
	s22 =	sadd.s32 $0x80000000, s22;
	s23 =	sadd.s32 s24, s23  }
0xac: {  	vm0 =	vgt.f32 v8, $0.0e+00;
	s24 =	sadd.s32 $0xFFFFFFD0, s19;
	vm3 =	veq.f32 v9, v3;
	vm2 =	veq.f32 v10, v5;
	p1 =	slt.s32 s22, $0x50;
	s23 =	sadd.s32 $0x80000000, s23  }
0xad: {  	v8 =	vor.u32 s24, v0;
	vm0 =	vmand vm0, vm3;
	s22 =	simm.s32 @!p1 $0x50;
	p0 =	slt.s32 s23, $0x50  }
0xae: {  	vm1 =	vmand vm1, vm2;
	[tilespmem:s22+$0x4080] =	vst.msk vm0, v8;
	s23 =	simm.s32 @!p0 $0x50  }
0xaf: {  	[tilespmem:s23+$0x4100] =	vst.msk vm1, v8  }
0xb0: {  	v9 =	vmpcnt.ones.xlane vm0;
	v10 =	vld [tilespmem:s20+$0xFFFFFFF0]  }
0xb1: {  	v8 =	vmpcnt.ones.xlane vm1  }
0xb2: {  	v9 =	vxor.u32 $0x80000000, v9  }
0xb3: {  	v8 =	vxor.u32 $0x80000000, v8;
	(xrf0) =	vmax.scan.msk.u32 $0xffff, v9  }
0xb4: {  	(xrf0) =	vmax.scan.msk.u32 $0xffff, v8  }
0xb5: {  	v8 =	vadd.f32 v10, v2;
	_ =	sdelay $0x2  }
0xb6: {  	v47 =	vadd.f32 v10, v4  }
0xb7: {  	vm12 =	vgt.f32 v10, $0.0e+00;
	vm5 =	vlt.f32 v10, $0.0e+00;
	vm13 =	veq.f32 v8, v3;
	v8, _, _ =	vpop (xrf0)  }
0xb8: {  	vm4 =	veq.f32 v47, v5;
	vm3 =	vmand vm12, vm13;
	(v2sf) =	vpush v8, $0xF;
	v8, _, _ =	vpop (xrf0)  }
0xb9: {  	vm2 =	vmand vm5, vm4;
	v48 =	vmpcnt.ones.xlane vm3;
	(v2sf) =	vpush v8, $0xF  }
0xba: {  	v8 =	vmpcnt.ones.xlane vm2  }
0xbb: {  	v9 =	vxor.u32 $0x80000000, v48  }
0xbc: {  	(xrf0) =	vmax.scan.msk.u32 $0xffff, v9;
	v8 =	vxor.u32 $0x80000000, v8  }
0xbd: {  	(xrf0) =	vmax.scan.msk.u32 $0xffff, v8;
	_ =	sdelay $0x4  }
0xbe: {  	v8, _, _ =	vpop (xrf0)  }
0xbf: {  	(v2sf) =	vpush v8, $0xF;
	v8, _, _ =	vpop (xrf0)  }
0xc0: {  	(v2sf) =	vpush v8, $0xF;
	_ =	sdelay $0x2  }
0xc1: {  	s21 =	spop (v2sf)  }
0xc2: {  	s21 =	sadd.s32 s21, s22;
	s28 =	spop (v2sf)  }
0xc3: {  	s21 =	sadd.s32 $0x80000000, s21;
	s22 =	sadd.s32 s28, s23  }
0xc4: {  	s29 =	sadd.s32 $0xFFFFFFE0, s19;
	p0 =	slt.s32 s21, $0x50;
	s22 =	sadd.s32 $0x80000000, s22  }
0xc5: {  	v8 =	vor.u32 s29, v0;
	s21 =	simm.s32 @!p0 $0x50;
	p0 =	slt.s32 s22, $0x50  }
0xc6: {  	s22 =	simm.s32 @!p0 $0x50;
	[tilespmem:s21+$0x4080] =	vst.msk vm3, v8  }
0xc7: {  	[tilespmem:s22+$0x4100] =	vst.msk vm2, v8  }
0xc8: {  	v8 =	vld [tilespmem:s20+$0x0];
	_ =	sdelay $0x3  }
0xc9: {  	s30 =	spop (v2sf)  }
0xca: {  	s21 =	sadd.s32 s30, s21;
	s31 =	spop (v2sf);
	v49 =	vadd.f32 v8, v2  }
0xcb: {  	s21 =	sadd.s32 $0x80000000, s21;
	v50 =	vadd.f32 v8, v4;
	s22 =	sadd.s32 s31, s22  }
0xcc: {  	s24 =	sadd.s32 $0xFFFFFFF0, s19;
	p0 =	slt.s32 s21, $0x50;
	vm14 =	vgt.f32 v8, $0.0e+00;
	vm8 =	vlt.f32 v8, $0.0e+00;
	s22 =	sadd.s32 $0x80000000, s22;
	vm15 =	veq.f32 v49, v3  }
0xcd: {  	v8 =	vor.u32 s24, v0;
	s21 =	simm.s32 @!p0 $0x50;
	vm6 =	veq.f32 v50, v5;
	p0 =	slt.s32 s22, $0x50;
	vm7 =	vmand vm14, vm15  }
0xce: {  	s22 =	simm.s32 @!p0 $0x50;
	vm6 =	vmand vm8, vm6;
	[tilespmem:s21+$0x4080] =	vst.msk vm7, v8  }
0xcf: {  	[tilespmem:s22+$0x4100] =	vst.msk vm6, v8  }
0xd0: {  	v8 =	vld [tilespmem:s20+$0x10];
	_ =	sdelay $0x3  }
0xd1: {  	v52 =	vmpcnt.ones.xlane vm7  }
0xd2: {  	v11 =	vmpcnt.ones.xlane vm6;
	v51 =	vadd.f32 v8, v2  }
0xd3: {  	v53 =	vxor.u32 $0x80000000, v52;
	v12 =	vadd.f32 v8, v4  }
0xd4: {  	v54 =	vxor.u32 $0x80000000, v11;
	vm12 =	vgt.f32 v8, $0.0e+00;
	vm13 =	veq.f32 v51, v3  }
0xd5: {  	(xrf0) =	vmax.scan.msk.u32 $0xffff, v53;
	vm14 =	vlt.f32 v8, $0.0e+00;
	vm15 =	veq.f32 v12, v5;
	vm5 =	vmand vm12, vm13  }
0xd6: {  	(xrf0) =	vmax.scan.msk.u32 $0xffff, v54;
	vm4 =	vmand vm14, vm15;
	v8 =	vmpcnt.ones.xlane vm5  }
0xd7: {  	v55 =	vmpcnt.ones.xlane vm4  }
0xd8: {  	v8 =	vxor.u32 $0x80000000, v8  }
0xd9: {  	v9 =	vxor.u32 $0x80000000, v55;
	(xrf0) =	vmax.scan.msk.u32 $0xffff, v8  }
0xda: {  	(xrf0) =	vmax.scan.msk.u32 $0xffff, v9  }
0xdb: {  	v8, _, _ =	vpop (xrf0)  }
0xdc: {  	v56, _, _ =	vpop (xrf0);
	(v2sf) =	vpush v8, $0xF  }
0xdd: {  	(v2sf) =	vpush v56, $0xF;
	_ =	sdelay $0x1  }
0xde: {  	v8, _, _ =	vpop (xrf0)  }
0xdf: {  	(v2sf) =	vpush v8, $0xF;
	v8, _, _ =	vpop (xrf0)  }
0xe0: {  	(v2sf) =	vpush v8, $0xF;
	_ =	sdelay $0x9  }
0xe1: {  	s25 =	spop (v2sf)  }
0xe2: {  	s20 =	sadd.s32 s25, s21;
	s26 =	spop (v2sf)  }
0xe3: {  	s18 =	sadd.s32 $0x1, s18;
	s23 =	sadd.s32 $0x80000000, s20;
	s28 =	sadd.s32 s26, s22  }
0xe4: {  	v57 =	vsel vm1, $0x1, v1;
	p2 =	sne.s32 s18, $0x8;
	p0 =	slt.s32 s23, $0x50;
	s22 =	sadd.s32 $0x80000000, s28  }
0xe5: {  	v62 =	vor.u32 s19, v0;
	v7 =	vadd.s32 v57, v7;
	s23 =	simm.s32 @!p0 $0x50;
	p0 =	slt.s32 s22, $0x50;
	s29 =	spop (v2sf)  }
.Ltmp1:
0xe6: {  	v58 =	vsel vm3, $0x1, v1;
	v59 =	vsel vm2, $0x1, v1;
	v8 =	vsel vm0, $0x1, v1;
	s22 =	simm.s32 @!p0 $0x50;
	s30 =	spop (v2sf);
	(pc) =	sbr.rel @p2 .LBB2_2-.Ltmp1, $4  }
0xe7: {  	v7 =	vadd.s32 v59, v7;
	v60 =	vsel vm7, $0x1, v1;
	v6 =	vadd.s32 v8, v6;
	s20 =	sadd.s32 s29, s23;
	s31 =	sadd.s32 s30, s22  }
0xe8: {  	v61 =	vsel vm6, $0x1, v1;
	v63 =	vsel vm4, $0x1, v1;
	v6 =	vadd.s32 v58, v6;
	s21 =	sadd.s32 $0x80000000, s20;
	s20 =	sadd.s32 $0x80000000, s31  }
0xe9: {  	v8 =	vadd.s32 v61, v7;
	v7 =	vsel vm5, $0x1, v1;
	v6 =	vadd.s32 v60, v6;
	[tilespmem:s23+$0x4080] =	vst.msk vm5, v62;
	p0 =	slt.s32 s21, $0x50;
	p1 =	slt.s32 s20, $0x50  }
0xea: {  	s17 =	sadd.s32 $0x4000, s17;
	v7 =	vadd.s32 v7, v6;
	v6 =	vadd.s32 v63, v8;
	[tilespmem:s22+$0x4100] =	vst.msk vm4, v62;
	s21 =	simm.s32 @!p0 $0x50;
	s20 =	simm.s32 @!p1 $0x50  }
0xeb: {  	[tilespmem:$0x4180] =	vst v7  }
0xec: {  	[tilespmem:$0x4190] =	vst v6  }
0xed: {  	[hbm4b:s6+s3] =	stream.linear.scatter [tilespmem:s13], [sflag:$0x1], $0x80, $0x38;
	[tilespmem:$0x4200] =	vst v63  }
0xee: {  	_ =	swait.ge [sflag:s12], $0x80  }
0xef: {  	[sflag:s12] =	ssyncset.done $0x0  }
0xf0: {  	[sflag:s12] =	ssyncadd.s32 $0xFFFFFF80  }
0xf1: {  	[hbm4b:s7+s3] =	stream.linear.scatter [tilespmem:s14], [sflag:$0x1], $0x80, $0x38;
	[tilespmem:$0x4200] =	vst v63  }
0xf2: {  	s16 =	sadd.s32 $0x1, s16;
	_ =	swait.ge [sflag:s12], $0x80  }
0xf3: {  	p0 =	sne.s32 s16, s9;
	[sflag:s12] =	ssyncset.done $0x0  }
.Ltmp2:
0xf4: {  	[sflag:s12] =	ssyncadd.s32 $0xFFFFFF80;
	(pc) =	sbr.rel @p0 .LBB2_1-.Ltmp2, $4  }
0xf5: {  	[hbm4b:s8+s3] =	stream.linear.scatter [tilespmem:s15], [sflag:$0x1], $0x80, $0x38;
	[tilespmem:$0x4200] =	vst v63  }
0xf6: {  	_ =	swait.ge [sflag:s12], $0x80  }
0xf7: {  	[sflag:s12] =	ssyncset.done $0x0  }
0xf8: {  	[sflag:s12] =	ssyncadd.s32 $0xFFFFFF80  }
0xf9: {  	_ =	sfence.sel $0x180000  }
0xfa: {  	[bflag:$0x0] =	sbarrier.arrive $0xFFFF  }
0xfb: {  	p0 =	sne.s32 s1, $0x0;
	_ =	strace $0x9000004D  }
0xfc: {  	s0 =	sadd.s32 @!p0 $0x100000, s0;
	[bflag:$0x2] =	sbarrier.arrive $0xFFFF  }
0xfd: {  	[sflag:s0] =	ssyncadd.tile.s32 @!p0 $0x1;
	_ =	shalt  }
.Lfunc_end2:
_tile_overlayer_lowered:
.L_overlay_start_2:
0xfe: {  	(tag) =	ssettag $0x2  }
0xff: {  	s0 =	rddreg [dreg:$0x0];
	s2 =	stileid.u32  }
0x100: {  	s1 =	rddreg [dreg:$0x1];
	p0 =	sne.s32 s2, $0x0  }
0x101: {  	s3 =	rddreg [dreg:$0x2];
	[bflag:$0x3] =	sbarrier.arrive $0xFFFF;
	s2 =	simm.s32 @!p0 $0x1C01  }
0x102: {  	[timem:s3], [sflag:s2] =	dma.local @!p0 [hbm:s0], s1  }
0x103: {  	s0 =	simm.s32 @!p0 $0x1  }
0x104: {  	_ =	swait.ge @!p0 [sflag:s0], s1  }
0x105: {  	s1 =	ssub.s32 @!p0 $0x0, s1;
	[sflag:s0] =	ssyncset.done @!p0 $0x0  }
0x106: {  	[sflag:s0] =	ssyncadd.s32 @!p0 s1  }
0x107: {  	[bflag:$0x3] =	sbarrier.arrive $0xFFFF  }
0x108: {  	_ =	shalt  }

// kernel: kernel.6.cloned.1.call-start
scs
__scs_entry_jumppad:
0x0: {  	(pc) =	sbr.rel $0x88, $3  }
0x1: {  	(tag) =	ssettag $0x0;
	lr =	simm.s32 $0x1  }
0x2: {  	[smem:$0x3FA0] =	sst lr;
	_ =	strace $0xD0000000  }
0x3: {  	_ = 	snop  }
0x4: {  	_ = 	snop  }
0x5: {  	_ = 	snop  }
0x6: {  	_ = 	snop  }
0x7: {  	_ = 	snop  }
__scs_overlays_trampoline_lowered:
0x8: {  	[smem:$0x3FAF] =	sst s0  }
0x9: {  	[smem:$0x3FB0] =	sst s1  }
0xa: {  	[smem:$0x3FB1] =	sst s2  }
0xb: {  	[smem:$0x3FB2] =	sst s3  }
0xc: {  	[smem:$0x3FB3] =	sst s4  }
0xd: {  	[smem:$0x3FB4] =	sst s5  }
0xe: {  	[smem:$0x3FB5] =	sst s6  }
0xf: {  	[smem:$0x3FB6] =	sst s7  }
0x10: {  	[smem:$0x3FB7] =	sst s8  }
0x11: {  	[smem:$0x3FB8] =	sst s9;
	s0 =	simm.s32 @!p0 $0x0  }
0x12: {  	s1 =	sld [smem:$0x3F9E];
	s0 =	simm.s32 @p0 $0x1  }
0x13: {  	[smem:$0x3FB9] =	sst s0;
	s0 =	simm.s32 @!p1 $0x0  }
0x14: {  	s2 =	sld [smem:$0x3F9D];
	s0 =	simm.s32 @p1 $0x1  }
0x15: {  	[smem:$0x3FBA] =	sst s0;
	s0 =	simm.s32 @!p2 $0x0  }
0x16: {  	s3 =	sld [smem:$0x3FDB];
	s0 =	simm.s32 @p2 $0x1  }
0x17: {  	s4 =	simm.s32 $0x1BF5;
	[smem:$0x3FBC] =	sst s0  }
0x18: {  	s0 =	sld [smem:$0x3F9F];
	_ =	swait.ge [sflag:s4], $0x0  }
0x19: {  	s7 =	sld [smem:$0x3FA0]  }
0x1a: {  	s8 =	sadd.s32 $0xFFFFE003, lr  }
0x1b: {  	s9 =	sadd.s32 $0xFFFFFEF7, lr;
	s5 =	simm.s32 $0xFFFFFFFF;
	p2 =	slt.u32 s8, $0xFFFFF086  }
0x1c: {  	p1 =	slt.u32 s9, $0xF7A;
	s5 =	simm.s32 @!p2 $0x0  }
0x1d: {  	s5 =	simm.s32 @p1 $0x1;
	p0 =	seq.s32 s7, s2  }
0x1e: {  	s7 =	smul.u32 @!p0 $0xF7A, s2;
	p2 =	seq.s32 @!p0 s5, $0x0  }
0x1f: {  	s9 =	smul.u32 $0xF7A, s1;
	s8 =	simm.s32 @!p0 $0x1BF5;
	p2 =	por !p2, p0  }
0x20: {  	[sflag:s8] =	ssyncset.s32 @!p0 $0xFFFFF086;
	s6 =	sadd.s32 @!p0 s3, s7;
	s7 =	simm.s32 @!p0 $0x108  }
0x21: {  	s3 =	sadd.s32 s3, s9;
	s6 =	sadd.s32 @!p0 $0x88, s6;
	s7 =	simm.s32 @p2 $0x1082  }
0x22: {  	[simem:s7], [sflag:s8] =	dma.local @!p0 [hbm:s6], $0xF7A  }
0x23: {  	s9 =	sor.u32 $0xD0000000, s2;
	s6 =	simm.s32 $0x108;
	_ =	swait.ge @!p0 [sflag:s8], $0x0  }
0x24: {  	s3 =	sadd.s32 $0x88, s3;
	s6 =	simm.s32 @!p1 $0x1082;
	[sflag:s4] =	ssyncset.s32 $0xFFFFF086  }
0x25: {  	[simem:s6], [sflag:s4] =	dma.local [hbm:s3], $0xF7A  }
0x26: {  	[smem:$0x3FA0] =	sst s1;
	(tag) =	ssettag s2;
	_ =	strace s9  }
0x27: {  	s1 =	sld [smem:$0x3FB0]  }
0x28: {  	s2 =	sld [smem:$0x3FB1]  }
0x29: {  	s4 =	sld [smem:$0x3FB3]  }
0x2a: {  	p0 =	seq.s32 s5, $0x0;
	s5 =	sld [smem:$0x3FB4]  }
0x2b: {  	s6 =	sld [smem:$0x3FB5]  }
0x2c: {  	s7 =	sld [smem:$0x3FB6]  }
0x2d: {  	s3 =	simm.s32 $0x108;
	s8 =	sld [smem:$0x3FB7]  }
0x2e: {  	s3 =	simm.s32 @!p0 $0x1082;
	s9 =	sld [smem:$0x3FB8]  }
0x2f: {  	lr =	sadd.s32 s0, s3;
	s0 =	sld [smem:$0x3FAF]  }
0x30: {  	s3 =	sld [smem:$0x3FB2]  }
0x31: {  	[smem:$0x3FBB] =	sst s10  }
0x32: {  	s10 =	sld [smem:$0x3FB9];
	_ =	sdelay $0x3  }
0x33: {  	p0 =	seq.s32 s10, $0x1;
	s10 =	sld [smem:$0x3FBB];
	_ =	sdelay $0x3  }
0x34: {  	[smem:$0x3FBB] =	sst s10  }
0x35: {  	s10 =	sld [smem:$0x3FBA];
	_ =	sdelay $0x3  }
0x36: {  	p1 =	seq.s32 s10, $0x1;
	s10 =	sld [smem:$0x3FBB];
	_ =	sdelay $0x3  }
0x37: {  	[smem:$0x3FBB] =	sst s10  }
0x38: {  	s10 =	sld [smem:$0x3FBC]  }
0x39: {  	_ = 	snop;
	(pc) =	sbr.ind lr, $3  }
0x3a: {  	_ = 	snop  }
0x3b: {  	_ = 	snop  }
0x3c: {  	p2 =	seq.s32 s10, $0x1;
	s10 =	sld [smem:$0x3FBB]  }
0x3d: {  	_ =	shalt  }
0x3e: {  	_ =	shalt  }
0x3f: {  	_ =	shalt  }
0x40: {  	_ =	shalt  }
0x41: {  	_ =	shalt  }
0x42: {  	_ =	shalt  }
0x43: {  	_ =	shalt  }
0x44: {  	_ =	shalt  }
0x45: {  	_ =	shalt  }
0x46: {  	_ =	shalt  }
0x47: {  	_ =	shalt  }
0x48: {  	_ =	shalt  }
0x49: {  	_ =	shalt  }
0x4a: {  	_ =	shalt  }
0x4b: {  	_ =	shalt  }
0x4c: {  	_ =	shalt  }
0x4d: {  	_ =	shalt  }
0x4e: {  	_ =	shalt  }
0x4f: {  	_ =	shalt  }
0x50: {  	_ =	shalt  }
0x51: {  	_ =	shalt  }
0x52: {  	_ =	shalt  }
0x53: {  	_ =	shalt  }
0x54: {  	_ =	shalt  }
0x55: {  	_ =	shalt  }
0x56: {  	_ =	shalt  }
0x57: {  	_ =	shalt  }
0x58: {  	_ =	shalt  }
0x59: {  	_ =	shalt  }
0x5a: {  	_ =	shalt  }
0x5b: {  	_ =	shalt  }
0x5c: {  	_ =	shalt  }
0x5d: {  	_ =	shalt  }
0x5e: {  	_ =	shalt  }
0x5f: {  	_ =	shalt  }
0x60: {  	_ =	shalt  }
0x61: {  	_ =	shalt  }
0x62: {  	_ =	shalt  }
0x63: {  	_ =	shalt  }
0x64: {  	_ =	shalt  }
0x65: {  	_ =	shalt  }
0x66: {  	_ =	shalt  }
0x67: {  	_ =	shalt  }
0x68: {  	_ =	shalt  }
0x69: {  	_ =	shalt  }
0x6a: {  	_ =	shalt  }
0x6b: {  	_ =	shalt  }
0x6c: {  	_ =	shalt  }
0x6d: {  	_ =	shalt  }
0x6e: {  	_ =	shalt  }
0x6f: {  	_ =	shalt  }
0x70: {  	_ =	shalt  }
0x71: {  	_ =	shalt  }
0x72: {  	_ =	shalt  }
0x73: {  	_ =	shalt  }
0x74: {  	_ =	shalt  }
0x75: {  	_ =	shalt  }
0x76: {  	_ =	shalt  }
0x77: {  	_ =	shalt  }
0x78: {  	_ =	shalt  }
0x79: {  	_ =	shalt  }
0x7a: {  	_ =	shalt  }
0x7b: {  	_ =	shalt  }
0x7c: {  	_ =	shalt  }
0x7d: {  	_ =	shalt  }
0x7e: {  	_ =	shalt  }
0x7f: {  	_ =	shalt  }
0x80: {  	_ =	shalt  }
0x81: {  	_ =	shalt  }
0x82: {  	_ =	shalt  }
0x83: {  	_ =	shalt  }
0x84: {  	_ =	shalt  }
0x85: {  	_ =	shalt  }
0x86: {  	_ =	shalt  }
0x87: {  	_ =	shalt  }
.Lfunc_end0:
.L_simem_size_0:
called_computation_lowered:
.L_overlay_start_0:
0x88: {  	s2 =	sld [smem:$0x3FD9]  }
0x89: {  	s3 =	sld [smem:$0x3FFE];
	_ =	sdelay $0x1  }
0x8a: {  	s1 =	srdreg.scid  }
0x8b: {  	s0 =	sand.u32 $0x1, s1  }
0x8c: {  	s17 =	sshll.u32 s0, $0xA;
	s2 =	sadd.s32 s3, s2  }
0x8d: {  	s2 =	sadd.s32 s2, s17  }
0x8e: {  	[smem:$0x3FC7] =	sst s2  }
0x8f: {  	_ = 	snop  }
0x90: {  	s2 =	sld [smem:$0x3FD0];
	(tm) =	ssettm $0x1  }
0x91: {  	s18 =	sld [smem:$0x3FFB];
	_ =	sdelay $0x3  }
0x92: {  	_ =	strace s18  }
0x93: {  	s3 =	sld [smem:$0x3FFC];
	_ =	sdelay $0x3  }
0x94: {  	_ =	strace s3  }
0x95: {  	s3 =	sld [smem:$0x3FFD];
	_ =	sdelay $0x3  }
0x96: {  	_ =	strace s3  }
0x97: {  	_ =	strace $0x8FFFFFFF  }
0x98: {  	s19 =	sld [smem:$0x3FDB];
	_ =	sdelay $0x1  }
0x99: {  	s4 =	simm.s32 $_scs_section_size  }
0x9a: {  	s5 =	simm.s32 $_size__tile_overlayer_lowered;
	s6 =	simm.s32 $_tile_overlayer_lowered  }
0x9b: {  	s22 =	simm.s32 $0x1BFF;
	s21 =	sshll.u32 s6, $0x1;
	s3 =	sadd.s32 s4, s19  }
0x9c: {  	s7 =	simm.s32 $0x0;
	s20 =	sshll.u32 s5, $0x1;
	s5 =	sadd.s32 s21, s3  }
0x9d: {  	[timem:s7], [sflag:s22] =	dma.local [hbm:s5], s20  }
0x9e: {  	_ =	swait.ge [sflag:s22], s20  }
0x9f: {  	s4 =	ssub.s32 $0x0, s20;
	[sflag:s22] =	ssyncset.done $0x0  }
0xa0: {  	[sflag:s22] =	ssyncadd.s32 s4;
	_ =	sdelay $0x1  }
0xa1: {  	s23 =	simm.s32 $0x1B8B  }
0xa2: {  	_ =	swait.ge [sflag:s23], $0x1  }
0xa3: {  	[sflag:s23] =	ssyncset.done $0x0  }
0xa4: {  	s25 =	simm.s32 $0x1B8E;
	s24 =	sld [smem:$0x3FFE];
	[sflag:s23] =	ssyncadd.s32 $0xFFFFFFFF  }
0xa5: {  	s26 =	simm.s32 $execute0_lowered;
	[smem:$0x3FD2] =	sst s25  }
0xa6: {  	s5 =	sshll.u32 s26, $0x1;
	_ =	strace $0x80000046;
	[dreg:$0x1] =	wrdreg $0xFFFFFFFF  }
0xa7: {  	s28 =	simm.s32 $_size_execute0_lowered;
	s3 =	sadd.s32 s3, s5;
	[dreg:$0x0] =	wrdreg $0x0  }
0xa8: {  	s5 =	sshll.u32 s28, $0x1;
	[dreg:$0x2] =	wrdreg s3  }
0xa9: {  	[dreg:$0x3] =	wrdreg s5  }
0xaa: {  	[dreg:$0x4] =	wrdreg $0xC0  }
0xab: {  	_ =	task [dreg:s7], $0x5FFFF  }
0xac: {  	[dreg:$0x1] =	wrdreg $0xFFFFFFFF  }
0xad: {  	[dreg:$0x0] =	wrdreg $0x60  }
0xae: {  	[dreg:$0x2] =	wrdreg s24  }
0xaf: {  	[dreg:$0x3] =	wrdreg s2  }
0xb0: {  	[dreg:$0x4] =	wrdreg $0x9  }
0xb1: {  	_ =	task.clear_ibuf [dreg:s7], $0x5FFFF;
	_ =	strace $0x90000046  }
0xb2: {  	s29 =	simm.s32 $0x9;
	_ =	strace $0x80000048  }
0xb3: {  	_ =	swait.ge [sflag:s29], $0x1  }
0xb4: {  	[sflag:s29] =	ssyncadd.s32 $0xFFFFFFFF  }
0xb5: {  	_ =	strace $0x90000048  }
0xb6: {  	_ =	sfence  }
0xb7: {  	s30 =	sld [smem:$0x0];
	_ =	sdelay $0x2  }
0xb8: {  	s31 =	sshll.u32 s1, $0xD;
	s1 =	sshrl.u32 s1, $0x2  }
0xb9: {  	s3 =	sand.u32 $0x4000, s31;
	s1 =	sadd.s32 s1, s30  }
0xba: {  	s0 =	sor.u32 s3, s0;
	s1 =	sshll.u32 s1, $0x11  }
0xbb: {  	s0 =	sor.u32 s1, s0  }
0xbc: {  	s0 =	sadd.s32 $0x8F2B, s0  }
0xbd: {  	[sflag:s0] =	ssyncadd.remote.s32 $0x1  }
0xbe: {  	_ =	sfence.sel $0xFFFF  }
0xbf: {  	[dreg:$0x0] =	wrdreg $0xFFFFFFFF;
	(pc) =	sbr.abs _section_cstart, $3  }
0xc0: {  	[dreg:$0x1] =	wrdreg $0xFFFFFFFF  }
0xc1: {  	_ =	task.clear_ibuf [dreg:s7], $0x2FFFF;
	_ =	strace $0x9FFFFFFF  }
0xc2: {  	(tm) =	ssettm $0x7FFFFFFF  }
0xc3: {  	_ =	shalt  }
tec
execute0_lowered:
.L_overlay_start_1:
0x0: {  	(tag) =	ssettag $0x1  }
0x1: {  	s1 =	srdreg.scid;
	s3 =	rddreg [dreg:$0x0]  }
0x2: {  	s0 =	stileid.u32;
	s5 =	rddreg [dreg:$0x1]  }
0x3: {  	s2 =	simm.s32 $0x0;
	s11 =	simm.s32 $0x80;
	s12 =	simm.s32 $0x400  }
0x4: {  	s13 =	simm.s32 $0x14000;
	s14 =	simm.s32 $0x14800;
	s15 =	simm.s32 $0x15000  }
0x5: {  	v1 =	vlaneseq.u32;
	s16 =	simm.s32 $0x0;
	s4 =	sand.u32 $0x1, s1;
	s1 =	rddreg [dreg:$0x2]  }
0x6: {  	s30 =	sshll.u32 s0, $0x1;
	s7 =	sshrl.u32 s0, $0x2;
	[smem:$0x7FF] =	sst s2;
	v0 =	vand.u32 $0x7, v1  }
0x7: {  	s6 =	sor.u32 s4, s30;
	s9 =	sshll.u32 s7, $0xE;
	s7 =	sshll.u32 s7, $0xA;
	v4 =	vmul.u32 $0x10, v0  }
0x8: {  	_ =	strace $0x80000047;
	s4 =	ssub.s32 $0x2, s4;
	v0 =	vor.u32 $0xFFFFC100, v1;
	v1 =	vmul.u32 $0x10, v1;
	s8 =	sshll.u32 s6, $0x7  }
0x9: {  	v2 =	vimm.s32 $0x1;
	v3 =	vimm.s32 $0x0;
	s10 =	sshrl.u32 s4, $0x1;
	s6 =	sshll.u32 s6, $0xE;
	s8 =	sand.u32 $0x380, s8;
	v4 =	vor.u32 $0xFFFFFF80, v4  }
0xa: {  	s10 =	ssub.s32 s4, s10;
	v5 =	vor.u32 $0x1, v1;
	v6 =	vor.u32 $0x2, v1;
	v7 =	vor.u32 $0x3, v1;
	s9 =	sor.u32 s9, s8;
	s7 =	sor.u32 s7, s8  }
0xb: {  	v8 =	vor.u32 $0x4, v1;
	v9 =	vor.u32 $0x5, v1;
	v10 =	vor.u32 $0x6, v1;
	s8 =	simm.s32 $0x1;
	s9 =	sshrl.u32 s9, $0x3;
	s7 =	sshrl.u32 s7, $0x3  }
0xc: {  	v11 =	vor.u32 $0x7, v1;
	v12 =	vor.u32 $0x8, v1;
	v13 =	vor.u32 $0x9, v1;
	s31 =	sadd.s32 s9, s3;
	s7 =	sadd.s32 s7, s3;
	s3 =	sadd.s32 s3, s6  }
0xd: {  	v14 =	vor.u32 $0xA, v1;
	v15 =	vor.u32 $0xB, v1;
	v16 =	vor.u32 $0xC, v1;
	s4 =	sadd.s32 s5, s9;
	s9 =	simm.s32 $0x4000;
	s5 =	sadd.s32 $0x80000, s31  }
0xe: {  	v17 =	vor.u32 $0xD, v1;
	v18 =	vor.u32 $0xE, v1;
	v19 =	vor.u32 $0xF, v1;
	s6 =	sadd.s32 $0x82000, s7;
	s7 =	smax.u32 s10, $0x1;
	s10 =	simm.s32 $0xC000  }
.LBB2_1:
0xf: {  	s17 =	simm.s32 $0x0  }
.LBB2_2:
0x10: {  	p0 =	sne.s32 s17, $0x1FFC0  }
.Ltmp0:
0x11: {  	_ = 	snop;
	(pc) =	sbr.rel @p0 .LBB2_2-.Ltmp0, $4  }
0x12: {  	_ = 	snop  }
0x13: {  	s18 =	sshra.s32 s17, $0x2;
	v20 =	vimm.s32 $0x0  }
0x14: {  	[tilespmem:s18+$0x4000] =	vst v20  }
0x15: {  	s17 =	sadd.s32 $0x40, s17;
	[tilespmem:s18+$0xC000] =	vst v20  }
0x16: {  	s17 =	simm.s32 $0x0;
	v21 =	vimm.s32 $0x0  }
.LBB2_4:
0x17: {  	s18 =	sshll.u32 s17, $0xB  }
0x18: {  	s18 =	sadd.s32 s18, s3  }
0x19: {  	[tilespmem:s2], [sflag:$0x1] =	stream.linear.gather [hbm4b:s18+s2], $0x4000, $0x38;
	[tilespmem:$0x15080] =	vst v63  }
0x1a: {  	_ =	swait.ge [sflag:s8], $0x4000  }
0x1b: {  	[sflag:s8] =	ssyncset.done $0x0  }
0x1c: {  	s19 =	simm.s32 $0x20;
	s18 =	simm.s32 $0xFFFFFFFC;
	[sflag:s8] =	ssyncadd.s32 $0xFFFFC000  }
.LBB2_5:
0x1d: {  	v22 =	vld [tilespmem:s19+$0xFFFFFFE0];
	_ =	sdelay $0x4  }
0x1e: {  	v23 =	vshrl.u32 v22, $0x13;
	v24 =	vand.u32 $0x7FFFFFFF, v22  }
0x1f: {  	v23 =	vmax.u32 v23, $0x3F0;
	v24 =	vshrl.u32 v24, $0x13  }
0x20: {  	v23 =	vmin.u32 v23, $0xBEF;
	v24 =	vmax.u32 v24, $0x3F0  }
0x21: {  	vm0 =	vgt.f32 v22, $0.0e+00;
	v23 =	vshll.u32 v23, $0x4;
	v24 =	vmin.u32 v24, $0xBEF  }
0x22: {  	vm1 =	vlt.f32 v22, $0.0e+00;
	v22 =	vadd.s32 v0, v23;
	v23 =	vshll.u32 v24, $0x4  }
0x23: {  	v23 =	vadd.s32 v0, v23;
	_ =	sdelay $0x3  }
0x24: {  	[tilespmem:v22+s9+$0x0] =	vst.idx.add.s32.msk vm0, v2  }
0x25: {  	[tilespmem:v23+s10+$0x0] =	vst.idx.add.s32.msk vm1, v2  }
0x26: {  	v22 =	vld [tilespmem:s19+$0xFFFFFFF0];
	_ =	sdelay $0x4  }
0x27: {  	v23 =	vshrl.u32 v22, $0x13;
	v57 =	vand.u32 $0x7FFFFFFF, v22  }
0x28: {  	v23 =	vmax.u32 v23, $0x3F0;
	v24 =	vshrl.u32 v57, $0x13  }
0x29: {  	v23 =	vmin.u32 v23, $0xBEF;
	v24 =	vmax.u32 v24, $0x3F0  }
0x2a: {  	vm2 =	vgt.f32 v22, $0.0e+00;
	v23 =	vshll.u32 v23, $0x4;
	v24 =	vmin.u32 v24, $0xBEF  }
0x2b: {  	vm3 =	vlt.f32 v22, $0.0e+00;
	v22 =	vadd.s32 v0, v23;
	v23 =	vshll.u32 v24, $0x4  }
0x2c: {  	v23 =	vadd.s32 v0, v23;
	_ =	sdelay $0x3  }
0x2d: {  	[tilespmem:v22+s9+$0x0] =	vst.idx.add.s32.msk vm2, v2  }
0x2e: {  	[tilespmem:v23+s10+$0x0] =	vst.idx.add.s32.msk vm3, v2  }
0x2f: {  	v22 =	vld [tilespmem:s19+$0x0];
	_ =	sdelay $0x4  }
0x30: {  	v23 =	vshrl.u32 v22, $0x13;
	v58 =	vand.u32 $0x7FFFFFFF, v22  }
0x31: {  	v23 =	vmax.u32 v23, $0x3F0;
	v24 =	vshrl.u32 v58, $0x13  }
0x32: {  	v23 =	vmin.u32 v23, $0xBEF;
	v24 =	vmax.u32 v24, $0x3F0  }
0x33: {  	vm4 =	vgt.f32 v22, $0.0e+00;
	v23 =	vshll.u32 v23, $0x4;
	v24 =	vmin.u32 v24, $0xBEF  }
0x34: {  	vm5 =	vlt.f32 v22, $0.0e+00;
	v22 =	vadd.s32 v0, v23;
	v23 =	vshll.u32 v24, $0x4  }
0x35: {  	v23 =	vadd.s32 v0, v23;
	_ =	sdelay $0x3  }
0x36: {  	[tilespmem:v22+s9+$0x0] =	vst.idx.add.s32.msk vm4, v2  }
0x37: {  	[tilespmem:v23+s10+$0x0] =	vst.idx.add.s32.msk vm5, v2  }
0x38: {  	v22 =	vld [tilespmem:s19+$0x10];
	_ =	sdelay $0x4  }
0x39: {  	v23 =	vshrl.u32 v22, $0x13;
	v59 =	vand.u32 $0x7FFFFFFF, v22  }
0x3a: {  	v23 =	vmax.u32 v23, $0x3F0;
	v24 =	vshrl.u32 v59, $0x13  }
0x3b: {  	v23 =	vmin.u32 v23, $0xBEF;
	v24 =	vmax.u32 v24, $0x3F0  }
0x3c: {  	vm6 =	vgt.f32 v22, $0.0e+00;
	v23 =	vshll.u32 v23, $0x4;
	v24 =	vmin.u32 v24, $0xBEF  }
0x3d: {  	s18 =	sadd.s32 $0x4, s18;
	vm7 =	vlt.f32 v22, $0.0e+00;
	v22 =	vadd.s32 v0, v23;
	v23 =	vshll.u32 v24, $0x4  }
0x3e: {  	p0 =	slt.u32 s18, $0x3FC;
	v60 =	vsel vm0, $0x1, v3;
	v25 =	vsel vm1, $0x1, v3;
	v23 =	vadd.s32 v0, v23  }
.Ltmp1:
0x3f: {  	v21 =	vadd.s32 v60, v21;
	v20 =	vadd.s32 v25, v20;
	v26 =	vsel vm2, $0x1, v3;
	(pc) =	sbr.rel @p0 .LBB2_5-.Ltmp1, $4  }
0x40: {  	v27 =	vsel vm3, $0x1, v3;
	v21 =	vadd.s32 v26, v21;
	v61 =	vsel vm4, $0x1, v3  }
0x41: {  	v20 =	vadd.s32 v27, v20;
	v62 =	vsel vm5, $0x1, v3;
	v21 =	vadd.s32 v61, v21  }
0x42: {  	v20 =	vadd.s32 v62, v20;
	v63 =	vsel vm7, $0x1, v3;
	[tilespmem:v22+s9+$0x0] =	vst.idx.add.s32.msk vm6, v2;
	v22 =	vsel vm6, $0x1, v3  }
0x43: {  	s19 =	sadd.s32 $0x40, s19;
	v20 =	vadd.s32 v63, v20;
	[tilespmem:v23+s10+$0x0] =	vst.idx.add.s32.msk vm7, v2;
	v21 =	vadd.s32 v22, v21  }
0x44: {  	s17 =	sadd.s32 $0x1, s17  }
0x45: {  	p0 =	sne.s32 s17, $0x8  }
.Ltmp2:
0x46: {  	_ = 	snop;
	(pc) =	sbr.rel @p0 .LBB2_4-.Ltmp2, $1  }
0x47: {  	_ =	sdelay $0x3  }
0x48: {  	s17 =	simm.s32 $0x0  }
0x49: {  	v22 =	vor.u32 s17, v19  }
0x4a: {  	v23 =	vor.u32 s17, v18  }
0x4b: {  	v24 =	vor.u32 s17, v17  }
0x4c: {  	[tilespmem:$0x15000] =	vst v21;
	v21 =	vor.u32 s17, v16  }
0x4d: {  	[tilespmem:$0x15010] =	vst v20;
	v20 =	vor.u32 s17, v15  }
0x4e: {  	v25 =	vor.u32 s17, v14;
	v26 =	vld.idx.msk [tilespmem:v22+s9+$0x0], $0xffff  }
0x4f: {  	v27 =	vor.u32 s17, v13;
	v28 =	vld.idx.msk [tilespmem:v23+s9+$0x0], $0xffff  }
0x50: {  	v29 =	vor.u32 s17, v12;
	v30 =	vld.idx.msk [tilespmem:v24+s9+$0x0], $0xffff  }
0x51: {  	v31 =	vor.u32 s17, v11;
	v32 =	vld.idx.msk [tilespmem:v21+s9+$0x0], $0xffff  }
0x52: {  	v33 =	vor.u32 s17, v10;
	v34 =	vld.idx.msk [tilespmem:v20+s9+$0x0], $0xffff  }
0x53: {  	v35 =	vor.u32 s17, v9;
	v36 =	vld.idx.msk [tilespmem:v25+s9+$0x0], $0xffff  }
0x54: {  	v37 =	vor.u32 s17, v8;
	v38 =	vld.idx.msk [tilespmem:v27+s9+$0x0], $0xffff  }
0x55: {  	v39 =	vor.u32 s17, v7;
	v40 =	vld.idx.msk [tilespmem:v29+s9+$0x0], $0xffff  }
0x56: {  	v41 =	vor.u32 s17, v6;
	v42 =	vld.idx.msk [tilespmem:v31+s9+$0x0], $0xffff  }
0x57: {  	v43 =	vor.u32 s17, v5;
	v44 =	vld.idx.msk [tilespmem:v33+s9+$0x0], $0xffff  }
0x58: {  	v45 =	vor.u32 s17, v1;
	v46 =	vld.idx.msk [tilespmem:v35+s9+$0x0], $0xffff  }
0x59: {  	v45 =	vand.u32 v4, v45;
	v47 =	vld.idx.msk [tilespmem:v37+s9+$0x0], $0xffff  }
0x5a: {  	v48 =	vld.idx.msk [tilespmem:v39+s9+$0x0], $0xffff  }
0x5b: {  	v49 =	vld.idx.msk [tilespmem:v41+s9+$0x0], $0xffff  }
0x5c: {  	v50 =	vld.idx.msk [tilespmem:v43+s10+$0x0], $0xffff  }
0x5d: {  	v43 =	vld.idx.msk [tilespmem:v43+s9+$0x0], $0xffff  }
0x5e: {  	v51 =	vld.idx.msk [tilespmem:v45+s9+$0x0], $0xffff  }
0x5f: {  	v45 =	vld.idx.msk [tilespmem:v45+s10+$0x0], $0xffff  }
0x60: {  	v41 =	vld.idx.msk [tilespmem:v41+s10+$0x0], $0xffff  }
0x61: {  	v39 =	vld.idx.msk [tilespmem:v39+s10+$0x0], $0xffff  }
0x62: {  	v37 =	vld.idx.msk [tilespmem:v37+s10+$0x0], $0xffff  }
0x63: {  	v35 =	vld.idx.msk [tilespmem:v35+s10+$0x0], $0xffff;
	v43 =	vadd.s32 v51, v43  }
0x64: {  	v33 =	vld.idx.msk [tilespmem:v33+s10+$0x0], $0xffff;
	v45 =	vadd.s32 v45, v50;
	v43 =	vadd.s32 v49, v43  }
0x65: {  	v31 =	vld.idx.msk [tilespmem:v31+s10+$0x0], $0xffff;
	v41 =	vadd.s32 v41, v45;
	v43 =	vadd.s32 v48, v43  }
0x66: {  	v29 =	vld.idx.msk [tilespmem:v29+s10+$0x0], $0xffff;
	v39 =	vadd.s32 v39, v41;
	v58 =	vadd.s32 v47, v43  }
0x67: {  	v27 =	vld.idx.msk [tilespmem:v27+s10+$0x0], $0xffff;
	v37 =	vadd.s32 v37, v39;
	v59 =	vadd.s32 v46, v58  }
0x68: {  	v25 =	vld.idx.msk [tilespmem:v25+s10+$0x0], $0xffff;
	v35 =	vadd.s32 v35, v37;
	v60 =	vadd.s32 v44, v59  }
0x69: {  	v20 =	vld.idx.msk [tilespmem:v20+s10+$0x0], $0xffff;
	v33 =	vadd.s32 v33, v35;
	v61 =	vadd.s32 v42, v60  }
0x6a: {  	v21 =	vld.idx.msk [tilespmem:v21+s10+$0x0], $0xffff;
	v31 =	vadd.s32 v31, v33;
	v62 =	vadd.s32 v40, v61  }
0x6b: {  	v24 =	vld.idx.msk [tilespmem:v24+s10+$0x0], $0xffff;
	v29 =	vadd.s32 v29, v31;
	v31 =	vadd.s32 v38, v62  }
0x6c: {  	v23 =	vld.idx.msk [tilespmem:v23+s10+$0x0], $0xffff;
	v27 =	vadd.s32 v27, v29;
	v29 =	vadd.s32 v36, v31  }
0x6d: {  	v31 =	vld.idx.msk [tilespmem:v22+s10+$0x0], $0xffff;
	v22 =	vadd.s32 v25, v27;
	v25 =	vadd.s32 v34, v29  }
0x6e: {  	s19 =	simm.s32 $0x100;
	v22 =	vadd.s32 v20, v22;
	v25 =	vadd.s32 v32, v25  }
0x6f: {  	v20 =	vor.u32 s19, v19;
	v21 =	vadd.s32 v21, v22;
	v25 =	vadd.s32 v30, v25  }
0x70: {  	v22 =	vor.u32 s19, v18;
	v21 =	vadd.s32 v24, v21;
	v25 =	vadd.s32 v28, v25  }
0x71: {  	s17 =	simm.s32 $0x14000;
	v24 =	vor.u32 s19, v17;
	v21 =	vadd.s32 v23, v21;
	v23 =	vadd.s32 v26, v25  }
0x72: {  	s18 =	simm.s32 $0x14800;
	v27 =	vor.u32 s19, v16;
	v21 =	vadd.s32 v31, v21;
	[tilespmem:s17+$0x0] =	vst v23  }
0x73: {  	v29 =	vor.u32 s19, v15;
	[tilespmem:s18+$0x0] =	vst v21  }
0x74: {  	v33 =	vor.u32 s19, v13;
	v21 =	vld.idx.msk [tilespmem:v20+s9+$0x0], $0xffff  }
0x75: {  	v35 =	vor.u32 s19, v12;
	v23 =	vld.idx.msk [tilespmem:v22+s9+$0x0], $0xffff  }
0x76: {  	v37 =	vor.u32 s19, v11;
	v25 =	vld.idx.msk [tilespmem:v24+s9+$0x0], $0xffff  }
0x77: {  	v39 =	vor.u32 s19, v10;
	v26 =	vld.idx.msk [tilespmem:v27+s9+$0x0], $0xffff  }
0x78: {  	v41 =	vor.u32 s19, v9;
	v28 =	vld.idx.msk [tilespmem:v29+s9+$0x0], $0xffff  }
0x79: {  	v42 =	vor.u32 s19, v8;
	v32 =	vld.idx.msk [tilespmem:v33+s9+$0x0], $0xffff  }
0x7a: {  	v31 =	vor.u32 s19, v14;
	v34 =	vld.idx.msk [tilespmem:v35+s9+$0x0], $0xffff  }
0x7b: {  	v44 =	vor.u32 s19, v7;
	v36 =	vld.idx.msk [tilespmem:v37+s9+$0x0], $0xffff  }
0x7c: {  	v45 =	vor.u32 s19, v6;
	v38 =	vld.idx.msk [tilespmem:v39+s9+$0x0], $0xffff  }
0x7d: {  	v46 =	vor.u32 s19, v5;
	v40 =	vld.idx.msk [tilespmem:v41+s9+$0x0], $0xffff  }
0x7e: {  	v63 =	vor.u32 s19, v1;
	v43 =	vld.idx.msk [tilespmem:v42+s9+$0x0], $0xffff  }
0x7f: {  	v47 =	vand.u32 v4, v63;
	s19 =	simm.s32 $0x200;
	v30 =	vld.idx.msk [tilespmem:v31+s9+$0x0], $0xffff  }
.LBB2_8:
0x80: {  	p0 =	sne.s32 s19, $0x7F00;
	v48 =	vld.idx.msk [tilespmem:v44+s9+$0x0], $0xffff  }
0x81: {  	v49 =	vld.idx.msk [tilespmem:v45+s9+$0x0], $0xffff  }
0x82: {  	v50 =	vld.idx.msk [tilespmem:v46+s10+$0x0], $0xffff  }
0x83: {  	v46 =	vld.idx.msk [tilespmem:v46+s9+$0x0], $0xffff  }
0x84: {  	v51 =	vld.idx.msk [tilespmem:v47+s9+$0x0], $0xffff  }
0x85: {  	v47 =	vld.idx.msk [tilespmem:v47+s10+$0x0], $0xffff  }
0x86: {  	v45 =	vld.idx.msk [tilespmem:v45+s10+$0x0], $0xffff  }
0x87: {  	v44 =	vld.idx.msk [tilespmem:v44+s10+$0x0], $0xffff  }
0x88: {  	v42 =	vld.idx.msk [tilespmem:v42+s10+$0x0], $0xffff  }
0x89: {  	v41 =	vld.idx.msk [tilespmem:v41+s10+$0x0], $0xffff  }
0x8a: {  	v46 =	vadd.s32 v51, v46;
	v39 =	vld.idx.msk [tilespmem:v39+s10+$0x0], $0xffff  }
0x8b: {  	v47 =	vadd.s32 v47, v50;
	v46 =	vadd.s32 v49, v46;
	v37 =	vld.idx.msk [tilespmem:v37+s10+$0x0], $0xffff  }
0x8c: {  	v45 =	vadd.s32 v45, v47;
	v46 =	vadd.s32 v48, v46;
	v35 =	vld.idx.msk [tilespmem:v35+s10+$0x0], $0xffff  }
0x8d: {  	v44 =	vadd.s32 v44, v45;
	v43 =	vadd.s32 v43, v46;
	v33 =	vld.idx.msk [tilespmem:v33+s10+$0x0], $0xffff  }
0x8e: {  	v42 =	vadd.s32 v42, v44;
	v40 =	vadd.s32 v40, v43;
	v31 =	vld.idx.msk [tilespmem:v31+s10+$0x0], $0xffff  }
0x8f: {  	v41 =	vadd.s32 v41, v42;
	v38 =	vadd.s32 v38, v40;
	v29 =	vld.idx.msk [tilespmem:v29+s10+$0x0], $0xffff  }
0x90: {  	v39 =	vadd.s32 v39, v41;
	v36 =	vadd.s32 v36, v38;
	v27 =	vld.idx.msk [tilespmem:v27+s10+$0x0], $0xffff  }
0x91: {  	v37 =	vadd.s32 v37, v39;
	v34 =	vadd.s32 v34, v36;
	v24 =	vld.idx.msk [tilespmem:v24+s10+$0x0], $0xffff  }
0x92: {  	v35 =	vadd.s32 v35, v37;
	v32 =	vadd.s32 v32, v34;
	v34 =	vld.idx.msk [tilespmem:v22+s10+$0x0], $0xffff  }
0x93: {  	v22 =	vadd.s32 v33, v35;
	v30 =	vadd.s32 v30, v32;
	v32 =	vld.idx.msk [tilespmem:v20+s10+$0x0], $0xffff  }
0x94: {  	v20 =	vadd.s32 v31, v22;
	v22 =	vadd.s32 v28, v30  }
0x95: {  	v28 =	vadd.s32 v29, v20;
	v22 =	vadd.s32 v26, v22  }
0x96: {  	v20 =	vor.u32 s19, v19;
	v26 =	vadd.s32 v27, v28;
	v25 =	vadd.s32 v25, v22  }
0x97: {  	v22 =	vor.u32 s19, v18;
	v26 =	vadd.s32 v24, v26;
	v23 =	vadd.s32 v23, v25  }
0x98: {  	s17 =	sadd.s32 $0x10, s17;
	v24 =	vor.u32 s19, v17;
	v25 =	vadd.s32 v34, v26;
	v21 =	vadd.s32 v21, v23  }
0x99: {  	s18 =	sadd.s32 $0x10, s18;
	v27 =	vor.u32 s19, v16;
	v23 =	vadd.s32 v32, v25;
	[tilespmem:s17+$0x0] =	vst v21  }
0x9a: {  	v29 =	vor.u32 s19, v15;
	[tilespmem:s18+$0x0] =	vst v23  }
0x9b: {  	v31 =	vor.u32 s19, v14;
	v21 =	vld.idx.msk [tilespmem:v20+s9+$0x0], $0xffff  }
0x9c: {  	v33 =	vor.u32 s19, v13;
	v23 =	vld.idx.msk [tilespmem:v22+s9+$0x0], $0xffff  }
0x9d: {  	v35 =	vor.u32 s19, v12;
	v25 =	vld.idx.msk [tilespmem:v24+s9+$0x0], $0xffff  }
0x9e: {  	v37 =	vor.u32 s19, v11;
	v26 =	vld.idx.msk [tilespmem:v27+s9+$0x0], $0xffff  }
0x9f: {  	v39 =	vor.u32 s19, v10;
	v28 =	vld.idx.msk [tilespmem:v29+s9+$0x0], $0xffff  }
0xa0: {  	v41 =	vor.u32 s19, v9;
	v30 =	vld.idx.msk [tilespmem:v31+s9+$0x0], $0xffff  }
0xa1: {  	v42 =	vor.u32 s19, v8;
	v32 =	vld.idx.msk [tilespmem:v33+s9+$0x0], $0xffff  }
.Ltmp3:
0xa2: {  	v44 =	vor.u32 s19, v7;
	v34 =	vld.idx.msk [tilespmem:v35+s9+$0x0], $0xffff;
	(pc) =	sbr.rel @p0 .LBB2_8-.Ltmp3, $4  }
0xa3: {  	v45 =	vor.u32 s19, v6;
	v36 =	vld.idx.msk [tilespmem:v37+s9+$0x0], $0xffff  }
0xa4: {  	v46 =	vor.u32 s19, v5;
	v38 =	vld.idx.msk [tilespmem:v39+s9+$0x0], $0xffff  }
0xa5: {  	v43 =	vor.u32 s19, v1;
	v40 =	vld.idx.msk [tilespmem:v41+s9+$0x0], $0xffff  }
0xa6: {  	v47 =	vand.u32 v4, v43;
	s19 =	sadd.s32 $0x100, s19;
	v43 =	vld.idx.msk [tilespmem:v42+s9+$0x0], $0xffff  }
0xa7: {  	_ =	sdelay $0x3  }
0xa8: {  	v48 =	vld.idx.msk [tilespmem:v44+s9+$0x0], $0xffff  }
0xa9: {  	v49 =	vld.idx.msk [tilespmem:v45+s9+$0x0], $0xffff  }
0xaa: {  	v50 =	vld.idx.msk [tilespmem:v46+s10+$0x0], $0xffff  }
0xab: {  	v60 =	vld.idx.msk [tilespmem:v46+s9+$0x0], $0xffff  }
0xac: {  	v51 =	vld.idx.msk [tilespmem:v47+s9+$0x0], $0xffff  }
0xad: {  	v61 =	vld.idx.msk [tilespmem:v47+s10+$0x0], $0xffff  }
0xae: {  	v62 =	vld.idx.msk [tilespmem:v45+s10+$0x0], $0xffff  }
0xaf: {  	v63 =	vld.idx.msk [tilespmem:v44+s10+$0x0], $0xffff  }
0xb0: {  	v42 =	vld.idx.msk [tilespmem:v42+s10+$0x0], $0xffff  }
0xb1: {  	v41 =	vld.idx.msk [tilespmem:v41+s10+$0x0], $0xffff;
	v46 =	vadd.s32 v51, v60  }
0xb2: {  	v39 =	vld.idx.msk [tilespmem:v39+s10+$0x0], $0xffff;
	v47 =	vadd.s32 v61, v50;
	v46 =	vadd.s32 v49, v46  }
0xb3: {  	v37 =	vld.idx.msk [tilespmem:v37+s10+$0x0], $0xffff;
	v45 =	vadd.s32 v62, v47;
	v46 =	vadd.s32 v48, v46  }
0xb4: {  	v35 =	vld.idx.msk [tilespmem:v35+s10+$0x0], $0xffff;
	v44 =	vadd.s32 v63, v45;
	v43 =	vadd.s32 v43, v46  }
0xb5: {  	v33 =	vld.idx.msk [tilespmem:v33+s10+$0x0], $0xffff;
	v42 =	vadd.s32 v42, v44;
	v40 =	vadd.s32 v40, v43  }
0xb6: {  	v31 =	vld.idx.msk [tilespmem:v31+s10+$0x0], $0xffff;
	v41 =	vadd.s32 v41, v42;
	v38 =	vadd.s32 v38, v40  }
0xb7: {  	v29 =	vld.idx.msk [tilespmem:v29+s10+$0x0], $0xffff;
	v39 =	vadd.s32 v39, v41;
	v36 =	vadd.s32 v36, v38  }
0xb8: {  	v27 =	vld.idx.msk [tilespmem:v27+s10+$0x0], $0xffff;
	v37 =	vadd.s32 v37, v39;
	v34 =	vadd.s32 v34, v36  }
0xb9: {  	v24 =	vld.idx.msk [tilespmem:v24+s10+$0x0], $0xffff;
	v35 =	vadd.s32 v35, v37;
	v32 =	vadd.s32 v32, v34  }
0xba: {  	v22 =	vld.idx.msk [tilespmem:v22+s10+$0x0], $0xffff;
	v33 =	vadd.s32 v33, v35;
	v30 =	vadd.s32 v30, v32  }
0xbb: {  	v20 =	vld.idx.msk [tilespmem:v20+s10+$0x0], $0xffff;
	v31 =	vadd.s32 v31, v33;
	v28 =	vadd.s32 v28, v30  }
0xbc: {  	v29 =	vadd.s32 v29, v31;
	v26 =	vadd.s32 v26, v28  }
0xbd: {  	v27 =	vadd.s32 v27, v29;
	v25 =	vadd.s32 v25, v26  }
0xbe: {  	v24 =	vadd.s32 v24, v27;
	v23 =	vadd.s32 v23, v25  }
0xbf: {  	s17 =	sadd.s32 $0x10, s17;
	v22 =	vadd.s32 v22, v24;
	v21 =	vadd.s32 v21, v23  }
0xc0: {  	s31 =	sadd.s32 $0x10, s18;
	v20 =	vadd.s32 v20, v22;
	[tilespmem:s17+$0x0] =	vst v21  }
0xc1: {  	[tilespmem:s31+$0x0] =	vst v20  }
0xc2: {  	[hbm4b:s4+s11] =	stream.strided.scatter [tilespmem:s13], [sflag:$0x1], $0x800, s12, s11, $0x38;
	[tilespmem:$0x15080] =	vst v63  }
0xc3: {  	_ =	swait.ge [sflag:s8], $0x800  }
0xc4: {  	[sflag:s8] =	ssyncset.done $0x0  }
0xc5: {  	[sflag:s8] =	ssyncadd.s32 $0xFFFFF800  }
0xc6: {  	[hbm4b:s5+s11] =	stream.strided.scatter [tilespmem:s14], [sflag:$0x1], $0x800, s12, s11, $0x38;
	[tilespmem:$0x15080] =	vst v63  }
0xc7: {  	s16 =	sadd.s32 $0x1, s16;
	_ =	swait.ge [sflag:s8], $0x800  }
0xc8: {  	p0 =	sne.s32 s16, s7;
	[sflag:s8] =	ssyncset.done $0x0  }
.Ltmp4:
0xc9: {  	[sflag:s8] =	ssyncadd.s32 $0xFFFFF800;
	(pc) =	sbr.rel @p0 .LBB2_1-.Ltmp4, $4  }
0xca: {  	[hbm4b:s6+s2] =	stream.linear.scatter [tilespmem:s15], [sflag:$0x1], $0x80, $0x38;
	[tilespmem:$0x15080] =	vst v63  }
0xcb: {  	_ =	swait.ge [sflag:s8], $0x80  }
0xcc: {  	[sflag:s8] =	ssyncset.done $0x0  }
0xcd: {  	[sflag:s8] =	ssyncadd.s32 $0xFFFFFF80  }
0xce: {  	_ =	sfence.sel $0x180000  }
0xcf: {  	[bflag:$0x0] =	sbarrier.arrive $0xFFFF  }
0xd0: {  	p0 =	sne.s32 s0, $0x0;
	_ =	strace $0x90000047  }
0xd1: {  	s0 =	sadd.s32 @!p0 $0x100000, s1;
	[bflag:$0x2] =	sbarrier.arrive $0xFFFF  }
0xd2: {  	[sflag:s0] =	ssyncadd.tile.s32 @!p0 $0x1;
	_ =	shalt  }
.Lfunc_end2:
_tile_overlayer_lowered:
.L_overlay_start_2:
0xd3: {  	(tag) =	ssettag $0x2  }
0xd4: {  	s0 =	rddreg [dreg:$0x0];
	s2 =	stileid.u32  }
0xd5: {  	s1 =	rddreg [dreg:$0x1];
	p0 =	sne.s32 s2, $0x0  }
0xd6: {  	s3 =	rddreg [dreg:$0x2];
	[bflag:$0x3] =	sbarrier.arrive $0xFFFF;
	s2 =	simm.s32 @!p0 $0x1C01  }
0xd7: {  	[timem:s3], [sflag:s2] =	dma.local @!p0 [hbm:s0], s1  }
0xd8: {  	s0 =	simm.s32 @!p0 $0x1  }
0xd9: {  	_ =	swait.ge @!p0 [sflag:s0], s1  }
0xda: {  	s1 =	ssub.s32 @!p0 $0x0, s1;
	[sflag:s0] =	ssyncset.done @!p0 $0x0  }
0xdb: {  	[sflag:s0] =	ssyncadd.s32 @!p0 s1  }
0xdc: {  	[bflag:$0x3] =	sbarrier.arrive $0xFFFF  }
0xdd: {  	_ =	shalt  }

// kernel: kernel.9.cloned.1.call-start
scs
__scs_entry_jumppad:
0x0: {  	(pc) =	sbr.rel $0x88, $3  }
0x1: {  	(tag) =	ssettag $0x0;
	lr =	simm.s32 $0x1  }
0x2: {  	[smem:$0x3FA0] =	sst lr;
	_ =	strace $0xD0000000  }
0x3: {  	_ = 	snop  }
0x4: {  	_ = 	snop  }
0x5: {  	_ = 	snop  }
0x6: {  	_ = 	snop  }
0x7: {  	_ = 	snop  }
__scs_overlays_trampoline_lowered:
0x8: {  	[smem:$0x3FAF] =	sst s0  }
0x9: {  	[smem:$0x3FB0] =	sst s1  }
0xa: {  	[smem:$0x3FB1] =	sst s2  }
0xb: {  	[smem:$0x3FB2] =	sst s3  }
0xc: {  	[smem:$0x3FB3] =	sst s4  }
0xd: {  	[smem:$0x3FB4] =	sst s5  }
0xe: {  	[smem:$0x3FB5] =	sst s6  }
0xf: {  	[smem:$0x3FB6] =	sst s7  }
0x10: {  	[smem:$0x3FB7] =	sst s8  }
0x11: {  	[smem:$0x3FB8] =	sst s9;
	s0 =	simm.s32 @!p0 $0x0  }
0x12: {  	s1 =	sld [smem:$0x3F9E];
	s0 =	simm.s32 @p0 $0x1  }
0x13: {  	[smem:$0x3FB9] =	sst s0;
	s0 =	simm.s32 @!p1 $0x0  }
0x14: {  	s2 =	sld [smem:$0x3F9D];
	s0 =	simm.s32 @p1 $0x1  }
0x15: {  	[smem:$0x3FBA] =	sst s0;
	s0 =	simm.s32 @!p2 $0x0  }
0x16: {  	s3 =	sld [smem:$0x3FDB];
	s0 =	simm.s32 @p2 $0x1  }
0x17: {  	s4 =	simm.s32 $0x1BF5;
	[smem:$0x3FBC] =	sst s0  }
0x18: {  	s0 =	sld [smem:$0x3F9F];
	_ =	swait.ge [sflag:s4], $0x0  }
0x19: {  	s7 =	sld [smem:$0x3FA0]  }
0x1a: {  	s8 =	sadd.s32 $0xFFFFE003, lr  }
0x1b: {  	s9 =	sadd.s32 $0xFFFFFEF7, lr;
	s5 =	simm.s32 $0xFFFFFFFF;
	p2 =	slt.u32 s8, $0xFFFFF086  }
0x1c: {  	p1 =	slt.u32 s9, $0xF7A;
	s5 =	simm.s32 @!p2 $0x0  }
0x1d: {  	s5 =	simm.s32 @p1 $0x1;
	p0 =	seq.s32 s7, s2  }
0x1e: {  	s7 =	smul.u32 @!p0 $0xF7A, s2;
	p2 =	seq.s32 @!p0 s5, $0x0  }
0x1f: {  	s9 =	smul.u32 $0xF7A, s1;
	s8 =	simm.s32 @!p0 $0x1BF5;
	p2 =	por !p2, p0  }
0x20: {  	[sflag:s8] =	ssyncset.s32 @!p0 $0xFFFFF086;
	s6 =	sadd.s32 @!p0 s3, s7;
	s7 =	simm.s32 @!p0 $0x108  }
0x21: {  	s3 =	sadd.s32 s3, s9;
	s6 =	sadd.s32 @!p0 $0x88, s6;
	s7 =	simm.s32 @p2 $0x1082  }
0x22: {  	[simem:s7], [sflag:s8] =	dma.local @!p0 [hbm:s6], $0xF7A  }
0x23: {  	s9 =	sor.u32 $0xD0000000, s2;
	s6 =	simm.s32 $0x108;
	_ =	swait.ge @!p0 [sflag:s8], $0x0  }
0x24: {  	s3 =	sadd.s32 $0x88, s3;
	s6 =	simm.s32 @!p1 $0x1082;
	[sflag:s4] =	ssyncset.s32 $0xFFFFF086  }
0x25: {  	[simem:s6], [sflag:s4] =	dma.local [hbm:s3], $0xF7A  }
0x26: {  	[smem:$0x3FA0] =	sst s1;
	(tag) =	ssettag s2;
	_ =	strace s9  }
0x27: {  	s1 =	sld [smem:$0x3FB0]  }
0x28: {  	s2 =	sld [smem:$0x3FB1]  }
0x29: {  	s4 =	sld [smem:$0x3FB3]  }
0x2a: {  	p0 =	seq.s32 s5, $0x0;
	s5 =	sld [smem:$0x3FB4]  }
0x2b: {  	s6 =	sld [smem:$0x3FB5]  }
0x2c: {  	s7 =	sld [smem:$0x3FB6]  }
0x2d: {  	s3 =	simm.s32 $0x108;
	s8 =	sld [smem:$0x3FB7]  }
0x2e: {  	s3 =	simm.s32 @!p0 $0x1082;
	s9 =	sld [smem:$0x3FB8]  }
0x2f: {  	lr =	sadd.s32 s0, s3;
	s0 =	sld [smem:$0x3FAF]  }
0x30: {  	s3 =	sld [smem:$0x3FB2]  }
0x31: {  	[smem:$0x3FBB] =	sst s10  }
0x32: {  	s10 =	sld [smem:$0x3FB9];
	_ =	sdelay $0x3  }
0x33: {  	p0 =	seq.s32 s10, $0x1;
	s10 =	sld [smem:$0x3FBB];
	_ =	sdelay $0x3  }
0x34: {  	[smem:$0x3FBB] =	sst s10  }
0x35: {  	s10 =	sld [smem:$0x3FBA];
	_ =	sdelay $0x3  }
0x36: {  	p1 =	seq.s32 s10, $0x1;
	s10 =	sld [smem:$0x3FBB];
	_ =	sdelay $0x3  }
0x37: {  	[smem:$0x3FBB] =	sst s10  }
0x38: {  	s10 =	sld [smem:$0x3FBC]  }
0x39: {  	_ = 	snop;
	(pc) =	sbr.ind lr, $3  }
0x3a: {  	_ = 	snop  }
0x3b: {  	_ = 	snop  }
0x3c: {  	p2 =	seq.s32 s10, $0x1;
	s10 =	sld [smem:$0x3FBB]  }
0x3d: {  	_ =	shalt  }
0x3e: {  	_ =	shalt  }
0x3f: {  	_ =	shalt  }
0x40: {  	_ =	shalt  }
0x41: {  	_ =	shalt  }
0x42: {  	_ =	shalt  }
0x43: {  	_ =	shalt  }
0x44: {  	_ =	shalt  }
0x45: {  	_ =	shalt  }
0x46: {  	_ =	shalt  }
0x47: {  	_ =	shalt  }
0x48: {  	_ =	shalt  }
0x49: {  	_ =	shalt  }
0x4a: {  	_ =	shalt  }
0x4b: {  	_ =	shalt  }
0x4c: {  	_ =	shalt  }
0x4d: {  	_ =	shalt  }
0x4e: {  	_ =	shalt  }
0x4f: {  	_ =	shalt  }
0x50: {  	_ =	shalt  }
0x51: {  	_ =	shalt  }
0x52: {  	_ =	shalt  }
0x53: {  	_ =	shalt  }
0x54: {  	_ =	shalt  }
0x55: {  	_ =	shalt  }
0x56: {  	_ =	shalt  }
0x57: {  	_ =	shalt  }
0x58: {  	_ =	shalt  }
0x59: {  	_ =	shalt  }
0x5a: {  	_ =	shalt  }
0x5b: {  	_ =	shalt  }
0x5c: {  	_ =	shalt  }
0x5d: {  	_ =	shalt  }
0x5e: {  	_ =	shalt  }
0x5f: {  	_ =	shalt  }
0x60: {  	_ =	shalt  }
0x61: {  	_ =	shalt  }
0x62: {  	_ =	shalt  }
0x63: {  	_ =	shalt  }
0x64: {  	_ =	shalt  }
0x65: {  	_ =	shalt  }
0x66: {  	_ =	shalt  }
0x67: {  	_ =	shalt  }
0x68: {  	_ =	shalt  }
0x69: {  	_ =	shalt  }
0x6a: {  	_ =	shalt  }
0x6b: {  	_ =	shalt  }
0x6c: {  	_ =	shalt  }
0x6d: {  	_ =	shalt  }
0x6e: {  	_ =	shalt  }
0x6f: {  	_ =	shalt  }
0x70: {  	_ =	shalt  }
0x71: {  	_ =	shalt  }
0x72: {  	_ =	shalt  }
0x73: {  	_ =	shalt  }
0x74: {  	_ =	shalt  }
0x75: {  	_ =	shalt  }
0x76: {  	_ =	shalt  }
0x77: {  	_ =	shalt  }
0x78: {  	_ =	shalt  }
0x79: {  	_ =	shalt  }
0x7a: {  	_ =	shalt  }
0x7b: {  	_ =	shalt  }
0x7c: {  	_ =	shalt  }
0x7d: {  	_ =	shalt  }
0x7e: {  	_ =	shalt  }
0x7f: {  	_ =	shalt  }
0x80: {  	_ =	shalt  }
0x81: {  	_ =	shalt  }
0x82: {  	_ =	shalt  }
0x83: {  	_ =	shalt  }
0x84: {  	_ =	shalt  }
0x85: {  	_ =	shalt  }
0x86: {  	_ =	shalt  }
0x87: {  	_ =	shalt  }
.Lfunc_end0:
.L_simem_size_0:
called_computation.1_lowered:
.L_overlay_start_0:
0x88: {  	s2 =	sld [smem:$0x3FD9]  }
0x89: {  	s3 =	sld [smem:$0x3FFE];
	_ =	sdelay $0x1  }
0x8a: {  	s1 =	srdreg.scid  }
0x8b: {  	s0 =	sand.u32 $0x1, s1  }
0x8c: {  	s17 =	sshll.u32 s0, $0xA;
	s2 =	sadd.s32 s3, s2  }
0x8d: {  	s2 =	sadd.s32 s2, s17  }
0x8e: {  	[smem:$0x3FC7] =	sst s2  }
0x8f: {  	_ = 	snop  }
0x90: {  	s2 =	sld [smem:$0x3FD0];
	(tm) =	ssettm $0x1  }
0x91: {  	s18 =	sld [smem:$0x3FFB];
	_ =	sdelay $0x3  }
0x92: {  	_ =	strace s18  }
0x93: {  	s3 =	sld [smem:$0x3FFC];
	_ =	sdelay $0x3  }
0x94: {  	_ =	strace s3  }
0x95: {  	s3 =	sld [smem:$0x3FFD];
	_ =	sdelay $0x3  }
0x96: {  	_ =	strace s3  }
0x97: {  	_ =	strace $0x8FFFFFFF  }
0x98: {  	s19 =	sld [smem:$0x3FDB];
	_ =	sdelay $0x1  }
0x99: {  	s4 =	simm.s32 $_scs_section_size  }
0x9a: {  	s5 =	simm.s32 $_size__tile_overlayer_lowered;
	s6 =	simm.s32 $_tile_overlayer_lowered  }
0x9b: {  	s22 =	simm.s32 $0x1BFF;
	s21 =	sshll.u32 s6, $0x1;
	s3 =	sadd.s32 s4, s19  }
0x9c: {  	s7 =	simm.s32 $0x0;
	s20 =	sshll.u32 s5, $0x1;
	s5 =	sadd.s32 s21, s3  }
0x9d: {  	[timem:s7], [sflag:s22] =	dma.local [hbm:s5], s20  }
0x9e: {  	_ =	swait.ge [sflag:s22], s20  }
0x9f: {  	s4 =	ssub.s32 $0x0, s20;
	[sflag:s22] =	ssyncset.done $0x0  }
0xa0: {  	[sflag:s22] =	ssyncadd.s32 s4;
	_ =	sdelay $0x1  }
0xa1: {  	s23 =	simm.s32 $0x1B8B  }
0xa2: {  	_ =	swait.ge [sflag:s23], $0x1  }
0xa3: {  	[sflag:s23] =	ssyncset.done $0x0  }
0xa4: {  	s25 =	simm.s32 $0x1B8E;
	s24 =	sld [smem:$0x3FFE];
	[sflag:s23] =	ssyncadd.s32 $0xFFFFFFFF  }
0xa5: {  	s26 =	simm.s32 $execute0_lowered;
	[smem:$0x3FD2] =	sst s25  }
0xa6: {  	s5 =	sshll.u32 s26, $0x1;
	_ =	strace $0x80000049;
	[dreg:$0x1] =	wrdreg $0xFFFFFFFF  }
0xa7: {  	s28 =	simm.s32 $_size_execute0_lowered;
	s3 =	sadd.s32 s3, s5;
	[dreg:$0x0] =	wrdreg $0x0  }
0xa8: {  	s5 =	sshll.u32 s28, $0x1;
	[dreg:$0x2] =	wrdreg s3  }
0xa9: {  	[dreg:$0x3] =	wrdreg s5  }
0xaa: {  	[dreg:$0x4] =	wrdreg $0xC0  }
0xab: {  	_ =	task [dreg:s7], $0x5FFFF  }
0xac: {  	[dreg:$0x1] =	wrdreg $0xFFFFFFFF  }
0xad: {  	[dreg:$0x0] =	wrdreg $0x60  }
0xae: {  	[dreg:$0x2] =	wrdreg s24  }
0xaf: {  	[dreg:$0x3] =	wrdreg s2  }
0xb0: {  	[dreg:$0x4] =	wrdreg $0x9  }
0xb1: {  	_ =	task.clear_ibuf [dreg:s7], $0x5FFFF;
	_ =	strace $0x90000049  }
0xb2: {  	s29 =	simm.s32 $0x9;
	_ =	strace $0x8000004B  }
0xb3: {  	_ =	swait.ge [sflag:s29], $0x1  }
0xb4: {  	[sflag:s29] =	ssyncadd.s32 $0xFFFFFFFF  }
0xb5: {  	_ =	strace $0x9000004B  }
0xb6: {  	_ =	sfence  }
0xb7: {  	s30 =	sld [smem:$0x0];
	_ =	sdelay $0x2  }
0xb8: {  	s31 =	sshll.u32 s1, $0xD;
	s1 =	sshrl.u32 s1, $0x2  }
0xb9: {  	s3 =	sand.u32 $0x4000, s31;
	s1 =	sadd.s32 s1, s30  }
0xba: {  	s0 =	sor.u32 s3, s0;
	s1 =	sshll.u32 s1, $0x11  }
0xbb: {  	s0 =	sor.u32 s1, s0  }
0xbc: {  	s0 =	sadd.s32 $0x8F2B, s0  }
0xbd: {  	[sflag:s0] =	ssyncadd.remote.s32 $0x1  }
0xbe: {  	_ =	sfence.sel $0xFFFF  }
0xbf: {  	[dreg:$0x0] =	wrdreg $0xFFFFFFFF;
	(pc) =	sbr.abs _section_cstart, $3  }
0xc0: {  	[dreg:$0x1] =	wrdreg $0xFFFFFFFF  }
0xc1: {  	_ =	task.clear_ibuf [dreg:s7], $0x2FFFF;
	_ =	strace $0x9FFFFFFF  }
0xc2: {  	(tm) =	ssettm $0x7FFFFFFF  }
0xc3: {  	_ =	shalt  }
tec
execute0_lowered:
.L_overlay_start_1:
0x0: {  	(tag) =	ssettag $0x1  }
0x1: {  	s2 =	rddreg [dreg:$0x0]  }
0x2: {  	s6 =	rddreg [dreg:$0x1]  }
0x3: {  	s0 =	rddreg [dreg:$0x2];
	s4 =	srdreg.scid  }
0x4: {  	s1 =	stileid.u32;
	s3 =	simm.s32 $0x0;
	s14 =	simm.s32 $0x4080  }
0x5: {  	s15 =	simm.s32 $0x4100;
	s16 =	simm.s32 $0x4180;
	s17 =	simm.s32 $0x4200  }
0x6: {  	s18 =	simm.s32 $0x0;
	s8 =	sand.u32 $0x1, s4;
	s31 =	sshll.u32 s1, $0x1  }
0x7: {  	[smem:$0x7FF] =	sst s3;
	s4 =	sadd.s32 $0x80000, s2;
	s12 =	sshll.u32 s1, $0x12  }
0x8: {  	s5 =	sor.u32 s8, s31;
	_ =	strace $0x8000004A;
	s9 =	ssub.s32 $0x2, s8  }
0x9: {  	s13 =	sshll.u32 s8, $0x11;
	s7 =	sshll.u32 s5, $0x4;
	s11 =	sshrl.u32 s9, $0x1  }
0xa: {  	s5 =	sshll.u32 s5, $0x11;
	s12 =	sor.u32 s13, s12;
	s13 =	simm.s32 $0x1  }
0xb: {  	s10 =	sadd.s32 s7, s2;
	s11 =	ssub.s32 s9, s11;
	s6 =	sadd.s32 s6, s7  }
0xc: {  	s7 =	sadd.s32 $0x80200, s10;
	s8 =	sadd.s32 $0x80400, s10;
	s9 =	sadd.s32 $0x80600, s10  }
0xd: {  	v0 =	vimm.s32 $0x0;
	v1 =	vlaneseq.u32;
	s10 =	smax.u32 s11, $0x1;
	s11 =	sor.u32 $0x30, s12;
	s12 =	simm.s32 $0x4000  }
.LBB2_1:
0xe: {  	[tilespmem:$0x4080] =	vst v0  }
0xf: {  	[tilespmem:$0x4100] =	vst v0  }
0x10: {  	[tilespmem:$0x4180] =	vst v0  }
0x11: {  	[tilespmem:$0x4200] =	vst v0  }
0x12: {  	[tilespmem:$0x4090] =	vst v0  }
0x13: {  	[tilespmem:$0x4110] =	vst v0  }
0x14: {  	[tilespmem:$0x4190] =	vst v0  }
0x15: {  	[tilespmem:$0x4210] =	vst v0  }
0x16: {  	[tilespmem:$0x40A0] =	vst v0  }
0x17: {  	[tilespmem:$0x4120] =	vst v0  }
0x18: {  	[tilespmem:$0x41A0] =	vst v0  }
0x19: {  	[tilespmem:$0x4220] =	vst v0  }
0x1a: {  	[tilespmem:$0x40B0] =	vst v0  }
0x1b: {  	[tilespmem:$0x4130] =	vst v0  }
0x1c: {  	[tilespmem:$0x41B0] =	vst v0  }
0x1d: {  	[tilespmem:$0x4230] =	vst v0  }
0x1e: {  	[tilespmem:$0x40C0] =	vst v0  }
0x1f: {  	[tilespmem:$0x4140] =	vst v0  }
0x20: {  	[tilespmem:$0x41C0] =	vst v0  }
0x21: {  	[tilespmem:$0x4240] =	vst v0  }
0x22: {  	[tilespmem:$0x40D0] =	vst v0  }
0x23: {  	[tilespmem:$0x4150] =	vst v0  }
0x24: {  	[tilespmem:$0x41D0] =	vst v0  }
0x25: {  	[tilespmem:$0x4250] =	vst v0  }
0x26: {  	[tilespmem:$0x40E0] =	vst v0  }
0x27: {  	[tilespmem:$0x4160] =	vst v0  }
0x28: {  	[tilespmem:$0x41E0] =	vst v0  }
0x29: {  	[tilespmem:$0x4260] =	vst v0  }
0x2a: {  	[tilespmem:$0x40F0] =	vst v0  }
0x2b: {  	[tilespmem:$0x4170] =	vst v0  }
0x2c: {  	[tilespmem:$0x41F0] =	vst v0  }
0x2d: {  	[tilespmem:$0x4270] =	vst v0  }
0x2e: {  	[tilespmem:s12], [sflag:$0x1] =	stream.linear.gather [hbm4b:s4+s3], $0x80, $0x38;
	[tilespmem:$0x4280] =	vst v63  }
0x2f: {  	_ =	swait.ge [sflag:s13], $0x80  }
0x30: {  	[sflag:s13] =	ssyncset.done $0x0  }
0x31: {  	[sflag:s13] =	ssyncadd.s32 $0xFFFFFF80  }
0x32: {  	v3 =	vld [tilespmem:$0x4010];
	_ =	sdelay $0x2  }
0x33: {  	s19 =	smov.u32 s11  }
0x34: {  	s22 =	simm.s32 $0x0;
	s23 =	simm.s32 $0x0;
	s20 =	simm.s32 $0x0;
	v2 =	vld [tilespmem:$0x4000]  }
.LBB2_2:
0x35: {  	s21 =	sshll.u32 s20, $0xE  }
0x36: {  	s21 =	sadd.s32 s5, s21  }
0x37: {  	s21 =	sshrl.u32 s21, $0x3  }
0x38: {  	s21 =	sadd.s32 s2, s21  }
0x39: {  	[tilespmem:s3], [sflag:$0x1] =	stream.linear.gather [hbm4b:s21+s3], $0x4000, $0x38;
	[tilespmem:$0x4280] =	vst v63  }
0x3a: {  	_ =	swait.ge [sflag:s13], $0x4000  }
0x3b: {  	[sflag:s13] =	ssyncset.done $0x0  }
0x3c: {  	s21 =	simm.s32 $0x20;
	[sflag:s13] =	ssyncadd.s32 $0xFFFFC000  }
0x3d: {  	v4 =	vld [tilespmem:s21+$0xFFFFFFE0];
	_ =	sdelay $0x4  }
0x3e: {  	v5 =	vshrl.u32 v4, $0x13  }
0x3f: {  	v6 =	vand.u32 $0x7FFFFFFF, v4;
	v5 =	vmax.u32 v5, $0x3F0  }
0x40: {  	v7 =	vshrl.u32 v6, $0x13;
	v5 =	vmin.u32 v5, $0xBEF  }
0x41: {  	v7 =	vmax.u32 v7, $0x3F0;
	v5 =	vadd.s32 $0xFFFFFC10, v5  }
0x42: {  	vm0 =	vgt.f32 v4, $0.0e+00;
	vm1 =	vge.s32 v5, v2;
	v5 =	vmin.u32 v7, $0xBEF  }
0x43: {  	s24 =	sadd.s32 $0xFFFFFFD0, s19;
	vm2 =	vlt.f32 v4, $0.0e+00;
	vm0 =	vmand vm0, vm1;
	v5 =	vadd.s32 $0xFFFFFC10, v5  }
0x44: {  	v7 =	vor.u32 s24, v1;
	vm1 =	vge.s32 v5, v3;
	[tilespmem:s23+$0x4080] =	vst.msk vm0, v4;
	v4 =	vmpcnt.ones.xlane vm0  }
0x45: {  	vm1 =	vmand vm2, vm1;
	[tilespmem:s23+$0x4100] =	vst.msk vm0, v7  }
0x46: {  	[tilespmem:s22+$0x4180] =	vst.msk vm1, v6;
	v4 =	vxor.u32 $0x80000000, v4;
	v5 =	vmpcnt.ones.xlane vm1  }
0x47: {  	[tilespmem:s22+$0x4200] =	vst.msk vm1, v7;
	(xrf0) =	vmax.scan.msk.u32 $0xffff, v4  }
0x48: {  	v4 =	vxor.u32 $0x80000000, v5;
	v5 =	vld [tilespmem:s21+$0xFFFFFFF0]  }
0x49: {  	(xrf0) =	vmax.scan.msk.u32 $0xffff, v4;
	_ =	sdelay $0x3  }
0x4a: {  	v4 =	vshrl.u32 v5, $0x13;
	v6, _, _ =	vpop (xrf0)  }
0x4b: {  	v7 =	vand.u32 $0x7FFFFFFF, v5;
	v4 =	vmax.u32 v4, $0x3F0;
	(v2sf) =	vpush v6, $0xF  }
0x4c: {  	v6 =	vshrl.u32 v7, $0x13;
	v4 =	vmin.u32 v4, $0xBEF;
	v8, _, _ =	vpop (xrf0)  }
0x4d: {  	v6 =	vmax.u32 v6, $0x3F0;
	v4 =	vadd.s32 $0xFFFFFC10, v4;
	(v2sf) =	vpush v8, $0xF  }
0x4e: {  	vm0 =	vgt.f32 v5, $0.0e+00;
	vm1 =	vge.s32 v4, v2;
	v4 =	vmin.u32 v6, $0xBEF  }
0x4f: {  	vm0 =	vmand vm0, vm1;
	v4 =	vadd.s32 $0xFFFFFC10, v4  }
0x50: {  	vm1 =	vlt.f32 v5, $0.0e+00;
	vm2 =	vge.s32 v4, v3;
	v4 =	vmpcnt.ones.xlane vm0  }
0x51: {  	vm1 =	vmand vm1, vm2  }
0x52: {  	v4 =	vxor.u32 $0x80000000, v4;
	v6 =	vmpcnt.ones.xlane vm1  }
0x53: {  	(xrf0) =	vmax.scan.msk.u32 $0xffff, v4  }
0x54: {  	v4 =	vxor.u32 $0x80000000, v6  }
0x55: {  	(xrf0) =	vmax.scan.msk.u32 $0xffff, v4;
	_ =	sdelay $0x3  }
0x56: {  	v4, _, _ =	vpop (xrf0)  }
0x57: {  	s25 =	spop (v2sf);
	(v2sf) =	vpush v4, $0xF  }
0x58: {  	s26 =	sadd.s32 s25, s23;
	v4, _, _ =	vpop (xrf0)  }
0x59: {  	s23 =	sadd.s32 $0x80000000, s26;
	s28 =	spop (v2sf);
	(v2sf) =	vpush v4, $0xF  }
0x5a: {  	p0 =	slt.s32 s23, $0x70;
	s29 =	sadd.s32 s28, s22  }
0x5b: {  	s30 =	sadd.s32 $0xFFFFFFE0, s19;
	s23 =	simm.s32 @!p0 $0x70;
	s22 =	sadd.s32 $0x80000000, s29  }
0x5c: {  	v4 =	vor.u32 s30, v1;
	p0 =	slt.s32 s22, $0x70;
	[tilespmem:s23+$0x4080] =	vst.msk vm0, v5  }
0x5d: {  	s22 =	simm.s32 @!p0 $0x70;
	[tilespmem:s23+$0x4100] =	vst.msk vm0, v4  }
0x5e: {  	[tilespmem:s22+$0x4180] =	vst.msk vm1, v7  }
0x5f: {  	[tilespmem:s22+$0x4200] =	vst.msk vm1, v4  }
0x60: {  	v4 =	vld [tilespmem:s21+$0x0];
	_ =	sdelay $0x4  }
0x61: {  	v5 =	vshrl.u32 v4, $0x13  }
0x62: {  	v6 =	vand.u32 $0x7FFFFFFF, v4;
	v5 =	vmax.u32 v5, $0x3F0;
	s31 =	spop (v2sf)  }
0x63: {  	v7 =	vshrl.u32 v6, $0x13;
	s23 =	sadd.s32 s31, s23;
	v5 =	vmin.u32 v5, $0xBEF  }
0x64: {  	v7 =	vmax.u32 v7, $0x3F0;
	s23 =	sadd.s32 $0x80000000, s23;
	v5 =	vadd.s32 $0xFFFFFC10, v5;
	s25 =	spop (v2sf)  }
0x65: {  	vm0 =	vgt.f32 v4, $0.0e+00;
	p0 =	slt.s32 s23, $0x70;
	s22 =	sadd.s32 s25, s22;
	vm1 =	vge.s32 v5, v2;
	v5 =	vmin.u32 v7, $0xBEF  }
0x66: {  	s26 =	sadd.s32 $0xFFFFFFF0, s19;
	s23 =	simm.s32 @!p0 $0x70;
	s22 =	sadd.s32 $0x80000000, s22;
	vm0 =	vmand vm0, vm1;
	v5 =	vadd.s32 $0xFFFFFC10, v5  }
0x67: {  	vm2 =	vlt.f32 v4, $0.0e+00;
	v7 =	vor.u32 s26, v1;
	p0 =	slt.s32 s22, $0x70;
	vm1 =	vge.s32 v5, v3;
	[tilespmem:s23+$0x4080] =	vst.msk vm0, v4  }
0x68: {  	v4 =	vmpcnt.ones.xlane vm0;
	s22 =	simm.s32 @!p0 $0x70;
	vm1 =	vmand vm2, vm1;
	[tilespmem:s23+$0x4100] =	vst.msk vm0, v7  }
0x69: {  	[tilespmem:s22+$0x4180] =	vst.msk vm1, v6;
	v5 =	vmpcnt.ones.xlane vm1  }
0x6a: {  	v4 =	vxor.u32 $0x80000000, v4;
	[tilespmem:s22+$0x4200] =	vst.msk vm1, v7  }
0x6b: {  	(xrf0) =	vmax.scan.msk.u32 $0xffff, v4;
	v4 =	vxor.u32 $0x80000000, v5;
	v5 =	vld [tilespmem:s21+$0x10];
	_ =	sdelay $0x2  }
0x6c: {  	(xrf0) =	vmax.scan.msk.u32 $0xffff, v4;
	_ =	sdelay $0x1  }
0x6d: {  	v4 =	vand.u32 $0x7FFFFFFF, v5  }
0x6e: {  	v8 =	vshrl.u32 v4, $0x13  }
0x6f: {  	v6 =	vshrl.u32 v5, $0x13;
	v7, _, _ =	vpop (xrf0)  }
0x70: {  	v6 =	vmax.u32 v6, $0x3F0;
	(v2sf) =	vpush v7, $0xF  }
0x71: {  	v6 =	vmin.u32 v6, $0xBEF;
	v7 =	vmax.u32 v8, $0x3F0;
	v8, _, _ =	vpop (xrf0)  }
0x72: {  	v6 =	vadd.s32 $0xFFFFFC10, v6;
	v7 =	vmin.u32 v7, $0xBEF;
	(v2sf) =	vpush v8, $0xF  }
0x73: {  	vm0 =	vgt.f32 v5, $0.0e+00;
	vm1 =	vge.s32 v6, v2;
	v6 =	vadd.s32 $0xFFFFFC10, v7  }
0x74: {  	vm2 =	vlt.f32 v5, $0.0e+00;
	vm0 =	vmand vm0, vm1;
	vm1 =	vge.s32 v6, v3  }
0x75: {  	vm1 =	vmand vm2, vm1;
	v6 =	vmpcnt.ones.xlane vm0  }
0x76: {  	v7 =	vmpcnt.ones.xlane vm1  }
0x77: {  	v6 =	vxor.u32 $0x80000000, v6  }
0x78: {  	v7 =	vxor.u32 $0x80000000, v7;
	(xrf0) =	vmax.scan.msk.u32 $0xffff, v6  }
0x79: {  	(xrf0) =	vmax.scan.msk.u32 $0xffff, v7;
	_ =	sdelay $0x4  }
0x7a: {  	v6, _, _ =	vpop (xrf0)  }
0x7b: {  	s28 =	spop (v2sf);
	(v2sf) =	vpush v6, $0xF;
	v6, _, _ =	vpop (xrf0)  }
0x7c: {  	s21 =	sadd.s32 s28, s23;
	(v2sf) =	vpush v6, $0xF  }
0x7d: {  	s21 =	sadd.s32 $0x80000000, s21;
	s29 =	spop (v2sf)  }
0x7e: {  	p0 =	slt.s32 s21, $0x70;
	s22 =	sadd.s32 s29, s22  }
0x7f: {  	s21 =	simm.s32 @!p0 $0x70;
	s24 =	sadd.s32 $0x80000000, s22  }
0x80: {  	v6 =	vor.u32 s19, v1;
	[tilespmem:s21+$0x4080] =	vst.msk vm0, v5;
	p0 =	slt.s32 s24, $0x70  }
0x81: {  	[tilespmem:s21+$0x4100] =	vst.msk vm0, v6;
	s24 =	simm.s32 @!p0 $0x70  }
0x82: {  	[tilespmem:s24+$0x4180] =	vst.msk vm1, v4  }
0x83: {  	s22 =	simm.s32 $0x60;
	[tilespmem:s24+$0x4200] =	vst.msk vm1, v6  }
0x84: {  	v5 =	vld [tilespmem:s22+$0xFFFFFFE0];
	_ =	sdelay $0x4  }
0x85: {  	v6 =	vshrl.u32 v5, $0x13  }
0x86: {  	s30 =	spop (v2sf);
	v4 =	vand.u32 $0x7FFFFFFF, v5;
	v6 =	vmax.u32 v6, $0x3F0  }
0x87: {  	s21 =	sadd.s32 s30, s21;
	s26 =	spop (v2sf);
	v7 =	vshrl.u32 v4, $0x13;
	v6 =	vmin.u32 v6, $0xBEF  }
0x88: {  	s23 =	simm.s32 $0x4;
	s25 =	sadd.s32 $0x80000000, s21;
	s31 =	sadd.s32 s26, s24;
	v7 =	vmax.u32 v7, $0x3F0;
	v6 =	vadd.s32 $0xFFFFFC10, v6  }
0x89: {  	vm1 =	vgt.f32 v5, $0.0e+00;
	s21 =	sadd.s32 $0x40, s19;
	p0 =	slt.s32 s25, $0x70;
	s24 =	sadd.s32 $0x80000000, s31;
	vm2 =	vge.s32 v6, v2;
	v6 =	vmin.u32 v7, $0xBEF  }
0x8a: {  	vm0 =	vlt.f32 v5, $0.0e+00;
	s26 =	sadd.s32 $0xFFFFFFD0, s21;
	s25 =	simm.s32 @!p0 $0x70;
	p1 =	slt.s32 s24, $0x70;
	vm1 =	vmand vm1, vm2;
	v6 =	vadd.s32 $0xFFFFFC10, v6  }
.LBB2_3:
0x8b: {  	s23 =	sadd.s32 $0x4, s23;
	v7 =	vor.u32 s26, v1;
	vm2 =	vge.s32 v6, v3;
	[tilespmem:s25+$0x4080] =	vst.msk vm1, v5;
	v5 =	vmpcnt.ones.xlane vm1;
	s24 =	simm.s32 @!p1 $0x70  }
0x8c: {  	p0 =	slt.u32 s23, $0x3FC;
	vm0 =	vmand vm0, vm2;
	[tilespmem:s25+$0x4100] =	vst.msk vm1, v7  }
0x8d: {  	[tilespmem:s24+$0x4180] =	vst.msk vm0, v4;
	v4 =	vxor.u32 $0x80000000, v5;
	v5 =	vmpcnt.ones.xlane vm0  }
0x8e: {  	[tilespmem:s24+$0x4200] =	vst.msk vm0, v7;
	(xrf0) =	vmax.scan.msk.u32 $0xffff, v4  }
0x8f: {  	v4 =	vxor.u32 $0x80000000, v5;
	v5 =	vld [tilespmem:s22+$0xFFFFFFF0]  }
0x90: {  	(xrf0) =	vmax.scan.msk.u32 $0xffff, v4;
	_ =	sdelay $0x3  }
0x91: {  	v4 =	vshrl.u32 v5, $0x13;
	v6, _, _ =	vpop (xrf0)  }
0x92: {  	v7 =	vand.u32 $0x7FFFFFFF, v5;
	v4 =	vmax.u32 v4, $0x3F0;
	(v2sf) =	vpush v6, $0xF  }
0x93: {  	v6 =	vshrl.u32 v7, $0x13;
	v4 =	vmin.u32 v4, $0xBEF;
	v8, _, _ =	vpop (xrf0)  }
0x94: {  	v6 =	vmax.u32 v6, $0x3F0;
	v4 =	vadd.s32 $0xFFFFFC10, v4;
	(v2sf) =	vpush v8, $0xF  }
0x95: {  	vm0 =	vgt.f32 v5, $0.0e+00;
	vm1 =	vge.s32 v4, v2;
	v4 =	vmin.u32 v6, $0xBEF  }
0x96: {  	vm0 =	vmand vm0, vm1;
	v4 =	vadd.s32 $0xFFFFFC10, v4  }
0x97: {  	vm1 =	vlt.f32 v5, $0.0e+00;
	vm2 =	vge.s32 v4, v3;
	v4 =	vmpcnt.ones.xlane vm0  }
0x98: {  	vm1 =	vmand vm1, vm2  }
0x99: {  	v4 =	vxor.u32 $0x80000000, v4;
	v6 =	vmpcnt.ones.xlane vm1  }
0x9a: {  	(xrf0) =	vmax.scan.msk.u32 $0xffff, v4  }
0x9b: {  	v4 =	vxor.u32 $0x80000000, v6  }
0x9c: {  	(xrf0) =	vmax.scan.msk.u32 $0xffff, v4;
	_ =	sdelay $0x3  }
0x9d: {  	v4, _, _ =	vpop (xrf0)  }
0x9e: {  	s26 =	spop (v2sf);
	(v2sf) =	vpush v4, $0xF  }
0x9f: {  	s25 =	sadd.s32 s26, s25;
	v4, _, _ =	vpop (xrf0)  }
0xa0: {  	s25 =	sadd.s32 $0x80000000, s25;
	s26 =	spop (v2sf);
	(v2sf) =	vpush v4, $0xF  }
0xa1: {  	p1 =	slt.s32 s25, $0x70;
	s24 =	sadd.s32 s26, s24  }
0xa2: {  	s25 =	simm.s32 @!p1 $0x70;
	s26 =	sadd.s32 $0x80000000, s24;
	s24 =	sadd.s32 $0xFFFFFFE0, s21  }
0xa3: {  	p1 =	slt.s32 s26, $0x70;
	v4 =	vor.u32 s24, v1;
	[tilespmem:s25+$0x4080] =	vst.msk vm0, v5  }
0xa4: {  	s26 =	simm.s32 @!p1 $0x70;
	[tilespmem:s25+$0x4100] =	vst.msk vm0, v4  }
0xa5: {  	[tilespmem:s26+$0x4180] =	vst.msk vm1, v7  }
0xa6: {  	[tilespmem:s26+$0x4200] =	vst.msk vm1, v4  }
0xa7: {  	v4 =	vld [tilespmem:s22+$0x0];
	_ =	sdelay $0x4  }
0xa8: {  	v5 =	vshrl.u32 v4, $0x13  }
0xa9: {  	v6 =	vand.u32 $0x7FFFFFFF, v4;
	v5 =	vmax.u32 v5, $0x3F0;
	s24 =	spop (v2sf)  }
0xaa: {  	v7 =	vshrl.u32 v6, $0x13;
	s24 =	sadd.s32 s24, s25;
	v5 =	vmin.u32 v5, $0xBEF  }
0xab: {  	v7 =	vmax.u32 v7, $0x3F0;
	s24 =	sadd.s32 $0x80000000, s24;
	v5 =	vadd.s32 $0xFFFFFC10, v5;
	s25 =	spop (v2sf)  }
0xac: {  	vm0 =	vgt.f32 v4, $0.0e+00;
	p1 =	slt.s32 s24, $0x70;
	s25 =	sadd.s32 s25, s26;
	vm1 =	vge.s32 v5, v2;
	v5 =	vmin.u32 v7, $0xBEF  }
0xad: {  	vm2 =	vlt.f32 v4, $0.0e+00;
	s26 =	sadd.s32 $0xFFFFFFF0, s21;
	s24 =	simm.s32 @!p1 $0x70;
	s25 =	sadd.s32 $0x80000000, s25;
	vm0 =	vmand vm0, vm1;
	v5 =	vadd.s32 $0xFFFFFC10, v5  }
0xae: {  	v7 =	vor.u32 s26, v1;
	p1 =	slt.s32 s25, $0x70;
	vm1 =	vge.s32 v5, v3;
	[tilespmem:s24+$0x4080] =	vst.msk vm0, v4;
	v4 =	vmpcnt.ones.xlane vm0  }
0xaf: {  	s25 =	simm.s32 @!p1 $0x70;
	vm1 =	vmand vm2, vm1;
	[tilespmem:s24+$0x4100] =	vst.msk vm0, v7  }
0xb0: {  	[tilespmem:s25+$0x4180] =	vst.msk vm1, v6;
	v4 =	vxor.u32 $0x80000000, v4;
	v5 =	vmpcnt.ones.xlane vm1  }
0xb1: {  	[tilespmem:s25+$0x4200] =	vst.msk vm1, v7;
	(xrf0) =	vmax.scan.msk.u32 $0xffff, v4  }
0xb2: {  	v4 =	vxor.u32 $0x80000000, v5;
	v5 =	vld [tilespmem:s22+$0x10]  }
0xb3: {  	(xrf0) =	vmax.scan.msk.u32 $0xffff, v4;
	_ =	sdelay $0x3  }
0xb4: {  	v4 =	vand.u32 $0x7FFFFFFF, v5;
	v6 =	vshrl.u32 v5, $0x13;
	v7, _, _ =	vpop (xrf0)  }
0xb5: {  	v6 =	vmax.u32 v6, $0x3F0;
	v9 =	vshrl.u32 v4, $0x13;
	(v2sf) =	vpush v7, $0xF  }
0xb6: {  	v6 =	vmin.u32 v6, $0xBEF;
	v7 =	vmax.u32 v9, $0x3F0;
	v8, _, _ =	vpop (xrf0)  }
0xb7: {  	v6 =	vadd.s32 $0xFFFFFC10, v6;
	v7 =	vmin.u32 v7, $0xBEF;
	(v2sf) =	vpush v8, $0xF  }
0xb8: {  	vm0 =	vgt.f32 v5, $0.0e+00;
	vm1 =	vge.s32 v6, v2;
	v6 =	vadd.s32 $0xFFFFFC10, v7  }
0xb9: {  	vm2 =	vlt.f32 v5, $0.0e+00;
	vm1 =	vmand vm0, vm1;
	vm0 =	vge.s32 v6, v3  }
0xba: {  	vm0 =	vmand vm2, vm0;
	v6 =	vmpcnt.ones.xlane vm1  }
0xbb: {  	v7 =	vmpcnt.ones.xlane vm0  }
0xbc: {  	v6 =	vxor.u32 $0x80000000, v6  }
0xbd: {  	v7 =	vxor.u32 $0x80000000, v7;
	(xrf0) =	vmax.scan.msk.u32 $0xffff, v6  }
0xbe: {  	(xrf0) =	vmax.scan.msk.u32 $0xffff, v7;
	_ =	sdelay $0x4  }
0xbf: {  	v6, _, _ =	vpop (xrf0)  }
0xc0: {  	s26 =	spop (v2sf);
	(v2sf) =	vpush v6, $0xF;
	v6, _, _ =	vpop (xrf0)  }
0xc1: {  	s24 =	sadd.s32 s26, s24;
	(v2sf) =	vpush v6, $0xF  }
0xc2: {  	s24 =	sadd.s32 $0x80000000, s24;
	s26 =	spop (v2sf)  }
0xc3: {  	p1 =	slt.s32 s24, $0x70;
	s25 =	sadd.s32 s26, s25  }
0xc4: {  	s24 =	simm.s32 @!p1 $0x70;
	s26 =	sadd.s32 $0x80000000, s25  }
0xc5: {  	v6 =	vor.u32 s21, v1;
	p1 =	slt.s32 s26, $0x70;
	[tilespmem:s24+$0x4080] =	vst.msk vm1, v5  }
0xc6: {  	s26 =	simm.s32 @!p1 $0x70;
	[tilespmem:s24+$0x4100] =	vst.msk vm1, v6  }
0xc7: {  	[tilespmem:s26+$0x4180] =	vst.msk vm0, v4  }
0xc8: {  	s22 =	sadd.s32 $0x40, s22;
	[tilespmem:s26+$0x4200] =	vst.msk vm0, v6  }
0xc9: {  	v5 =	vld [tilespmem:s22+$0xFFFFFFE0];
	_ =	sdelay $0x4  }
0xca: {  	vm0 =	vlt.f32 v5, $0.0e+00;
	v6 =	vshrl.u32 v5, $0x13  }
.Ltmp0:
0xcb: {  	v4 =	vand.u32 $0x7FFFFFFF, v5;
	v6 =	vmax.u32 v6, $0x3F0;
	s25 =	spop (v2sf);
	(pc) =	sbr.rel @p0 .LBB2_3-.Ltmp0, $4  }
0xcc: {  	v7 =	vshrl.u32 v4, $0x13;
	v6 =	vmin.u32 v6, $0xBEF;
	s24 =	sadd.s32 s25, s24;
	s28 =	spop (v2sf)  }
0xcd: {  	v7 =	vmax.u32 v7, $0x3F0;
	v6 =	vadd.s32 $0xFFFFFC10, v6;
	s25 =	sadd.s32 $0x80000000, s24;
	s24 =	sadd.s32 s28, s26  }
0xce: {  	s21 =	sadd.s32 $0x40, s21;
	vm1 =	vgt.f32 v5, $0.0e+00;
	vm2 =	vge.s32 v6, v2;
	v6 =	vmin.u32 v7, $0xBEF;
	p1 =	slt.s32 s25, $0x70;
	s24 =	sadd.s32 $0x80000000, s24  }
0xcf: {  	s26 =	sadd.s32 $0xFFFFFFD0, s21;
	vm1 =	vmand vm1, vm2;
	v6 =	vadd.s32 $0xFFFFFC10, v6;
	s25 =	simm.s32 @!p1 $0x70;
	p1 =	slt.s32 s24, $0x70  }
0xd0: {  	v7 =	vor.u32 s26, v1;
	vm2 =	vge.s32 v6, v3;
	[tilespmem:s25+$0x4080] =	vst.msk vm1, v5;
	v5 =	vmpcnt.ones.xlane vm1  }
0xd1: {  	s24 =	simm.s32 @!p1 $0x70;
	vm0 =	vmand vm0, vm2;
	[tilespmem:s25+$0x4100] =	vst.msk vm1, v7  }
0xd2: {  	[tilespmem:s24+$0x4180] =	vst.msk vm0, v4;
	v4 =	vxor.u32 $0x80000000, v5;
	v5 =	vmpcnt.ones.xlane vm0  }
0xd3: {  	[tilespmem:s24+$0x4200] =	vst.msk vm0, v7;
	(xrf0) =	vmax.scan.msk.u32 $0xffff, v4  }
0xd4: {  	v4 =	vxor.u32 $0x80000000, v5;
	v5 =	vld [tilespmem:s22+$0xFFFFFFF0]  }
0xd5: {  	(xrf0) =	vmax.scan.msk.u32 $0xffff, v4;
	_ =	sdelay $0x3  }
0xd6: {  	v4 =	vshrl.u32 v5, $0x13;
	v50, _, _ =	vpop (xrf0)  }
0xd7: {  	v51 =	vand.u32 $0x7FFFFFFF, v5;
	v4 =	vmax.u32 v4, $0x3F0;
	(v2sf) =	vpush v50, $0xF  }
0xd8: {  	v52 =	vshrl.u32 v51, $0x13;
	v4 =	vmin.u32 v4, $0xBEF;
	v8, _, _ =	vpop (xrf0)  }
0xd9: {  	v6 =	vmax.u32 v52, $0x3F0;
	v4 =	vadd.s32 $0xFFFFFC10, v4;
	(v2sf) =	vpush v8, $0xF  }
0xda: {  	vm4 =	vgt.f32 v5, $0.0e+00;
	vm5 =	vge.s32 v4, v2;
	v4 =	vmin.u32 v6, $0xBEF  }
0xdb: {  	vm0 =	vmand vm4, vm5;
	v4 =	vadd.s32 $0xFFFFFC10, v4  }
0xdc: {  	vm6 =	vlt.f32 v5, $0.0e+00;
	vm7 =	vge.s32 v4, v3;
	v4 =	vmpcnt.ones.xlane vm0  }
0xdd: {  	vm1 =	vmand vm6, vm7  }
0xde: {  	v4 =	vxor.u32 $0x80000000, v4;
	v53 =	vmpcnt.ones.xlane vm1  }
0xdf: {  	(xrf0) =	vmax.scan.msk.u32 $0xffff, v4  }
0xe0: {  	v4 =	vxor.u32 $0x80000000, v53  }
0xe1: {  	(xrf0) =	vmax.scan.msk.u32 $0xffff, v4;
	_ =	sdelay $0x3  }
0xe2: {  	v4, _, _ =	vpop (xrf0)  }
0xe3: {  	s23 =	spop (v2sf);
	(v2sf) =	vpush v4, $0xF  }
0xe4: {  	s23 =	sadd.s32 s23, s25;
	v4, _, _ =	vpop (xrf0)  }
0xe5: {  	s23 =	sadd.s32 $0x80000000, s23;
	s26 =	spop (v2sf);
	(v2sf) =	vpush v4, $0xF  }
0xe6: {  	p0 =	slt.s32 s23, $0x70;
	s24 =	sadd.s32 s26, s24  }
0xe7: {  	s28 =	sadd.s32 $0xFFFFFFE0, s21;
	s23 =	simm.s32 @!p0 $0x70;
	s24 =	sadd.s32 $0x80000000, s24  }
0xe8: {  	v4 =	vor.u32 s28, v1;
	p0 =	slt.s32 s24, $0x70;
	[tilespmem:s23+$0x4080] =	vst.msk vm0, v5  }
0xe9: {  	s24 =	simm.s32 @!p0 $0x70;
	[tilespmem:s23+$0x4100] =	vst.msk vm0, v4  }
0xea: {  	[tilespmem:s24+$0x4180] =	vst.msk vm1, v51  }
0xeb: {  	[tilespmem:s24+$0x4200] =	vst.msk vm1, v4  }
0xec: {  	v4 =	vld [tilespmem:s22+$0x0];
	_ =	sdelay $0x4  }
0xed: {  	v5 =	vshrl.u32 v4, $0x13  }
0xee: {  	v54 =	vand.u32 $0x7FFFFFFF, v4;
	v5 =	vmax.u32 v5, $0x3F0;
	s29 =	spop (v2sf)  }
0xef: {  	v55 =	vshrl.u32 v54, $0x13;
	s23 =	sadd.s32 s29, s23;
	v5 =	vmin.u32 v5, $0xBEF  }
0xf0: {  	v7 =	vmax.u32 v55, $0x3F0;
	s23 =	sadd.s32 $0x80000000, s23;
	v5 =	vadd.s32 $0xFFFFFC10, v5;
	s30 =	spop (v2sf)  }
0xf1: {  	vm8 =	vgt.f32 v4, $0.0e+00;
	p0 =	slt.s32 s23, $0x70;
	s24 =	sadd.s32 s30, s24;
	vm9 =	vge.s32 v5, v2;
	v5 =	vmin.u32 v7, $0xBEF  }
0xf2: {  	s31 =	sadd.s32 $0xFFFFFFF0, s21;
	s23 =	simm.s32 @!p0 $0x70;
	s24 =	sadd.s32 $0x80000000, s24;
	vm0 =	vmand vm8, vm9;
	v5 =	vadd.s32 $0xFFFFFC10, v5  }
0xf3: {  	v56 =	vor.u32 s31, v1;
	vm10 =	vlt.f32 v4, $0.0e+00;
	p0 =	slt.s32 s24, $0x70;
	vm11 =	vge.s32 v5, v3;
	[tilespmem:s23+$0x4080] =	vst.msk vm0, v4  }
0xf4: {  	s24 =	simm.s32 @!p0 $0x70;
	vm1 =	vmand vm10, vm11;
	[tilespmem:s23+$0x4100] =	vst.msk vm0, v56  }
0xf5: {  	[tilespmem:s24+$0x4180] =	vst.msk vm1, v54  }
0xf6: {  	[tilespmem:s24+$0x4200] =	vst.msk vm1, v56  }
0xf7: {  	v4 =	vld [tilespmem:s22+$0x10];
	_ =	sdelay $0x4  }
0xf8: {  	v9 =	vmpcnt.ones.xlane vm1;
	v5 =	vshrl.u32 v4, $0x13;
	v57 =	vand.u32 $0x7FFFFFFF, v4  }
0xf9: {  	v58 =	vmpcnt.ones.xlane vm0;
	v5 =	vmax.u32 v5, $0x3F0;
	v59 =	vshrl.u32 v57, $0x13  }
0xfa: {  	v61 =	vxor.u32 $0x80000000, v9;
	v5 =	vmin.u32 v5, $0xBEF;
	v8 =	vmax.u32 v59, $0x3F0  }
0xfb: {  	vm13 =	vgt.f32 v4, $0.0e+00;
	v5 =	vadd.s32 $0xFFFFFC10, v5;
	v60 =	vmin.u32 v8, $0xBEF  }
0xfc: {  	vm12 =	vge.s32 v5, v2;
	v5 =	vxor.u32 $0x80000000, v58;
	v7 =	vadd.s32 $0xFFFFFC10, v60  }
0xfd: {  	vm14 =	vlt.f32 v4, $0.0e+00;
	(xrf0) =	vmax.scan.msk.u32 $0xffff, v5;
	vm1 =	vmand vm13, vm12;
	vm15 =	vge.s32 v7, v3  }
0xfe: {  	(xrf0) =	vmax.scan.msk.u32 $0xffff, v61;
	vm0 =	vmand vm14, vm15;
	v5 =	vmpcnt.ones.xlane vm1  }
0xff: {  	v62 =	vmpcnt.ones.xlane vm0  }
0x100: {  	v5 =	vxor.u32 $0x80000000, v5  }
0x101: {  	v7 =	vxor.u32 $0x80000000, v62;
	(xrf0) =	vmax.scan.msk.u32 $0xffff, v5  }
0x102: {  	(xrf0) =	vmax.scan.msk.u32 $0xffff, v7  }
0x103: {  	v5, _, _ =	vpop (xrf0)  }
0x104: {  	v63, _, _ =	vpop (xrf0);
	(v2sf) =	vpush v5, $0xF  }
0x105: {  	(v2sf) =	vpush v63, $0xF;
	_ =	sdelay $0x1  }
0x106: {  	v5, _, _ =	vpop (xrf0)  }
0x107: {  	(v2sf) =	vpush v5, $0xF;
	v5, _, _ =	vpop (xrf0)  }
0x108: {  	(v2sf) =	vpush v5, $0xF;
	_ =	sdelay $0x9  }
0x109: {  	s26 =	spop (v2sf)  }
0x10a: {  	s22 =	sadd.s32 s26, s23;
	s28 =	spop (v2sf)  }
0x10b: {  	s20 =	sadd.s32 $0x1, s20;
	s22 =	sadd.s32 $0x80000000, s22;
	s23 =	sadd.s32 s28, s24  }
0x10c: {  	p2 =	sne.s32 s20, $0x8;
	p0 =	slt.s32 s22, $0x70;
	s24 =	sadd.s32 $0x80000000, s23  }
0x10d: {  	s22 =	simm.s32 @!p0 $0x70;
	p0 =	slt.s32 s24, $0x70;
	s29 =	spop (v2sf)  }
.Ltmp1:
0x10e: {  	s24 =	simm.s32 @!p0 $0x70;
	s30 =	spop (v2sf);
	(pc) =	sbr.rel @p2 .LBB2_2-.Ltmp1, $4  }
0x10f: {  	v5 =	vor.u32 s21, v1;
	[tilespmem:s22+$0x4080] =	vst.msk vm1, v4;
	s31 =	sadd.s32 s29, s22;
	s25 =	sadd.s32 s30, s24  }
0x110: {  	[tilespmem:s22+$0x4100] =	vst.msk vm1, v5;
	s23 =	sadd.s32 $0x80000000, s31;
	s22 =	sadd.s32 $0x80000000, s25  }
0x111: {  	[tilespmem:s24+$0x4180] =	vst.msk vm0, v57;
	p0 =	slt.s32 s23, $0x70;
	p1 =	slt.s32 s22, $0x70  }
0x112: {  	s19 =	sadd.s32 $0x4000, s19;
	s23 =	simm.s32 @!p0 $0x70;
	[tilespmem:s24+$0x4200] =	vst.msk vm0, v5;
	s22 =	simm.s32 @!p1 $0x70  }
0x113: {  	[hbm4b:s6+s3] =	stream.linear.scatter [tilespmem:s14], [sflag:$0x1], $0x80, $0x38;
	[tilespmem:$0x4280] =	vst v63  }
0x114: {  	_ =	swait.ge [sflag:s13], $0x80  }
0x115: {  	[sflag:s13] =	ssyncset.done $0x0  }
0x116: {  	[sflag:s13] =	ssyncadd.s32 $0xFFFFFF80  }
0x117: {  	[hbm4b:s7+s3] =	stream.linear.scatter [tilespmem:s15], [sflag:$0x1], $0x80, $0x38;
	[tilespmem:$0x4280] =	vst v63  }
0x118: {  	_ =	swait.ge [sflag:s13], $0x80  }
0x119: {  	[sflag:s13] =	ssyncset.done $0x0  }
0x11a: {  	[sflag:s13] =	ssyncadd.s32 $0xFFFFFF80  }
0x11b: {  	[hbm4b:s8+s3] =	stream.linear.scatter [tilespmem:s16], [sflag:$0x1], $0x80, $0x38;
	[tilespmem:$0x4280] =	vst v63  }
0x11c: {  	s18 =	sadd.s32 $0x1, s18;
	_ =	swait.ge [sflag:s13], $0x80  }
0x11d: {  	p0 =	sne.s32 s18, s10;
	[sflag:s13] =	ssyncset.done $0x0  }
.Ltmp2:
0x11e: {  	[sflag:s13] =	ssyncadd.s32 $0xFFFFFF80;
	(pc) =	sbr.rel @p0 .LBB2_1-.Ltmp2, $4  }
0x11f: {  	[hbm4b:s9+s3] =	stream.linear.scatter [tilespmem:s17], [sflag:$0x1], $0x80, $0x38;
	[tilespmem:$0x4280] =	vst v63  }
0x120: {  	_ =	swait.ge [sflag:s13], $0x80  }
0x121: {  	[sflag:s13] =	ssyncset.done $0x0  }
0x122: {  	[sflag:s13] =	ssyncadd.s32 $0xFFFFFF80  }
0x123: {  	_ =	sfence.sel $0x180000  }
0x124: {  	[bflag:$0x0] =	sbarrier.arrive $0xFFFF  }
0x125: {  	p0 =	sne.s32 s1, $0x0;
	_ =	strace $0x9000004A  }
0x126: {  	s0 =	sadd.s32 @!p0 $0x100000, s0;
	[bflag:$0x2] =	sbarrier.arrive $0xFFFF  }
0x127: {  	[sflag:s0] =	ssyncadd.tile.s32 @!p0 $0x1;
	_ =	shalt  }
.Lfunc_end2:
_tile_overlayer_lowered:
.L_overlay_start_2:
0x128: {  	(tag) =	ssettag $0x2  }
0x129: {  	s0 =	rddreg [dreg:$0x0];
	s2 =	stileid.u32  }
0x12a: {  	s1 =	rddreg [dreg:$0x1];
	p0 =	sne.s32 s2, $0x0  }
0x12b: {  	s3 =	rddreg [dreg:$0x2];
	[bflag:$0x3] =	sbarrier.arrive $0xFFFF;
	s2 =	simm.s32 @!p0 $0x1C01  }
0x12c: {  	[timem:s3], [sflag:s2] =	dma.local @!p0 [hbm:s0], s1  }
0x12d: {  	s0 =	simm.s32 @!p0 $0x1  }
0x12e: {  	_ =	swait.ge @!p0 [sflag:s0], s1  }
0x12f: {  	s1 =	ssub.s32 @!p0 $0x0, s1;
	[sflag:s0] =	ssyncset.done @!p0 $0x0  }
0x130: {  	[sflag:s0] =	ssyncadd.s32 @!p0 s1  }
0x131: {  	[bflag:$0x3] =	sbarrier.arrive $0xFFFF  }
0x132: {  	_ =	shalt  }

</sc_bundles>
